<compile_context>
chip_gen: v7x
topology: tpu7x:2x2x1
jax: 0.10.2.dev20260603
libtpu: 0.0.44.dev20260713+nightly
codegen_flags: <defaults>
</compile_context>

<pallas_src>
import functools

import jax
import jax.numpy as jnp
from jax import lax
from jax.experimental import pallas as pl
from jax.experimental.pallas import tpu as pltpu
from jax.experimental.pallas import tpu_sc as plsc

D_MODEL = 768
NUM_EXPERTS = 8
TOP_K = 2
BLOCK = 4096
NSPLIT = 4
SUB = BLOCK // NSPLIT
N_TOK = 32768
NWORKERS = 32
CHUNK = N_TOK // NWORKERS
LANES = 16


def _logits_block(*refs):
    x_refs = refs[:NSPLIT]
    w_ref, b_ref, out_ref = refs[NSPLIT:]
    w = w_ref[...]
    parts = [
        jax.lax.dot_general(
            w, xr[...], (((1,), (1,)), ((), ())),
            preferred_element_type=jnp.float32,
        )
        for xr in x_refs
    ]
    out_ref[...] = jnp.concatenate(parts, axis=1) + b_ref[...]


def _tc_logits(x, W, b):
    n, d = x.shape
    e = W.shape[0]
    b2 = b.reshape(e, 1)
    return pl.pallas_call(
        _logits_block,
        grid=(n // BLOCK,),
        in_specs=[
            pl.BlockSpec((SUB, d), functools.partial(
                lambda j, i: (NSPLIT * i + j, 0), j))
            for j in range(NSPLIT)
        ] + [
            pl.BlockSpec((e, d), lambda i: (0, 0)),
            pl.BlockSpec((e, 1), lambda i: (0, 0)),
        ],
        out_specs=pl.BlockSpec((e, BLOCK), lambda i: (0, i)),
        out_shape=jax.ShapeDtypeStruct((e, n), jnp.float32),
        compiler_params=pltpu.CompilerParams(
            dimension_semantics=("parallel",),
        ),
    )(*([x] * NSPLIT), W, b2)


_SC_MESH = plsc.VectorSubcoreMesh(core_axis_name="c", subcore_axis_name="s")


@functools.partial(
    pl.kernel,
    mesh=_SC_MESH,
    out_type=[
        jax.ShapeDtypeStruct((NUM_EXPERTS, N_TOK), jnp.float32),
        jax.ShapeDtypeStruct((NUM_EXPERTS, N_TOK), jnp.float32),
        jax.ShapeDtypeStruct((TOP_K, N_TOK), jnp.int32),
        jax.ShapeDtypeStruct((TOP_K, N_TOK), jnp.float32),
    ],
    scratch_types=[
        pltpu.VMEM((NUM_EXPERTS, CHUNK), jnp.float32),
        pltpu.VMEM((NUM_EXPERTS, CHUNK), jnp.float32),
        pltpu.VMEM((NUM_EXPERTS, CHUNK), jnp.float32),
        pltpu.VMEM((TOP_K, CHUNK), jnp.int32),
        pltpu.VMEM((TOP_K, CHUNK), jnp.float32),
    ],
)
def _sc_route(logits_hbm, mix_hbm, probs_hbm, idx_hbm, tw_hbm,
              lg_v, mix_v, probs_v, idx_v, tw_v):
    wid = lax.axis_index("s") * 2 + lax.axis_index("c")
    base = wid * CHUNK
    for ex in range(NUM_EXPERTS):
        pltpu.sync_copy(logits_hbm.at[ex, pl.ds(base, CHUNK)], lg_v.at[ex])

    def body(i, carry):
        off = i * LANES
        l = [lg_v[ex, pl.ds(off, LANES)] for ex in range(NUM_EXPERTS)]
        m = l[0]
        for ex in range(1, NUM_EXPERTS):
            m = jnp.maximum(m, l[ex])
        e = [jnp.exp(lv - m) for lv in l]
        s = e[0]
        for ex in range(1, NUM_EXPERTS):
            s = s + e[ex]
        inv_s = 1.0 / s
        v1 = e[0]
        i1 = jnp.zeros((LANES,), jnp.int32)
        for ex in range(1, NUM_EXPERTS):
            upd = e[ex] > v1
            v1 = jnp.where(upd, e[ex], v1)
            i1 = jnp.where(upd, ex, i1)
        neg = jnp.full((LANES,), -1.0, jnp.float32)
        v2 = jnp.where(i1 == 0, neg, e[0])
        i2 = jnp.zeros((LANES,), jnp.int32)
        for ex in range(1, NUM_EXPERTS):
            cand = jnp.where(i1 == ex, neg, e[ex])
            upd = cand > v2
            v2 = jnp.where(upd, cand, v2)
            i2 = jnp.where(upd, ex, i2)
        inv12 = 1.0 / (v1 + v2)
        w1 = v1 * inv12
        w2 = v2 * inv12
        zero = jnp.zeros((LANES,), jnp.float32)
        for ex in range(NUM_EXPERTS):
            probs_v[ex, pl.ds(off, LANES)] = e[ex] * inv_s
            mix_v[ex, pl.ds(off, LANES)] = (
                jnp.where(i1 == ex, w1, zero) + jnp.where(i2 == ex, w2, zero))
        idx_v[0, pl.ds(off, LANES)] = i1
        idx_v[1, pl.ds(off, LANES)] = i2
        tw_v[0, pl.ds(off, LANES)] = w1
        tw_v[1, pl.ds(off, LANES)] = w2
        return carry

    lax.fori_loop(0, CHUNK // LANES, body, 0)

    for ex in range(NUM_EXPERTS):
        pltpu.sync_copy(mix_v.at[ex], mix_hbm.at[ex, pl.ds(base, CHUNK)])
        pltpu.sync_copy(probs_v.at[ex], probs_hbm.at[ex, pl.ds(base, CHUNK)])
    for t in range(TOP_K):
        pltpu.sync_copy(idx_v.at[t], idx_hbm.at[t, pl.ds(base, CHUNK)])
        pltpu.sync_copy(tw_v.at[t], tw_hbm.at[t, pl.ds(base, CHUNK)])


@functools.partial(jax.jit, static_argnames=())
def kernel(x, W, b):
    logits_t = _tc_logits(x, W, b)
    mix_t, probs_t, idx_t, tw_t = _sc_route(logits_t)
    return (mix_t.T, probs_t.T, idx_t.T, tw_t.T)

# --- scband reference (transcript-rebuilt; emitter-appended) ---
"""Pipeline reference for scband-top-krouter-67851893342554 (READ-ONLY COPY).

The authoritative reference and input builder live on the scoring server;
editing this copy changes nothing except your own understanding.
"""

import jax, jax.numpy as jnp
import numpy as np

D_MODEL = 768
NUM_EXPERTS = 8
TOP_K = 2
N_TOKENS = 32768


def setup_inputs(seed: int = 0) -> dict:
    key = jax.random.key(seed)
    k1, k2, k3 = jax.random.split(key, 3)
    x = jax.random.normal(k1, (N_TOKENS, D_MODEL), dtype=jnp.float32)
    # nn.Linear(d_model, num_experts): weight [E, d_model], bias [E]
    bound = 1.0 / np.sqrt(D_MODEL)
    W = jax.random.uniform(k2, (NUM_EXPERTS, D_MODEL), dtype=jnp.float32, minval=-bound, maxval=bound)
    b = jax.random.uniform(k3, (NUM_EXPERTS,), dtype=jnp.float32, minval=-bound, maxval=bound)
    return {"x": x, "W": W, "b": b}


def reference(x, W, b):
    # logits = router(x)  (eval mode: no jitter since router_jitter=0.0)
    logits = x @ W.T + b
    probs = jax.nn.softmax(logits, axis=-1)
    topk_probs, topk_indices = jax.lax.top_k(probs, TOP_K)
    topk_weights = topk_probs / (jnp.sum(topk_probs, axis=-1, keepdims=True) + 1e-9)
    N, E = probs.shape
    rows = jnp.arange(N)[:, None]
    mixing = jnp.zeros((N, E), dtype=probs.dtype).at[rows, topk_indices].set(topk_weights)
    assignment = jnp.zeros((N, E), dtype=probs.dtype).at[rows, topk_indices].set(
        jnp.ones((N, TOP_K), dtype=probs.dtype))
    frac_tokens = jnp.mean(assignment, axis=0)
    prob_mass = jnp.mean(probs, axis=0)
    aux_loss = NUM_EXPERTS * jnp.sum(frac_tokens * prob_mass)  # recorded as last_aux_loss
    del aux_loss
    return (mixing, probs, topk_indices, topk_weights)

if __name__ == "__main__":
    import jax
    _d = setup_inputs()
    print(jax.jit(kernel)(*tuple(_d.values())))

</pallas_src>

<mosaic_0001>
#map = affine_map<(d0, d1) -> (0, 0)>
module attributes {stable_mosaic.version = 14 : i64} {
  func.func @_sc_route(%arg0: i32, %arg1: i32, %arg2: memref<8x32768xf32, #tpu.memory_space<hbm>>, %arg3: memref<8x32768xf32, #tpu.memory_space<hbm>>, %arg4: memref<8x32768xf32, #tpu.memory_space<hbm>>, %arg5: memref<2x32768xi32, #tpu.memory_space<hbm>>, %arg6: memref<2x32768xf32, #tpu.memory_space<hbm>>, %arg7: memref<8x1024xf32, #tpu.memory_space<vmem>>, %arg8: memref<8x1024xf32, #tpu.memory_space<vmem>>, %arg9: memref<8x1024xf32, #tpu.memory_space<vmem>>, %arg10: memref<2x1024xi32, #tpu.memory_space<vmem>>, %arg11: memref<2x1024xf32, #tpu.memory_space<vmem>>) attributes {dimension_semantics = [#tpu.dimension_semantics<core_parallel>, #tpu.dimension_semantics<subcore_parallel>], iteration_bounds = array<i64: 2, 16>, scalar_prefetch = 0 : i64, scratch_operands = 5 : i64, tpu.core_type = #tpu.core_type<sc_vector_subcore>, window_params = [{transform_indices = #map}, {transform_indices = #map}, {transform_indices = #map}, {transform_indices = #map}, {transform_indices = #map}]} {
    %mul3A = arith.constant 2 : i32
    %mul3A_0 = arith.muli %arg1, %mul3A : i32
    %add3A = arith.addi %mul3A_0, %arg0 : i32
    %mul3A_1 = arith.constant 1024 : i32
    %mul3A_2 = arith.muli %add3A, %mul3A_1 : i32
    %run_scoped3A = arith.constant 0 : i32
    %run_scoped3A_3 = arith.constant 0 : i32
    "tpu.region"() ({
      %run_scoped3A_63 = tpu.sem_alloc : memref<!tpu.dma_semaphore, #tpu.memory_space<semaphore_mem>>
      %dma_start3A = arith.constant 0 : i32
      %dma_start3A_64 = tpu.memref_slice %arg7[%run_scoped3A_3, %dma_start3A] : memref<8x1024xf32, #tpu.memory_space<vmem>> -> memref<1x1024xf32, #tpu.memory_space<vmem>>
      %dma_start3A_65 = tpu.memref_squeeze %dma_start3A_64 : memref<1x1024xf32, #tpu.memory_space<vmem>> -> memref<1024xf32, #tpu.memory_space<vmem>>
      %dma_start3A_66 = tpu.memref_slice %arg2[%run_scoped3A, %mul3A_2] : memref<8x32768xf32, #tpu.memory_space<hbm>> -> memref<1x1024xf32, #tpu.memory_space<hbm>>
      %dma_start3A_67 = tpu.memref_squeeze %dma_start3A_66 : memref<1x1024xf32, #tpu.memory_space<hbm>> -> memref<1024xf32, #tpu.memory_space<hbm>>
      %dma_start3A_68 = arith.constant 0 : i32
      %dma_start3A_69 = tpu.memref_slice %arg7[%run_scoped3A_3, %dma_start3A_68] : memref<8x1024xf32, #tpu.memory_space<vmem>> -> memref<1x1024xf32, #tpu.memory_space<vmem>>
      %dma_start3A_70 = tpu.memref_squeeze %dma_start3A_69 : memref<1x1024xf32, #tpu.memory_space<vmem>> -> memref<1024xf32, #tpu.memory_space<vmem>>
      %dma_start3A_71 = tpu.memref_slice %arg2[%run_scoped3A, %mul3A_2] : memref<8x32768xf32, #tpu.memory_space<hbm>> -> memref<1x1024xf32, #tpu.memory_space<hbm>>
      %dma_start3A_72 = tpu.memref_squeeze %dma_start3A_71 : memref<1x1024xf32, #tpu.memory_space<hbm>> -> memref<1024xf32, #tpu.memory_space<hbm>>
      tpu.enqueue_dma source(%dma_start3A_72 : memref<1024xf32, #tpu.memory_space<hbm>>) target(%dma_start3A_70 : memref<1024xf32, #tpu.memory_space<vmem>>) target_semaphore(%run_scoped3A_63 : memref<!tpu.dma_semaphore, #tpu.memory_space<semaphore_mem>>)
      %dma_wait3A = arith.constant 0 : i32
      %dma_wait3A_73 = tpu.memref_slice %arg7[%run_scoped3A_3, %dma_wait3A] : memref<8x1024xf32, #tpu.memory_space<vmem>> -> memref<1x1024xf32, #tpu.memory_space<vmem>>
      %dma_wait3A_74 = tpu.memref_squeeze %dma_wait3A_73 : memref<1x1024xf32, #tpu.memory_space<vmem>> -> memref<1024xf32, #tpu.memory_space<vmem>>
      %dma_wait3A_75 = tpu.memref_slice %arg2[%run_scoped3A, %mul3A_2] : memref<8x32768xf32, #tpu.memory_space<hbm>> -> memref<1x1024xf32, #tpu.memory_space<hbm>>
      %dma_wait3A_76 = tpu.memref_squeeze %dma_wait3A_75 : memref<1x1024xf32, #tpu.memory_space<hbm>> -> memref<1024xf32, #tpu.memory_space<hbm>>
      %dma_wait3A_77 = arith.constant 0 : i32
      %dma_wait3A_78 = tpu.memref_slice %arg7[%run_scoped3A_3, %dma_wait3A_77] : memref<8x1024xf32, #tpu.memory_space<vmem>> -> memref<1x1024xf32, #tpu.memory_space<vmem>>
      %dma_wait3A_79 = tpu.memref_squeeze %dma_wait3A_78 : memref<1x1024xf32, #tpu.memory_space<vmem>> -> memref<1024xf32, #tpu.memory_space<vmem>>
      %dma_wait3A_80 = tpu.memref_slice %arg2[%run_scoped3A, %mul3A_2] : memref<8x32768xf32, #tpu.memory_space<hbm>> -> memref<1x1024xf32, #tpu.memory_space<hbm>>
      %dma_wait3A_81 = tpu.memref_squeeze %dma_wait3A_80 : memref<1x1024xf32, #tpu.memory_space<hbm>> -> memref<1024xf32, #tpu.memory_space<hbm>>
      tpu.wait_dma2 semaphore(%run_scoped3A_63 : memref<!tpu.dma_semaphore, #tpu.memory_space<semaphore_mem>>) src(%dma_wait3A_81 : memref<1024xf32, #tpu.memory_space<hbm>>) dst(%dma_wait3A_79 : memref<1024xf32, #tpu.memory_space<vmem>>)
      tpu.yield
    }) : () -> ()
    %run_scoped3A_4 = arith.constant 1 : i32
    %run_scoped3A_5 = arith.constant 1 : i32
    "tpu.region"() ({
      %run_scoped3A_63 = tpu.sem_alloc : memref<!tpu.dma_semaphore, #tpu.memory_space<semaphore_mem>>
      %dma_start3A = arith.constant 0 : i32
      %dma_start3A_64 = tpu.memref_slice %arg7[%run_scoped3A_5, %dma_start3A] : memref<8x1024xf32, #tpu.memory_space<vmem>> -> memref<1x1024xf32, #tpu.memory_space<vmem>>
      %dma_start3A_65 = tpu.memref_squeeze %dma_start3A_64 : memref<1x1024xf32, #tpu.memory_space<vmem>> -> memref<1024xf32, #tpu.memory_space<vmem>>
      %dma_start3A_66 = tpu.memref_slice %arg2[%run_scoped3A_4, %mul3A_2] : memref<8x32768xf32, #tpu.memory_space<hbm>> -> memref<1x1024xf32, #tpu.memory_space<hbm>>
      %dma_start3A_67 = tpu.memref_squeeze %dma_start3A_66 : memref<1x1024xf32, #tpu.memory_space<hbm>> -> memref<1024xf32, #tpu.memory_space<hbm>>
      %dma_start3A_68 = arith.constant 0 : i32
      %dma_start3A_69 = tpu.memref_slice %arg7[%run_scoped3A_5, %dma_start3A_68] : memref<8x1024xf32, #tpu.memory_space<vmem>> -> memref<1x1024xf32, #tpu.memory_space<vmem>>
      %dma_start3A_70 = tpu.memref_squeeze %dma_start3A_69 : memref<1x1024xf32, #tpu.memory_space<vmem>> -> memref<1024xf32, #tpu.memory_space<vmem>>
      %dma_start3A_71 = tpu.memref_slice %arg2[%run_scoped3A_4, %mul3A_2] : memref<8x32768xf32, #tpu.memory_space<hbm>> -> memref<1x1024xf32, #tpu.memory_space<hbm>>
      %dma_start3A_72 = tpu.memref_squeeze %dma_start3A_71 : memref<1x1024xf32, #tpu.memory_space<hbm>> -> memref<1024xf32, #tpu.memory_space<hbm>>
      tpu.enqueue_dma source(%dma_start3A_72 : memref<1024xf32, #tpu.memory_space<hbm>>) target(%dma_start3A_70 : memref<1024xf32, #tpu.memory_space<vmem>>) target_semaphore(%run_scoped3A_63 : memref<!tpu.dma_semaphore, #tpu.memory_space<semaphore_mem>>)
      %dma_wait3A = arith.constant 0 : i32
      %dma_wait3A_73 = tpu.memref_slice %arg7[%run_scoped3A_5, %dma_wait3A] : memref<8x1024xf32, #tpu.memory_space<vmem>> -> memref<1x1024xf32, #tpu.memory_space<vmem>>
      %dma_wait3A_74 = tpu.memref_squeeze %dma_wait3A_73 : memref<1x1024xf32, #tpu.memory_space<vmem>> -> memref<1024xf32, #tpu.memory_space<vmem>>
      %dma_wait3A_75 = tpu.memref_slice %arg2[%run_scoped3A_4, %mul3A_2] : memref<8x32768xf32, #tpu.memory_space<hbm>> -> memref<1x1024xf32, #tpu.memory_space<hbm>>
      %dma_wait3A_76 = tpu.memref_squeeze %dma_wait3A_75 : memref<1x1024xf32, #tpu.memory_space<hbm>> -> memref<1024xf32, #tpu.memory_space<hbm>>
      %dma_wait3A_77 = arith.constant 0 : i32
      %dma_wait3A_78 = tpu.memref_slice %arg7[%run_scoped3A_5, %dma_wait3A_77] : memref<8x1024xf32, #tpu.memory_space<vmem>> -> memref<1x1024xf32, #tpu.memory_space<vmem>>
      %dma_wait3A_79 = tpu.memref_squeeze %dma_wait3A_78 : memref<1x1024xf32, #tpu.memory_space<vmem>> -> memref<1024xf32, #tpu.memory_space<vmem>>
      %dma_wait3A_80 = tpu.memref_slice %arg2[%run_scoped3A_4, %mul3A_2] : memref<8x32768xf32, #tpu.memory_space<hbm>> -> memref<1x1024xf32, #tpu.memory_space<hbm>>
      %dma_wait3A_81 = tpu.memref_squeeze %dma_wait3A_80 : memref<1x1024xf32, #tpu.memory_space<hbm>> -> memref<1024xf32, #tpu.memory_space<hbm>>
      tpu.wait_dma2 semaphore(%run_scoped3A_63 : memref<!tpu.dma_semaphore, #tpu.memory_space<semaphore_mem>>) src(%dma_wait3A_81 : memref<1024xf32, #tpu.memory_space<hbm>>) dst(%dma_wait3A_79 : memref<1024xf32, #tpu.memory_space<vmem>>)
      tpu.yield
    }) : () -> ()
    %run_scoped3A_6 = arith.constant 2 : i32
    %run_scoped3A_7 = arith.constant 2 : i32
    "tpu.region"() ({
      %run_scoped3A_63 = tpu.sem_alloc : memref<!tpu.dma_semaphore, #tpu.memory_space<semaphore_mem>>
      %dma_start3A = arith.constant 0 : i32
      %dma_start3A_64 = tpu.memref_slice %arg7[%run_scoped3A_7, %dma_start3A] : memref<8x1024xf32, #tpu.memory_space<vmem>> -> memref<1x1024xf32, #tpu.memory_space<vmem>>
      %dma_start3A_65 = tpu.memref_squeeze %dma_start3A_64 : memref<1x1024xf32, #tpu.memory_space<vmem>> -> memref<1024xf32, #tpu.memory_space<vmem>>
      %dma_start3A_66 = tpu.memref_slice %arg2[%run_scoped3A_6, %mul3A_2] : memref<8x32768xf32, #tpu.memory_space<hbm>> -> memref<1x1024xf32, #tpu.memory_space<hbm>>
      %dma_start3A_67 = tpu.memref_squeeze %dma_start3A_66 : memref<1x1024xf32, #tpu.memory_space<hbm>> -> memref<1024xf32, #tpu.memory_space<hbm>>
      %dma_start3A_68 = arith.constant 0 : i32
      %dma_start3A_69 = tpu.memref_slice %arg7[%run_scoped3A_7, %dma_start3A_68] : memref<8x1024xf32, #tpu.memory_space<vmem>> -> memref<1x1024xf32, #tpu.memory_space<vmem>>
      %dma_start3A_70 = tpu.memref_squeeze %dma_start3A_69 : memref<1x1024xf32, #tpu.memory_space<vmem>> -> memref<1024xf32, #tpu.memory_space<vmem>>
      %dma_start3A_71 = tpu.memref_slice %arg2[%run_scoped3A_6, %mul3A_2] : memref<8x32768xf32, #tpu.memory_space<hbm>> -> memref<1x1024xf32, #tpu.memory_space<hbm>>
      %dma_start3A_72 = tpu.memref_squeeze %dma_start3A_71 : memref<1x1024xf32, #tpu.memory_space<hbm>> -> memref<1024xf32, #tpu.memory_space<hbm>>
      tpu.enqueue_dma source(%dma_start3A_72 : memref<1024xf32, #tpu.memory_space<hbm>>) target(%dma_start3A_70 : memref<1024xf32, #tpu.memory_space<vmem>>) target_semaphore(%run_scoped3A_63 : memref<!tpu.dma_semaphore, #tpu.memory_space<semaphore_mem>>)
      %dma_wait3A = arith.constant 0 : i32
      %dma_wait3A_73 = tpu.memref_slice %arg7[%run_scoped3A_7, %dma_wait3A] : memref<8x1024xf32, #tpu.memory_space<vmem>> -> memref<1x1024xf32, #tpu.memory_space<vmem>>
      %dma_wait3A_74 = tpu.memref_squeeze %dma_wait3A_73 : memref<1x1024xf32, #tpu.memory_space<vmem>> -> memref<1024xf32, #tpu.memory_space<vmem>>
      %dma_wait3A_75 = tpu.memref_slice %arg2[%run_scoped3A_6, %mul3A_2] : memref<8x32768xf32, #tpu.memory_space<hbm>> -> memref<1x1024xf32, #tpu.memory_space<hbm>>
      %dma_wait3A_76 = tpu.memref_squeeze %dma_wait3A_75 : memref<1x1024xf32, #tpu.memory_space<hbm>> -> memref<1024xf32, #tpu.memory_space<hbm>>
      %dma_wait3A_77 = arith.constant 0 : i32
      %dma_wait3A_78 = tpu.memref_slice %arg7[%run_scoped3A_7, %dma_wait3A_77] : memref<8x1024xf32, #tpu.memory_space<vmem>> -> memref<1x1024xf32, #tpu.memory_space<vmem>>
      %dma_wait3A_79 = tpu.memref_squeeze %dma_wait3A_78 : memref<1x1024xf32, #tpu.memory_space<vmem>> -> memref<1024xf32, #tpu.memory_space<vmem>>
      %dma_wait3A_80 = tpu.memref_slice %arg2[%run_scoped3A_6, %mul3A_2] : memref<8x32768xf32, #tpu.memory_space<hbm>> -> memref<1x1024xf32, #tpu.memory_space<hbm>>
      %dma_wait3A_81 = tpu.memref_squeeze %dma_wait3A_80 : memref<1x1024xf32, #tpu.memory_space<hbm>> -> memref<1024xf32, #tpu.memory_space<hbm>>
      tpu.wait_dma2 semaphore(%run_scoped3A_63 : memref<!tpu.dma_semaphore, #tpu.memory_space<semaphore_mem>>) src(%dma_wait3A_81 : memref<1024xf32, #tpu.memory_space<hbm>>) dst(%dma_wait3A_79 : memref<1024xf32, #tpu.memory_space<vmem>>)
      tpu.yield
    }) : () -> ()
    %run_scoped3A_8 = arith.constant 3 : i32
    %run_scoped3A_9 = arith.constant 3 : i32
    "tpu.region"() ({
      %run_scoped3A_63 = tpu.sem_alloc : memref<!tpu.dma_semaphore, #tpu.memory_space<semaphore_mem>>
      %dma_start3A = arith.constant 0 : i32
      %dma_start3A_64 = tpu.memref_slice %arg7[%run_scoped3A_9, %dma_start3A] : memref<8x1024xf32, #tpu.memory_space<vmem>> -> memref<1x1024xf32, #tpu.memory_space<vmem>>
      %dma_start3A_65 = tpu.memref_squeeze %dma_start3A_64 : memref<1x1024xf32, #tpu.memory_space<vmem>> -> memref<1024xf32, #tpu.memory_space<vmem>>
      %dma_start3A_66 = tpu.memref_slice %arg2[%run_scoped3A_8, %mul3A_2] : memref<8x32768xf32, #tpu.memory_space<hbm>> -> memref<1x1024xf32, #tpu.memory_space<hbm>>
      %dma_start3A_67 = tpu.memref_squeeze %dma_start3A_66 : memref<1x1024xf32, #tpu.memory_space<hbm>> -> memref<1024xf32, #tpu.memory_space<hbm>>
      %dma_start3A_68 = arith.constant 0 : i32
      %dma_start3A_69 = tpu.memref_slice %arg7[%run_scoped3A_9, %dma_start3A_68] : memref<8x1024xf32, #tpu.memory_space<vmem>> -> memref<1x1024xf32, #tpu.memory_space<vmem>>
      %dma_start3A_70 = tpu.memref_squeeze %dma_start3A_69 : memref<1x1024xf32, #tpu.memory_space<vmem>> -> memref<1024xf32, #tpu.memory_space<vmem>>
      %dma_start3A_71 = tpu.memref_slice %arg2[%run_scoped3A_8, %mul3A_2] : memref<8x32768xf32, #tpu.memory_space<hbm>> -> memref<1x1024xf32, #tpu.memory_space<hbm>>
      %dma_start3A_72 = tpu.memref_squeeze %dma_start3A_71 : memref<1x1024xf32, #tpu.memory_space<hbm>> -> memref<1024xf32, #tpu.memory_space<hbm>>
      tpu.enqueue_dma source(%dma_start3A_72 : memref<1024xf32, #tpu.memory_space<hbm>>) target(%dma_start3A_70 : memref<1024xf32, #tpu.memory_space<vmem>>) target_semaphore(%run_scoped3A_63 : memref<!tpu.dma_semaphore, #tpu.memory_space<semaphore_mem>>)
      %dma_wait3A = arith.constant 0 : i32
      %dma_wait3A_73 = tpu.memref_slice %arg7[%run_scoped3A_9, %dma_wait3A] : memref<8x1024xf32, #tpu.memory_space<vmem>> -> memref<1x1024xf32, #tpu.memory_space<vmem>>
      %dma_wait3A_74 = tpu.memref_squeeze %dma_wait3A_73 : memref<1x1024xf32, #tpu.memory_space<vmem>> -> memref<1024xf32, #tpu.memory_space<vmem>>
      %dma_wait3A_75 = tpu.memref_slice %arg2[%run_scoped3A_8, %mul3A_2] : memref<8x32768xf32, #tpu.memory_space<hbm>> -> memref<1x1024xf32, #tpu.memory_space<hbm>>
      %dma_wait3A_76 = tpu.memref_squeeze %dma_wait3A_75 : memref<1x1024xf32, #tpu.memory_space<hbm>> -> memref<1024xf32, #tpu.memory_space<hbm>>
      %dma_wait3A_77 = arith.constant 0 : i32
      %dma_wait3A_78 = tpu.memref_slice %arg7[%run_scoped3A_9, %dma_wait3A_77] : memref<8x1024xf32, #tpu.memory_space<vmem>> -> memref<1x1024xf32, #tpu.memory_space<vmem>>
      %dma_wait3A_79 = tpu.memref_squeeze %dma_wait3A_78 : memref<1x1024xf32, #tpu.memory_space<vmem>> -> memref<1024xf32, #tpu.memory_space<vmem>>
      %dma_wait3A_80 = tpu.memref_slice %arg2[%run_scoped3A_8, %mul3A_2] : memref<8x32768xf32, #tpu.memory_space<hbm>> -> memref<1x1024xf32, #tpu.memory_space<hbm>>
      %dma_wait3A_81 = tpu.memref_squeeze %dma_wait3A_80 : memref<1x1024xf32, #tpu.memory_space<hbm>> -> memref<1024xf32, #tpu.memory_space<hbm>>
      tpu.wait_dma2 semaphore(%run_scoped3A_63 : memref<!tpu.dma_semaphore, #tpu.memory_space<semaphore_mem>>) src(%dma_wait3A_81 : memref<1024xf32, #tpu.memory_space<hbm>>) dst(%dma_wait3A_79 : memref<1024xf32, #tpu.memory_space<vmem>>)
      tpu.yield
    }) : () -> ()
    %run_scoped3A_10 = arith.constant 4 : i32
    %run_scoped3A_11 = arith.constant 4 : i32
    "tpu.region"() ({
      %run_scoped3A_63 = tpu.sem_alloc : memref<!tpu.dma_semaphore, #tpu.memory_space<semaphore_mem>>
      %dma_start3A = arith.constant 0 : i32
      %dma_start3A_64 = tpu.memref_slice %arg7[%run_scoped3A_11, %dma_start3A] : memref<8x1024xf32, #tpu.memory_space<vmem>> -> memref<1x1024xf32, #tpu.memory_space<vmem>>
      %dma_start3A_65 = tpu.memref_squeeze %dma_start3A_64 : memref<1x1024xf32, #tpu.memory_space<vmem>> -> memref<1024xf32, #tpu.memory_space<vmem>>
      %dma_start3A_66 = tpu.memref_slice %arg2[%run_scoped3A_10, %mul3A_2] : memref<8x32768xf32, #tpu.memory_space<hbm>> -> memref<1x1024xf32, #tpu.memory_space<hbm>>
      %dma_start3A_67 = tpu.memref_squeeze %dma_start3A_66 : memref<1x1024xf32, #tpu.memory_space<hbm>> -> memref<1024xf32, #tpu.memory_space<hbm>>
      %dma_start3A_68 = arith.constant 0 : i32
      %dma_start3A_69 = tpu.memref_slice %arg7[%run_scoped3A_11, %dma_start3A_68] : memref<8x1024xf32, #tpu.memory_space<vmem>> -> memref<1x1024xf32, #tpu.memory_space<vmem>>
      %dma_start3A_70 = tpu.memref_squeeze %dma_start3A_69 : memref<1x1024xf32, #tpu.memory_space<vmem>> -> memref<1024xf32, #tpu.memory_space<vmem>>
      %dma_start3A_71 = tpu.memref_slice %arg2[%run_scoped3A_10, %mul3A_2] : memref<8x32768xf32, #tpu.memory_space<hbm>> -> memref<1x1024xf32, #tpu.memory_space<hbm>>
      %dma_start3A_72 = tpu.memref_squeeze %dma_start3A_71 : memref<1x1024xf32, #tpu.memory_space<hbm>> -> memref<1024xf32, #tpu.memory_space<hbm>>
      tpu.enqueue_dma source(%dma_start3A_72 : memref<1024xf32, #tpu.memory_space<hbm>>) target(%dma_start3A_70 : memref<1024xf32, #tpu.memory_space<vmem>>) target_semaphore(%run_scoped3A_63 : memref<!tpu.dma_semaphore, #tpu.memory_space<semaphore_mem>>)
      %dma_wait3A = arith.constant 0 : i32
      %dma_wait3A_73 = tpu.memref_slice %arg7[%run_scoped3A_11, %dma_wait3A] : memref<8x1024xf32, #tpu.memory_space<vmem>> -> memref<1x1024xf32, #tpu.memory_space<vmem>>
      %dma_wait3A_74 = tpu.memref_squeeze %dma_wait3A_73 : memref<1x1024xf32, #tpu.memory_space<vmem>> -> memref<1024xf32, #tpu.memory_space<vmem>>
      %dma_wait3A_75 = tpu.memref_slice %arg2[%run_scoped3A_10, %mul3A_2] : memref<8x32768xf32, #tpu.memory_space<hbm>> -> memref<1x1024xf32, #tpu.memory_space<hbm>>
      %dma_wait3A_76 = tpu.memref_squeeze %dma_wait3A_75 : memref<1x1024xf32, #tpu.memory_space<hbm>> -> memref<1024xf32, #tpu.memory_space<hbm>>
      %dma_wait3A_77 = arith.constant 0 : i32
      %dma_wait3A_78 = tpu.memref_slice %arg7[%run_scoped3A_11, %dma_wait3A_77] : memref<8x1024xf32, #tpu.memory_space<vmem>> -> memref<1x1024xf32, #tpu.memory_space<vmem>>
      %dma_wait3A_79 = tpu.memref_squeeze %dma_wait3A_78 : memref<1x1024xf32, #tpu.memory_space<vmem>> -> memref<1024xf32, #tpu.memory_space<vmem>>
      %dma_wait3A_80 = tpu.memref_slice %arg2[%run_scoped3A_10, %mul3A_2] : memref<8x32768xf32, #tpu.memory_space<hbm>> -> memref<1x1024xf32, #tpu.memory_space<hbm>>
      %dma_wait3A_81 = tpu.memref_squeeze %dma_wait3A_80 : memref<1x1024xf32, #tpu.memory_space<hbm>> -> memref<1024xf32, #tpu.memory_space<hbm>>
      tpu.wait_dma2 semaphore(%run_scoped3A_63 : memref<!tpu.dma_semaphore, #tpu.memory_space<semaphore_mem>>) src(%dma_wait3A_81 : memref<1024xf32, #tpu.memory_space<hbm>>) dst(%dma_wait3A_79 : memref<1024xf32, #tpu.memory_space<vmem>>)
      tpu.yield
    }) : () -> ()
    %run_scoped3A_12 = arith.constant 5 : i32
    %run_scoped3A_13 = arith.constant 5 : i32
    "tpu.region"() ({
      %run_scoped3A_63 = tpu.sem_alloc : memref<!tpu.dma_semaphore, #tpu.memory_space<semaphore_mem>>
      %dma_start3A = arith.constant 0 : i32
      %dma_start3A_64 = tpu.memref_slice %arg7[%run_scoped3A_13, %dma_start3A] : memref<8x1024xf32, #tpu.memory_space<vmem>> -> memref<1x1024xf32, #tpu.memory_space<vmem>>
      %dma_start3A_65 = tpu.memref_squeeze %dma_start3A_64 : memref<1x1024xf32, #tpu.memory_space<vmem>> -> memref<1024xf32, #tpu.memory_space<vmem>>
      %dma_start3A_66 = tpu.memref_slice %arg2[%run_scoped3A_12, %mul3A_2] : memref<8x32768xf32, #tpu.memory_space<hbm>> -> memref<1x1024xf32, #tpu.memory_space<hbm>>
      %dma_start3A_67 = tpu.memref_squeeze %dma_start3A_66 : memref<1x1024xf32, #tpu.memory_space<hbm>> -> memref<1024xf32, #tpu.memory_space<hbm>>
      %dma_start3A_68 = arith.constant 0 : i32
      %dma_start3A_69 = tpu.memref_slice %arg7[%run_scoped3A_13, %dma_start3A_68] : memref<8x1024xf32, #tpu.memory_space<vmem>> -> memref<1x1024xf32, #tpu.memory_space<vmem>>
      %dma_start3A_70 = tpu.memref_squeeze %dma_start3A_69 : memref<1x1024xf32, #tpu.memory_space<vmem>> -> memref<1024xf32, #tpu.memory_space<vmem>>
      %dma_start3A_71 = tpu.memref_slice %arg2[%run_scoped3A_12, %mul3A_2] : memref<8x32768xf32, #tpu.memory_space<hbm>> -> memref<1x1024xf32, #tpu.memory_space<hbm>>
      %dma_start3A_72 = tpu.memref_squeeze %dma_start3A_71 : memref<1x1024xf32, #tpu.memory_space<hbm>> -> memref<1024xf32, #tpu.memory_space<hbm>>
      tpu.enqueue_dma source(%dma_start3A_72 : memref<1024xf32, #tpu.memory_space<hbm>>) target(%dma_start3A_70 : memref<1024xf32, #tpu.memory_space<vmem>>) target_semaphore(%run_scoped3A_63 : memref<!tpu.dma_semaphore, #tpu.memory_space<semaphore_mem>>)
      %dma_wait3A = arith.constant 0 : i32
      %dma_wait3A_73 = tpu.memref_slice %arg7[%run_scoped3A_13, %dma_wait3A] : memref<8x1024xf32, #tpu.memory_space<vmem>> -> memref<1x1024xf32, #tpu.memory_space<vmem>>
      %dma_wait3A_74 = tpu.memref_squeeze %dma_wait3A_73 : memref<1x1024xf32, #tpu.memory_space<vmem>> -> memref<1024xf32, #tpu.memory_space<vmem>>
      %dma_wait3A_75 = tpu.memref_slice %arg2[%run_scoped3A_12, %mul3A_2] : memref<8x32768xf32, #tpu.memory_space<hbm>> -> memref<1x1024xf32, #tpu.memory_space<hbm>>
      %dma_wait3A_76 = tpu.memref_squeeze %dma_wait3A_75 : memref<1x1024xf32, #tpu.memory_space<hbm>> -> memref<1024xf32, #tpu.memory_space<hbm>>
      %dma_wait3A_77 = arith.constant 0 : i32
      %dma_wait3A_78 = tpu.memref_slice %arg7[%run_scoped3A_13, %dma_wait3A_77] : memref<8x1024xf32, #tpu.memory_space<vmem>> -> memref<1x1024xf32, #tpu.memory_space<vmem>>
      %dma_wait3A_79 = tpu.memref_squeeze %dma_wait3A_78 : memref<1x1024xf32, #tpu.memory_space<vmem>> -> memref<1024xf32, #tpu.memory_space<vmem>>
      %dma_wait3A_80 = tpu.memref_slice %arg2[%run_scoped3A_12, %mul3A_2] : memref<8x32768xf32, #tpu.memory_space<hbm>> -> memref<1x1024xf32, #tpu.memory_space<hbm>>
      %dma_wait3A_81 = tpu.memref_squeeze %dma_wait3A_80 : memref<1x1024xf32, #tpu.memory_space<hbm>> -> memref<1024xf32, #tpu.memory_space<hbm>>
      tpu.wait_dma2 semaphore(%run_scoped3A_63 : memref<!tpu.dma_semaphore, #tpu.memory_space<semaphore_mem>>) src(%dma_wait3A_81 : memref<1024xf32, #tpu.memory_space<hbm>>) dst(%dma_wait3A_79 : memref<1024xf32, #tpu.memory_space<vmem>>)
      tpu.yield
    }) : () -> ()
    %run_scoped3A_14 = arith.constant 6 : i32
    %run_scoped3A_15 = arith.constant 6 : i32
    "tpu.region"() ({
      %run_scoped3A_63 = tpu.sem_alloc : memref<!tpu.dma_semaphore, #tpu.memory_space<semaphore_mem>>
      %dma_start3A = arith.constant 0 : i32
      %dma_start3A_64 = tpu.memref_slice %arg7[%run_scoped3A_15, %dma_start3A] : memref<8x1024xf32, #tpu.memory_space<vmem>> -> memref<1x1024xf32, #tpu.memory_space<vmem>>
      %dma_start3A_65 = tpu.memref_squeeze %dma_start3A_64 : memref<1x1024xf32, #tpu.memory_space<vmem>> -> memref<1024xf32, #tpu.memory_space<vmem>>
      %dma_start3A_66 = tpu.memref_slice %arg2[%run_scoped3A_14, %mul3A_2] : memref<8x32768xf32, #tpu.memory_space<hbm>> -> memref<1x1024xf32, #tpu.memory_space<hbm>>
      %dma_start3A_67 = tpu.memref_squeeze %dma_start3A_66 : memref<1x1024xf32, #tpu.memory_space<hbm>> -> memref<1024xf32, #tpu.memory_space<hbm>>
      %dma_start3A_68 = arith.constant 0 : i32
      %dma_start3A_69 = tpu.memref_slice %arg7[%run_scoped3A_15, %dma_start3A_68] : memref<8x1024xf32, #tpu.memory_space<vmem>> -> memref<1x1024xf32, #tpu.memory_space<vmem>>
      %dma_start3A_70 = tpu.memref_squeeze %dma_start3A_69 : memref<1x1024xf32, #tpu.memory_space<vmem>> -> memref<1024xf32, #tpu.memory_space<vmem>>
      %dma_start3A_71 = tpu.memref_slice %arg2[%run_scoped3A_14, %mul3A_2] : memref<8x32768xf32, #tpu.memory_space<hbm>> -> memref<1x1024xf32, #tpu.memory_space<hbm>>
      %dma_start3A_72 = tpu.memref_squeeze %dma_start3A_71 : memref<1x1024xf32, #tpu.memory_space<hbm>> -> memref<1024xf32, #tpu.memory_space<hbm>>
      tpu.enqueue_dma source(%dma_start3A_72 : memref<1024xf32, #tpu.memory_space<hbm>>) target(%dma_start3A_70 : memref<1024xf32, #tpu.memory_space<vmem>>) target_semaphore(%run_scoped3A_63 : memref<!tpu.dma_semaphore, #tpu.memory_space<semaphore_mem>>)
      %dma_wait3A = arith.constant 0 : i32
      %dma_wait3A_73 = tpu.memref_slice %arg7[%run_scoped3A_15, %dma_wait3A] : memref<8x1024xf32, #tpu.memory_space<vmem>> -> memref<1x1024xf32, #tpu.memory_space<vmem>>
      %dma_wait3A_74 = tpu.memref_squeeze %dma_wait3A_73 : memref<1x1024xf32, #tpu.memory_space<vmem>> -> memref<1024xf32, #tpu.memory_space<vmem>>
      %dma_wait3A_75 = tpu.memref_slice %arg2[%run_scoped3A_14, %mul3A_2] : memref<8x32768xf32, #tpu.memory_space<hbm>> -> memref<1x1024xf32, #tpu.memory_space<hbm>>
      %dma_wait3A_76 = tpu.memref_squeeze %dma_wait3A_75 : memref<1x1024xf32, #tpu.memory_space<hbm>> -> memref<1024xf32, #tpu.memory_space<hbm>>
      %dma_wait3A_77 = arith.constant 0 : i32
      %dma_wait3A_78 = tpu.memref_slice %arg7[%run_scoped3A_15, %dma_wait3A_77] : memref<8x1024xf32, #tpu.memory_space<vmem>> -> memref<1x1024xf32, #tpu.memory_space<vmem>>
      %dma_wait3A_79 = tpu.memref_squeeze %dma_wait3A_78 : memref<1x1024xf32, #tpu.memory_space<vmem>> -> memref<1024xf32, #tpu.memory_space<vmem>>
      %dma_wait3A_80 = tpu.memref_slice %arg2[%run_scoped3A_14, %mul3A_2] : memref<8x32768xf32, #tpu.memory_space<hbm>> -> memref<1x1024xf32, #tpu.memory_space<hbm>>
      %dma_wait3A_81 = tpu.memref_squeeze %dma_wait3A_80 : memref<1x1024xf32, #tpu.memory_space<hbm>> -> memref<1024xf32, #tpu.memory_space<hbm>>
      tpu.wait_dma2 semaphore(%run_scoped3A_63 : memref<!tpu.dma_semaphore, #tpu.memory_space<semaphore_mem>>) src(%dma_wait3A_81 : memref<1024xf32, #tpu.memory_space<hbm>>) dst(%dma_wait3A_79 : memref<1024xf32, #tpu.memory_space<vmem>>)
      tpu.yield
    }) : () -> ()
    %run_scoped3A_16 = arith.constant 7 : i32
    %run_scoped3A_17 = arith.constant 7 : i32
    "tpu.region"() ({
      %run_scoped3A_63 = tpu.sem_alloc : memref<!tpu.dma_semaphore, #tpu.memory_space<semaphore_mem>>
      %dma_start3A = arith.constant 0 : i32
      %dma_start3A_64 = tpu.memref_slice %arg7[%run_scoped3A_17, %dma_start3A] : memref<8x1024xf32, #tpu.memory_space<vmem>> -> memref<1x1024xf32, #tpu.memory_space<vmem>>
      %dma_start3A_65 = tpu.memref_squeeze %dma_start3A_64 : memref<1x1024xf32, #tpu.memory_space<vmem>> -> memref<1024xf32, #tpu.memory_space<vmem>>
      %dma_start3A_66 = tpu.memref_slice %arg2[%run_scoped3A_16, %mul3A_2] : memref<8x32768xf32, #tpu.memory_space<hbm>> -> memref<1x1024xf32, #tpu.memory_space<hbm>>
      %dma_start3A_67 = tpu.memref_squeeze %dma_start3A_66 : memref<1x1024xf32, #tpu.memory_space<hbm>> -> memref<1024xf32, #tpu.memory_space<hbm>>
      %dma_start3A_68 = arith.constant 0 : i32
      %dma_start3A_69 = tpu.memref_slice %arg7[%run_scoped3A_17, %dma_start3A_68] : memref<8x1024xf32, #tpu.memory_space<vmem>> -> memref<1x1024xf32, #tpu.memory_space<vmem>>
      %dma_start3A_70 = tpu.memref_squeeze %dma_start3A_69 : memref<1x1024xf32, #tpu.memory_space<vmem>> -> memref<1024xf32, #tpu.memory_space<vmem>>
      %dma_start3A_71 = tpu.memref_slice %arg2[%run_scoped3A_16, %mul3A_2] : memref<8x32768xf32, #tpu.memory_space<hbm>> -> memref<1x1024xf32, #tpu.memory_space<hbm>>
      %dma_start3A_72 = tpu.memref_squeeze %dma_start3A_71 : memref<1x1024xf32, #tpu.memory_space<hbm>> -> memref<1024xf32, #tpu.memory_space<hbm>>
      tpu.enqueue_dma source(%dma_start3A_72 : memref<1024xf32, #tpu.memory_space<hbm>>) target(%dma_start3A_70 : memref<1024xf32, #tpu.memory_space<vmem>>) target_semaphore(%run_scoped3A_63 : memref<!tpu.dma_semaphore, #tpu.memory_space<semaphore_mem>>)
      %dma_wait3A = arith.constant 0 : i32
      %dma_wait3A_73 = tpu.memref_slice %arg7[%run_scoped3A_17, %dma_wait3A] : memref<8x1024xf32, #tpu.memory_space<vmem>> -> memref<1x1024xf32, #tpu.memory_space<vmem>>
      %dma_wait3A_74 = tpu.memref_squeeze %dma_wait3A_73 : memref<1x1024xf32, #tpu.memory_space<vmem>> -> memref<1024xf32, #tpu.memory_space<vmem>>
      %dma_wait3A_75 = tpu.memref_slice %arg2[%run_scoped3A_16, %mul3A_2] : memref<8x32768xf32, #tpu.memory_space<hbm>> -> memref<1x1024xf32, #tpu.memory_space<hbm>>
      %dma_wait3A_76 = tpu.memref_squeeze %dma_wait3A_75 : memref<1x1024xf32, #tpu.memory_space<hbm>> -> memref<1024xf32, #tpu.memory_space<hbm>>
      %dma_wait3A_77 = arith.constant 0 : i32
      %dma_wait3A_78 = tpu.memref_slice %arg7[%run_scoped3A_17, %dma_wait3A_77] : memref<8x1024xf32, #tpu.memory_space<vmem>> -> memref<1x1024xf32, #tpu.memory_space<vmem>>
      %dma_wait3A_79 = tpu.memref_squeeze %dma_wait3A_78 : memref<1x1024xf32, #tpu.memory_space<vmem>> -> memref<1024xf32, #tpu.memory_space<vmem>>
      %dma_wait3A_80 = tpu.memref_slice %arg2[%run_scoped3A_16, %mul3A_2] : memref<8x32768xf32, #tpu.memory_space<hbm>> -> memref<1x1024xf32, #tpu.memory_space<hbm>>
      %dma_wait3A_81 = tpu.memref_squeeze %dma_wait3A_80 : memref<1x1024xf32, #tpu.memory_space<hbm>> -> memref<1024xf32, #tpu.memory_space<hbm>>
      tpu.wait_dma2 semaphore(%run_scoped3A_63 : memref<!tpu.dma_semaphore, #tpu.memory_space<semaphore_mem>>) src(%dma_wait3A_81 : memref<1024xf32, #tpu.memory_space<hbm>>) dst(%dma_wait3A_79 : memref<1024xf32, #tpu.memory_space<vmem>>)
      tpu.yield
    }) : () -> ()
    %scan3A = arith.constant 0 : i32
    %scan3A_18 = arith.constant 0 : i32
    %scan3A_19 = arith.constant 64 : i32
    %scan3A_20 = arith.addi %scan3A_18, %scan3A_19 : i32
    %scan3A_21 = arith.constant 1 : i32
    scf.for %scan3A_63 = %scan3A_18 to %scan3A_20 step %scan3A_21  : i32 {
      %mul3A_64 = arith.constant 16 : i32
      %mul3A_65 = arith.muli %scan3A_63, %mul3A_64 : i32
      %get3A = arith.constant 0 : i32
      %get3A_66 = arith.index_cast %get3A : i32 to index
      %get3A_67 = arith.index_cast %mul3A_65 : i32 to index
      %get3A_68 = tpu.vector_load %arg7[%get3A_66, %get3A_67] {strides = array<i32>} : memref<8x1024xf32, #tpu.memory_space<vmem>>, vector<1x16xf32>,
      %get3A_69 = vector.shape_cast %get3A_68 : vector<1x16xf32> to vector<16xf32>
      %get3A_70 = arith.constant 1 : i32
      %get3A_71 = arith.index_cast %get3A_70 : i32 to index
      %get3A_72 = arith.index_cast %mul3A_65 : i32 to index
      %get3A_73 = tpu.vector_load %arg7[%get3A_71, %get3A_72] {strides = array<i32>} : memref<8x1024xf32, #tpu.memory_space<vmem>>, vector<1x16xf32>,
      %get3A_74 = vector.shape_cast %get3A_73 : vector<1x16xf32> to vector<16xf32>
      %get3A_75 = arith.constant 2 : i32
      %get3A_76 = arith.index_cast %get3A_75 : i32 to index
      %get3A_77 = arith.index_cast %mul3A_65 : i32 to index
      %get3A_78 = tpu.vector_load %arg7[%get3A_76, %get3A_77] {strides = array<i32>} : memref<8x1024xf32, #tpu.memory_space<vmem>>, vector<1x16xf32>,
      %get3A_79 = vector.shape_cast %get3A_78 : vector<1x16xf32> to vector<16xf32>
      %get3A_80 = arith.constant 3 : i32
      %get3A_81 = arith.index_cast %get3A_80 : i32 to index
      %get3A_82 = arith.index_cast %mul3A_65 : i32 to index
      %get3A_83 = tpu.vector_load %arg7[%get3A_81, %get3A_82] {strides = array<i32>} : memref<8x1024xf32, #tpu.memory_space<vmem>>, vector<1x16xf32>,
      %get3A_84 = vector.shape_cast %get3A_83 : vector<1x16xf32> to vector<16xf32>
      %get3A_85 = arith.constant 4 : i32
      %get3A_86 = arith.index_cast %get3A_85 : i32 to index
      %get3A_87 = arith.index_cast %mul3A_65 : i32 to index
      %get3A_88 = tpu.vector_load %arg7[%get3A_86, %get3A_87] {strides = array<i32>} : memref<8x1024xf32, #tpu.memory_space<vmem>>, vector<1x16xf32>,
      %get3A_89 = vector.shape_cast %get3A_88 : vector<1x16xf32> to vector<16xf32>
      %get3A_90 = arith.constant 5 : i32
      %get3A_91 = arith.index_cast %get3A_90 : i32 to index
      %get3A_92 = arith.index_cast %mul3A_65 : i32 to index
      %get3A_93 = tpu.vector_load %arg7[%get3A_91, %get3A_92] {strides = array<i32>} : memref<8x1024xf32, #tpu.memory_space<vmem>>, vector<1x16xf32>,
      %get3A_94 = vector.shape_cast %get3A_93 : vector<1x16xf32> to vector<16xf32>
      %get3A_95 = arith.constant 6 : i32
      %get3A_96 = arith.index_cast %get3A_95 : i32 to index
      %get3A_97 = arith.index_cast %mul3A_65 : i32 to index
      %get3A_98 = tpu.vector_load %arg7[%get3A_96, %get3A_97] {strides = array<i32>} : memref<8x1024xf32, #tpu.memory_space<vmem>>, vector<1x16xf32>,
      %get3A_99 = vector.shape_cast %get3A_98 : vector<1x16xf32> to vector<16xf32>
      %get3A_100 = arith.constant 7 : i32
      %get3A_101 = arith.index_cast %get3A_100 : i32 to index
      %get3A_102 = arith.index_cast %mul3A_65 : i32 to index
      %get3A_103 = tpu.vector_load %arg7[%get3A_101, %get3A_102] {strides = array<i32>} : memref<8x1024xf32, #tpu.memory_space<vmem>>, vector<1x16xf32>,
      %get3A_104 = vector.shape_cast %get3A_103 : vector<1x16xf32> to vector<16xf32>
      %max3A = arith.maximumf %get3A_69, %get3A_74 : vector<16xf32>
      %max3A_105 = arith.maximumf %max3A, %get3A_79 : vector<16xf32>
      %max3A_106 = arith.maximumf %max3A_105, %get3A_84 : vector<16xf32>
      %max3A_107 = arith.maximumf %max3A_106, %get3A_89 : vector<16xf32>
      %max3A_108 = arith.maximumf %max3A_107, %get3A_94 : vector<16xf32>
      %max3A_109 = arith.maximumf %max3A_108, %get3A_99 : vector<16xf32>
      %max3A_110 = arith.maximumf %max3A_109, %get3A_104 : vector<16xf32>
      %sub3A = arith.subf %get3A_69, %max3A_110 : vector<16xf32>
      %exp3A = math.exp %sub3A : vector<16xf32>
      %sub3A_111 = arith.subf %get3A_74, %max3A_110 : vector<16xf32>
      %exp3A_112 = math.exp %sub3A_111 : vector<16xf32>
      %sub3A_113 = arith.subf %get3A_79, %max3A_110 : vector<16xf32>
      %exp3A_114 = math.exp %sub3A_113 : vector<16xf32>
      %sub3A_115 = arith.subf %get3A_84, %max3A_110 : vector<16xf32>
      %exp3A_116 = math.exp %sub3A_115 : vector<16xf32>
      %sub3A_117 = arith.subf %get3A_89, %max3A_110 : vector<16xf32>
      %exp3A_118 = math.exp %sub3A_117 : vector<16xf32>
      %sub3A_119 = arith.subf %get3A_94, %max3A_110 : vector<16xf32>
      %exp3A_120 = math.exp %sub3A_119 : vector<16xf32>
      %sub3A_121 = arith.subf %get3A_99, %max3A_110 : vector<16xf32>
      %exp3A_122 = math.exp %sub3A_121 : vector<16xf32>
      %sub3A_123 = arith.subf %get3A_104, %max3A_110 : vector<16xf32>
      %exp3A_124 = math.exp %sub3A_123 : vector<16xf32>
      %add3A_125 = arith.addf %exp3A, %exp3A_112 : vector<16xf32>
      %add3A_126 = arith.addf %add3A_125, %exp3A_114 : vector<16xf32>
      %add3A_127 = arith.addf %add3A_126, %exp3A_116 : vector<16xf32>
      %add3A_128 = arith.addf %add3A_127, %exp3A_118 : vector<16xf32>
      %add3A_129 = arith.addf %add3A_128, %exp3A_120 : vector<16xf32>
      %add3A_130 = arith.addf %add3A_129, %exp3A_122 : vector<16xf32>
      %add3A_131 = arith.addf %add3A_130, %exp3A_124 : vector<16xf32>
      %div3A = arith.constant 1.000000e+00 : f32
      %div3A_132 = vector.broadcast %div3A : f32 to vector<16xf32>
      %div3A_133 = arith.divf %div3A_132, %add3A_131 : vector<16xf32>
      %broadcast_in_dim3A = arith.constant 0 : i32
      %broadcast_in_dim3A_134 = vector.broadcast %broadcast_in_dim3A : i32 to vector<16xi32>
      %gt3A = arith.cmpf ogt, %exp3A_112, %exp3A : vector<16xf32>
      %select_n3A = arith.select %gt3A, %exp3A_112, %exp3A : vector<16xi1>, vector<16xf32>
      %jit3A = arith.constant 1 : i32
      %broadcast_in_dim3A_135 = vector.broadcast %jit3A : i32 to vector<16xi32>
      %select_n3A_136 = arith.select %gt3A, %broadcast_in_dim3A_135, %broadcast_in_dim3A_134 : vector<16xi1>, vector<16xi32>
      %gt3A_137 = arith.cmpf ogt, %exp3A_114, %select_n3A : vector<16xf32>
      %select_n3A_138 = arith.select %gt3A_137, %exp3A_114, %select_n3A : vector<16xi1>, vector<16xf32>
      %jit3A_139 = arith.constant 2 : i32
      %broadcast_in_dim3A_140 = vector.broadcast %jit3A_139 : i32 to vector<16xi32>
      %select_n3A_141 = arith.select %gt3A_137, %broadcast_in_dim3A_140, %select_n3A_136 : vector<16xi1>, vector<16xi32>
      %gt3A_142 = arith.cmpf ogt, %exp3A_116, %select_n3A_138 : vector<16xf32>
      %select_n3A_143 = arith.select %gt3A_142, %exp3A_116, %select_n3A_138 : vector<16xi1>, vector<16xf32>
      %jit3A_144 = arith.constant 3 : i32
      %broadcast_in_dim3A_145 = vector.broadcast %jit3A_144 : i32 to vector<16xi32>
      %select_n3A_146 = arith.select %gt3A_142, %broadcast_in_dim3A_145, %select_n3A_141 : vector<16xi1>, vector<16xi32>
      %gt3A_147 = arith.cmpf ogt, %exp3A_118, %select_n3A_143 : vector<16xf32>
      %select_n3A_148 = arith.select %gt3A_147, %exp3A_118, %select_n3A_143 : vector<16xi1>, vector<16xf32>
      %jit3A_149 = arith.constant 4 : i32
      %broadcast_in_dim3A_150 = vector.broadcast %jit3A_149 : i32 to vector<16xi32>
      %select_n3A_151 = arith.select %gt3A_147, %broadcast_in_dim3A_150, %select_n3A_146 : vector<16xi1>, vector<16xi32>
      %gt3A_152 = arith.cmpf ogt, %exp3A_120, %select_n3A_148 : vector<16xf32>
      %select_n3A_153 = arith.select %gt3A_152, %exp3A_120, %select_n3A_148 : vector<16xi1>, vector<16xf32>
      %jit3A_154 = arith.constant 5 : i32
      %broadcast_in_dim3A_155 = vector.broadcast %jit3A_154 : i32 to vector<16xi32>
      %select_n3A_156 = arith.select %gt3A_152, %broadcast_in_dim3A_155, %select_n3A_151 : vector<16xi1>, vector<16xi32>
      %gt3A_157 = arith.cmpf ogt, %exp3A_122, %select_n3A_153 : vector<16xf32>
      %select_n3A_158 = arith.select %gt3A_157, %exp3A_122, %select_n3A_153 : vector<16xi1>, vector<16xf32>
      %jit3A_159 = arith.constant 6 : i32
      %broadcast_in_dim3A_160 = vector.broadcast %jit3A_159 : i32 to vector<16xi32>
      %select_n3A_161 = arith.select %gt3A_157, %broadcast_in_dim3A_160, %select_n3A_156 : vector<16xi1>, vector<16xi32>
      %gt3A_162 = arith.cmpf ogt, %exp3A_124, %select_n3A_158 : vector<16xf32>
      %select_n3A_163 = arith.select %gt3A_162, %exp3A_124, %select_n3A_158 : vector<16xi1>, vector<16xf32>
      %jit3A_164 = arith.constant 7 : i32
      %broadcast_in_dim3A_165 = vector.broadcast %jit3A_164 : i32 to vector<16xi32>
      %select_n3A_166 = arith.select %gt3A_162, %broadcast_in_dim3A_165, %select_n3A_161 : vector<16xi1>, vector<16xi32>
      %broadcast_in_dim3A_167 = arith.constant -1.000000e+00 : f32
      %broadcast_in_dim3A_168 = vector.broadcast %broadcast_in_dim3A_167 : f32 to vector<16xf32>
      %eq3A = arith.constant 0 : i32
      %eq3A_169 = vector.broadcast %eq3A : i32 to vector<16xi32>
      %eq3A_170 = arith.cmpi eq, %select_n3A_166, %eq3A_169 : vector<16xi32>
      %select_n3A_171 = arith.select %eq3A_170, %broadcast_in_dim3A_168, %exp3A : vector<16xi1>, vector<16xf32>
      %broadcast_in_dim3A_172 = arith.constant 0 : i32
      %broadcast_in_dim3A_173 = vector.broadcast %broadcast_in_dim3A_172 : i32 to vector<16xi32>
      %eq3A_174 = arith.constant 1 : i32
      %eq3A_175 = vector.broadcast %eq3A_174 : i32 to vector<16xi32>
      %eq3A_176 = arith.cmpi eq, %select_n3A_166, %eq3A_175 : vector<16xi32>
      %select_n3A_177 = arith.select %eq3A_176, %broadcast_in_dim3A_168, %exp3A_112 : vector<16xi1>, vector<16xf32>
      %gt3A_178 = arith.cmpf ogt, %select_n3A_177, %select_n3A_171 : vector<16xf32>
      %select_n3A_179 = arith.select %gt3A_178, %select_n3A_177, %select_n3A_171 : vector<16xi1>, vector<16xf32>
      %jit3A_180 = arith.constant 1 : i32
      %broadcast_in_dim3A_181 = vector.broadcast %jit3A_180 : i32 to vector<16xi32>
      %select_n3A_182 = arith.select %gt3A_178, %broadcast_in_dim3A_181, %broadcast_in_dim3A_173 : vector<16xi1>, vector<16xi32>
      %eq3A_183 = arith.constant 2 : i32
      %eq3A_184 = vector.broadcast %eq3A_183 : i32 to vector<16xi32>
      %eq3A_185 = arith.cmpi eq, %select_n3A_166, %eq3A_184 : vector<16xi32>
      %select_n3A_186 = arith.select %eq3A_185, %broadcast_in_dim3A_168, %exp3A_114 : vector<16xi1>, vector<16xf32>
      %gt3A_187 = arith.cmpf ogt, %select_n3A_186, %select_n3A_179 : vector<16xf32>
      %select_n3A_188 = arith.select %gt3A_187, %select_n3A_186, %select_n3A_179 : vector<16xi1>, vector<16xf32>
      %jit3A_189 = arith.constant 2 : i32
      %broadcast_in_dim3A_190 = vector.broadcast %jit3A_189 : i32 to vector<16xi32>
      %select_n3A_191 = arith.select %gt3A_187, %broadcast_in_dim3A_190, %select_n3A_182 : vector<16xi1>, vector<16xi32>
      %eq3A_192 = arith.constant 3 : i32
      %eq3A_193 = vector.broadcast %eq3A_192 : i32 to vector<16xi32>
      %eq3A_194 = arith.cmpi eq, %select_n3A_166, %eq3A_193 : vector<16xi32>
      %select_n3A_195 = arith.select %eq3A_194, %broadcast_in_dim3A_168, %exp3A_116 : vector<16xi1>, vector<16xf32>
      %gt3A_196 = arith.cmpf ogt, %select_n3A_195, %select_n3A_188 : vector<16xf32>
      %select_n3A_197 = arith.select %gt3A_196, %select_n3A_195, %select_n3A_188 : vector<16xi1>, vector<16xf32>
      %jit3A_198 = arith.constant 3 : i32
      %broadcast_in_dim3A_199 = vector.broadcast %jit3A_198 : i32 to vector<16xi32>
      %select_n3A_200 = arith.select %gt3A_196, %broadcast_in_dim3A_199, %select_n3A_191 : vector<16xi1>, vector<16xi32>
      %eq3A_201 = arith.constant 4 : i32
      %eq3A_202 = vector.broadcast %eq3A_201 : i32 to vector<16xi32>
      %eq3A_203 = arith.cmpi eq, %select_n3A_166, %eq3A_202 : vector<16xi32>
      %select_n3A_204 = arith.select %eq3A_203, %broadcast_in_dim3A_168, %exp3A_118 : vector<16xi1>, vector<16xf32>
      %gt3A_205 = arith.cmpf ogt, %select_n3A_204, %select_n3A_197 : vector<16xf32>
      %select_n3A_206 = arith.select %gt3A_205, %select_n3A_204, %select_n3A_197 : vector<16xi1>, vector<16xf32>
      %jit3A_207 = arith.constant 4 : i32
      %broadcast_in_dim3A_208 = vector.broadcast %jit3A_207 : i32 to vector<16xi32>
      %select_n3A_209 = arith.select %gt3A_205, %broadcast_in_dim3A_208, %select_n3A_200 : vector<16xi1>, vector<16xi32>
      %eq3A_210 = arith.constant 5 : i32
      %eq3A_211 = vector.broadcast %eq3A_210 : i32 to vector<16xi32>
      %eq3A_212 = arith.cmpi eq, %select_n3A_166, %eq3A_211 : vector<16xi32>
      %select_n3A_213 = arith.select %eq3A_212, %broadcast_in_dim3A_168, %exp3A_120 : vector<16xi1>, vector<16xf32>
      %gt3A_214 = arith.cmpf ogt, %select_n3A_213, %select_n3A_206 : vector<16xf32>
      %select_n3A_215 = arith.select %gt3A_214, %select_n3A_213, %select_n3A_206 : vector<16xi1>, vector<16xf32>
      %jit3A_216 = arith.constant 5 : i32
      %broadcast_in_dim3A_217 = vector.broadcast %jit3A_216 : i32 to vector<16xi32>
      %select_n3A_218 = arith.select %gt3A_214, %broadcast_in_dim3A_217, %select_n3A_209 : vector<16xi1>, vector<16xi32>
      %eq3A_219 = arith.constant 6 : i32
      %eq3A_220 = vector.broadcast %eq3A_219 : i32 to vector<16xi32>
      %eq3A_221 = arith.cmpi eq, %select_n3A_166, %eq3A_220 : vector<16xi32>
      %select_n3A_222 = arith.select %eq3A_221, %broadcast_in_dim3A_168, %exp3A_122 : vector<16xi1>, vector<16xf32>
      %gt3A_223 = arith.cmpf ogt, %select_n3A_222, %select_n3A_215 : vector<16xf32>
      %select_n3A_224 = arith.select %gt3A_223, %select_n3A_222, %select_n3A_215 : vector<16xi1>, vector<16xf32>
      %jit3A_225 = arith.constant 6 : i32
      %broadcast_in_dim3A_226 = vector.broadcast %jit3A_225 : i32 to vector<16xi32>
      %select_n3A_227 = arith.select %gt3A_223, %broadcast_in_dim3A_226, %select_n3A_218 : vector<16xi1>, vector<16xi32>
      %eq3A_228 = arith.constant 7 : i32
      %eq3A_229 = vector.broadcast %eq3A_228 : i32 to vector<16xi32>
      %eq3A_230 = arith.cmpi eq, %select_n3A_166, %eq3A_229 : vector<16xi32>
      %select_n3A_231 = arith.select %eq3A_230, %broadcast_in_dim3A_168, %exp3A_124 : vector<16xi1>, vector<16xf32>
      %gt3A_232 = arith.cmpf ogt, %select_n3A_231, %select_n3A_224 : vector<16xf32>
      %select_n3A_233 = arith.select %gt3A_232, %select_n3A_231, %select_n3A_224 : vector<16xi1>, vector<16xf32>
      %jit3A_234 = arith.constant 7 : i32
      %broadcast_in_dim3A_235 = vector.broadcast %jit3A_234 : i32 to vector<16xi32>
      %select_n3A_236 = arith.select %gt3A_232, %broadcast_in_dim3A_235, %select_n3A_227 : vector<16xi1>, vector<16xi32>
      %add3A_237 = arith.addf %select_n3A_163, %select_n3A_233 : vector<16xf32>
      %div3A_238 = arith.constant 1.000000e+00 : f32
      %div3A_239 = vector.broadcast %div3A_238 : f32 to vector<16xf32>
      %div3A_240 = arith.divf %div3A_239, %add3A_237 : vector<16xf32>
      %mul3A_241 = arith.mulf %select_n3A_163, %div3A_240 : vector<16xf32>
      %mul3A_242 = arith.mulf %select_n3A_233, %div3A_240 : vector<16xf32>
      %broadcast_in_dim3A_243 = arith.constant 0.000000e+00 : f32
      %broadcast_in_dim3A_244 = vector.broadcast %broadcast_in_dim3A_243 : f32 to vector<16xf32>
      %mul3A_245 = arith.mulf %exp3A, %div3A_133 : vector<16xf32>
      %swap3A = arith.constant 0 : i32
      %swap3A_246 = arith.index_cast %swap3A : i32 to index
      %swap3A_247 = arith.index_cast %mul3A_65 : i32 to index
      %swap3A_248 = tpu.vector_load %arg9[%swap3A_246, %swap3A_247] {strides = array<i32>} : memref<8x1024xf32, #tpu.memory_space<vmem>>, vector<1x16xf32>,
      %swap3A_249 = vector.shape_cast %swap3A_248 : vector<1x16xf32> to vector<16xf32>
      %swap3A_250 = vector.shape_cast %mul3A_245 : vector<16xf32> to vector<1x16xf32>
      tpu.vector_store %arg9[%swap3A_246, %swap3A_247], %swap3A_250 {strides = array<i32>} : memref<8x1024xf32, #tpu.memory_space<vmem>>, vector<1x16xf32>,
      %eq3A_251 = arith.constant 0 : i32
      %eq3A_252 = vector.broadcast %eq3A_251 : i32 to vector<16xi32>
      %eq3A_253 = arith.cmpi eq, %select_n3A_166, %eq3A_252 : vector<16xi32>
      %select_n3A_254 = arith.select %eq3A_253, %mul3A_241, %broadcast_in_dim3A_244 : vector<16xi1>, vector<16xf32>
      %eq3A_255 = arith.constant 0 : i32
      %eq3A_256 = vector.broadcast %eq3A_255 : i32 to vector<16xi32>
      %eq3A_257 = arith.cmpi eq, %select_n3A_236, %eq3A_256 : vector<16xi32>
      %select_n3A_258 = arith.select %eq3A_257, %mul3A_242, %broadcast_in_dim3A_244 : vector<16xi1>, vector<16xf32>
      %add3A_259 = arith.addf %select_n3A_254, %select_n3A_258 : vector<16xf32>
      %swap3A_260 = arith.constant 0 : i32
      %swap3A_261 = arith.index_cast %swap3A_260 : i32 to index
      %swap3A_262 = arith.index_cast %mul3A_65 : i32 to index
      %swap3A_263 = tpu.vector_load %arg8[%swap3A_261, %swap3A_262] {strides = array<i32>} : memref<8x1024xf32, #tpu.memory_space<vmem>>, vector<1x16xf32>,
      %swap3A_264 = vector.shape_cast %swap3A_263 : vector<1x16xf32> to vector<16xf32>
      %swap3A_265 = vector.shape_cast %add3A_259 : vector<16xf32> to vector<1x16xf32>
      tpu.vector_store %arg8[%swap3A_261, %swap3A_262], %swap3A_265 {strides = array<i32>} : memref<8x1024xf32, #tpu.memory_space<vmem>>, vector<1x16xf32>,
      %mul3A_266 = arith.mulf %exp3A_112, %div3A_133 : vector<16xf32>
      %swap3A_267 = arith.constant 1 : i32
      %swap3A_268 = arith.index_cast %swap3A_267 : i32 to index
      %swap3A_269 = arith.index_cast %mul3A_65 : i32 to index
      %swap3A_270 = tpu.vector_load %arg9[%swap3A_268, %swap3A_269] {strides = array<i32>} : memref<8x1024xf32, #tpu.memory_space<vmem>>, vector<1x16xf32>,
      %swap3A_271 = vector.shape_cast %swap3A_270 : vector<1x16xf32> to vector<16xf32>
      %swap3A_272 = vector.shape_cast %mul3A_266 : vector<16xf32> to vector<1x16xf32>
      tpu.vector_store %arg9[%swap3A_268, %swap3A_269], %swap3A_272 {strides = array<i32>} : memref<8x1024xf32, #tpu.memory_space<vmem>>, vector<1x16xf32>,
      %eq3A_273 = arith.constant 1 : i32
      %eq3A_274 = vector.broadcast %eq3A_273 : i32 to vector<16xi32>
      %eq3A_275 = arith.cmpi eq, %select_n3A_166, %eq3A_274 : vector<16xi32>
      %select_n3A_276 = arith.select %eq3A_275, %mul3A_241, %broadcast_in_dim3A_244 : vector<16xi1>, vector<16xf32>
      %eq3A_277 = arith.constant 1 : i32
      %eq3A_278 = vector.broadcast %eq3A_277 : i32 to vector<16xi32>
      %eq3A_279 = arith.cmpi eq, %select_n3A_236, %eq3A_278 : vector<16xi32>
      %select_n3A_280 = arith.select %eq3A_279, %mul3A_242, %broadcast_in_dim3A_244 : vector<16xi1>, vector<16xf32>
      %add3A_281 = arith.addf %select_n3A_276, %select_n3A_280 : vector<16xf32>
      %swap3A_282 = arith.constant 1 : i32
      %swap3A_283 = arith.index_cast %swap3A_282 : i32 to index
      %swap3A_284 = arith.index_cast %mul3A_65 : i32 to index
      %swap3A_285 = tpu.vector_load %arg8[%swap3A_283, %swap3A_284] {strides = array<i32>} : memref<8x1024xf32, #tpu.memory_space<vmem>>, vector<1x16xf32>,
      %swap3A_286 = vector.shape_cast %swap3A_285 : vector<1x16xf32> to vector<16xf32>
      %swap3A_287 = vector.shape_cast %add3A_281 : vector<16xf32> to vector<1x16xf32>
      tpu.vector_store %arg8[%swap3A_283, %swap3A_284], %swap3A_287 {strides = array<i32>} : memref<8x1024xf32, #tpu.memory_space<vmem>>, vector<1x16xf32>,
      %mul3A_288 = arith.mulf %exp3A_114, %div3A_133 : vector<16xf32>
      %swap3A_289 = arith.constant 2 : i32
      %swap3A_290 = arith.index_cast %swap3A_289 : i32 to index
      %swap3A_291 = arith.index_cast %mul3A_65 : i32 to index
      %swap3A_292 = tpu.vector_load %arg9[%swap3A_290, %swap3A_291] {strides = array<i32>} : memref<8x1024xf32, #tpu.memory_space<vmem>>, vector<1x16xf32>,
      %swap3A_293 = vector.shape_cast %swap3A_292 : vector<1x16xf32> to vector<16xf32>
      %swap3A_294 = vector.shape_cast %mul3A_288 : vector<16xf32> to vector<1x16xf32>
      tpu.vector_store %arg9[%swap3A_290, %swap3A_291], %swap3A_294 {strides = array<i32>} : memref<8x1024xf32, #tpu.memory_space<vmem>>, vector<1x16xf32>,
      %eq3A_295 = arith.constant 2 : i32
      %eq3A_296 = vector.broadcast %eq3A_295 : i32 to vector<16xi32>
      %eq3A_297 = arith.cmpi eq, %select_n3A_166, %eq3A_296 : vector<16xi32>
      %select_n3A_298 = arith.select %eq3A_297, %mul3A_241, %broadcast_in_dim3A_244 : vector<16xi1>, vector<16xf32>
      %eq3A_299 = arith.constant 2 : i32
      %eq3A_300 = vector.broadcast %eq3A_299 : i32 to vector<16xi32>
      %eq3A_301 = arith.cmpi eq, %select_n3A_236, %eq3A_300 : vector<16xi32>
      %select_n3A_302 = arith.select %eq3A_301, %mul3A_242, %broadcast_in_dim3A_244 : vector<16xi1>, vector<16xf32>
      %add3A_303 = arith.addf %select_n3A_298, %select_n3A_302 : vector<16xf32>
      %swap3A_304 = arith.constant 2 : i32
      %swap3A_305 = arith.index_cast %swap3A_304 : i32 to index
      %swap3A_306 = arith.index_cast %mul3A_65 : i32 to index
      %swap3A_307 = tpu.vector_load %arg8[%swap3A_305, %swap3A_306] {strides = array<i32>} : memref<8x1024xf32, #tpu.memory_space<vmem>>, vector<1x16xf32>,
      %swap3A_308 = vector.shape_cast %swap3A_307 : vector<1x16xf32> to vector<16xf32>
      %swap3A_309 = vector.shape_cast %add3A_303 : vector<16xf32> to vector<1x16xf32>
      tpu.vector_store %arg8[%swap3A_305, %swap3A_306], %swap3A_309 {strides = array<i32>} : memref<8x1024xf32, #tpu.memory_space<vmem>>, vector<1x16xf32>,
      %mul3A_310 = arith.mulf %exp3A_116, %div3A_133 : vector<16xf32>
      %swap3A_311 = arith.constant 3 : i32
      %swap3A_312 = arith.index_cast %swap3A_311 : i32 to index
      %swap3A_313 = arith.index_cast %mul3A_65 : i32 to index
      %swap3A_314 = tpu.vector_load %arg9[%swap3A_312, %swap3A_313] {strides = array<i32>} : memref<8x1024xf32, #tpu.memory_space<vmem>>, vector<1x16xf32>,
      %swap3A_315 = vector.shape_cast %swap3A_314 : vector<1x16xf32> to vector<16xf32>
      %swap3A_316 = vector.shape_cast %mul3A_310 : vector<16xf32> to vector<1x16xf32>
      tpu.vector_store %arg9[%swap3A_312, %swap3A_313], %swap3A_316 {strides = array<i32>} : memref<8x1024xf32, #tpu.memory_space<vmem>>, vector<1x16xf32>,
      %eq3A_317 = arith.constant 3 : i32
      %eq3A_318 = vector.broadcast %eq3A_317 : i32 to vector<16xi32>
      %eq3A_319 = arith.cmpi eq, %select_n3A_166, %eq3A_318 : vector<16xi32>
      %select_n3A_320 = arith.select %eq3A_319, %mul3A_241, %broadcast_in_dim3A_244 : vector<16xi1>, vector<16xf32>
      %eq3A_321 = arith.constant 3 : i32
      %eq3A_322 = vector.broadcast %eq3A_321 : i32 to vector<16xi32>
      %eq3A_323 = arith.cmpi eq, %select_n3A_236, %eq3A_322 : vector<16xi32>
      %select_n3A_324 = arith.select %eq3A_323, %mul3A_242, %broadcast_in_dim3A_244 : vector<16xi1>, vector<16xf32>
      %add3A_325 = arith.addf %select_n3A_320, %select_n3A_324 : vector<16xf32>
      %swap3A_326 = arith.constant 3 : i32
      %swap3A_327 = arith.index_cast %swap3A_326 : i32 to index
      %swap3A_328 = arith.index_cast %mul3A_65 : i32 to index
      %swap3A_329 = tpu.vector_load %arg8[%swap3A_327, %swap3A_328] {strides = array<i32>} : memref<8x1024xf32, #tpu.memory_space<vmem>>, vector<1x16xf32>,
      %swap3A_330 = vector.shape_cast %swap3A_329 : vector<1x16xf32> to vector<16xf32>
      %swap3A_331 = vector.shape_cast %add3A_325 : vector<16xf32> to vector<1x16xf32>
      tpu.vector_store %arg8[%swap3A_327, %swap3A_328], %swap3A_331 {strides = array<i32>} : memref<8x1024xf32, #tpu.memory_space<vmem>>, vector<1x16xf32>,
      %mul3A_332 = arith.mulf %exp3A_118, %div3A_133 : vector<16xf32>
      %swap3A_333 = arith.constant 4 : i32
      %swap3A_334 = arith.index_cast %swap3A_333 : i32 to index
      %swap3A_335 = arith.index_cast %mul3A_65 : i32 to index
      %swap3A_336 = tpu.vector_load %arg9[%swap3A_334, %swap3A_335] {strides = array<i32>} : memref<8x1024xf32, #tpu.memory_space<vmem>>, vector<1x16xf32>,
      %swap3A_337 = vector.shape_cast %swap3A_336 : vector<1x16xf32> to vector<16xf32>
      %swap3A_338 = vector.shape_cast %mul3A_332 : vector<16xf32> to vector<1x16xf32>
      tpu.vector_store %arg9[%swap3A_334, %swap3A_335], %swap3A_338 {strides = array<i32>} : memref<8x1024xf32, #tpu.memory_space<vmem>>, vector<1x16xf32>,
      %eq3A_339 = arith.constant 4 : i32
      %eq3A_340 = vector.broadcast %eq3A_339 : i32 to vector<16xi32>
      %eq3A_341 = arith.cmpi eq, %select_n3A_166, %eq3A_340 : vector<16xi32>
      %select_n3A_342 = arith.select %eq3A_341, %mul3A_241, %broadcast_in_dim3A_244 : vector<16xi1>, vector<16xf32>
      %eq3A_343 = arith.constant 4 : i32
      %eq3A_344 = vector.broadcast %eq3A_343 : i32 to vector<16xi32>
      %eq3A_345 = arith.cmpi eq, %select_n3A_236, %eq3A_344 : vector<16xi32>
      %select_n3A_346 = arith.select %eq3A_345, %mul3A_242, %broadcast_in_dim3A_244 : vector<16xi1>, vector<16xf32>
      %add3A_347 = arith.addf %select_n3A_342, %select_n3A_346 : vector<16xf32>
      %swap3A_348 = arith.constant 4 : i32
      %swap3A_349 = arith.index_cast %swap3A_348 : i32 to index
      %swap3A_350 = arith.index_cast %mul3A_65 : i32 to index
      %swap3A_351 = tpu.vector_load %arg8[%swap3A_349, %swap3A_350] {strides = array<i32>} : memref<8x1024xf32, #tpu.memory_space<vmem>>, vector<1x16xf32>,
      %swap3A_352 = vector.shape_cast %swap3A_351 : vector<1x16xf32> to vector<16xf32>
      %swap3A_353 = vector.shape_cast %add3A_347 : vector<16xf32> to vector<1x16xf32>
      tpu.vector_store %arg8[%swap3A_349, %swap3A_350], %swap3A_353 {strides = array<i32>} : memref<8x1024xf32, #tpu.memory_space<vmem>>, vector<1x16xf32>,
      %mul3A_354 = arith.mulf %exp3A_120, %div3A_133 : vector<16xf32>
      %swap3A_355 = arith.constant 5 : i32
      %swap3A_356 = arith.index_cast %swap3A_355 : i32 to index
      %swap3A_357 = arith.index_cast %mul3A_65 : i32 to index
      %swap3A_358 = tpu.vector_load %arg9[%swap3A_356, %swap3A_357] {strides = array<i32>} : memref<8x1024xf32, #tpu.memory_space<vmem>>, vector<1x16xf32>,
      %swap3A_359 = vector.shape_cast %swap3A_358 : vector<1x16xf32> to vector<16xf32>
      %swap3A_360 = vector.shape_cast %mul3A_354 : vector<16xf32> to vector<1x16xf32>
      tpu.vector_store %arg9[%swap3A_356, %swap3A_357], %swap3A_360 {strides = array<i32>} : memref<8x1024xf32, #tpu.memory_space<vmem>>, vector<1x16xf32>,
      %eq3A_361 = arith.constant 5 : i32
      %eq3A_362 = vector.broadcast %eq3A_361 : i32 to vector<16xi32>
      %eq3A_363 = arith.cmpi eq, %select_n3A_166, %eq3A_362 : vector<16xi32>
      %select_n3A_364 = arith.select %eq3A_363, %mul3A_241, %broadcast_in_dim3A_244 : vector<16xi1>, vector<16xf32>
      %eq3A_365 = arith.constant 5 : i32
      %eq3A_366 = vector.broadcast %eq3A_365 : i32 to vector<16xi32>
      %eq3A_367 = arith.cmpi eq, %select_n3A_236, %eq3A_366 : vector<16xi32>
      %select_n3A_368 = arith.select %eq3A_367, %mul3A_242, %broadcast_in_dim3A_244 : vector<16xi1>, vector<16xf32>
      %add3A_369 = arith.addf %select_n3A_364, %select_n3A_368 : vector<16xf32>
      %swap3A_370 = arith.constant 5 : i32
      %swap3A_371 = arith.index_cast %swap3A_370 : i32 to index
      %swap3A_372 = arith.index_cast %mul3A_65 : i32 to index
      %swap3A_373 = tpu.vector_load %arg8[%swap3A_371, %swap3A_372] {strides = array<i32>} : memref<8x1024xf32, #tpu.memory_space<vmem>>, vector<1x16xf32>,
      %swap3A_374 = vector.shape_cast %swap3A_373 : vector<1x16xf32> to vector<16xf32>
      %swap3A_375 = vector.shape_cast %add3A_369 : vector<16xf32> to vector<1x16xf32>
      tpu.vector_store %arg8[%swap3A_371, %swap3A_372], %swap3A_375 {strides = array<i32>} : memref<8x1024xf32, #tpu.memory_space<vmem>>, vector<1x16xf32>,
      %mul3A_376 = arith.mulf %exp3A_122, %div3A_133 : vector<16xf32>
      %swap3A_377 = arith.constant 6 : i32
      %swap3A_378 = arith.index_cast %swap3A_377 : i32 to index
      %swap3A_379 = arith.index_cast %mul3A_65 : i32 to index
      %swap3A_380 = tpu.vector_load %arg9[%swap3A_378, %swap3A_379] {strides = array<i32>} : memref<8x1024xf32, #tpu.memory_space<vmem>>, vector<1x16xf32>,
      %swap3A_381 = vector.shape_cast %swap3A_380 : vector<1x16xf32> to vector<16xf32>
      %swap3A_382 = vector.shape_cast %mul3A_376 : vector<16xf32> to vector<1x16xf32>
      tpu.vector_store %arg9[%swap3A_378, %swap3A_379], %swap3A_382 {strides = array<i32>} : memref<8x1024xf32, #tpu.memory_space<vmem>>, vector<1x16xf32>,
      %eq3A_383 = arith.constant 6 : i32
      %eq3A_384 = vector.broadcast %eq3A_383 : i32 to vector<16xi32>
      %eq3A_385 = arith.cmpi eq, %select_n3A_166, %eq3A_384 : vector<16xi32>
      %select_n3A_386 = arith.select %eq3A_385, %mul3A_241, %broadcast_in_dim3A_244 : vector<16xi1>, vector<16xf32>
      %eq3A_387 = arith.constant 6 : i32
      %eq3A_388 = vector.broadcast %eq3A_387 : i32 to vector<16xi32>
      %eq3A_389 = arith.cmpi eq, %select_n3A_236, %eq3A_388 : vector<16xi32>
      %select_n3A_390 = arith.select %eq3A_389, %mul3A_242, %broadcast_in_dim3A_244 : vector<16xi1>, vector<16xf32>
      %add3A_391 = arith.addf %select_n3A_386, %select_n3A_390 : vector<16xf32>
      %swap3A_392 = arith.constant 6 : i32
      %swap3A_393 = arith.index_cast %swap3A_392 : i32 to index
      %swap3A_394 = arith.index_cast %mul3A_65 : i32 to index
      %swap3A_395 = tpu.vector_load %arg8[%swap3A_393, %swap3A_394] {strides = array<i32>} : memref<8x1024xf32, #tpu.memory_space<vmem>>, vector<1x16xf32>,
      %swap3A_396 = vector.shape_cast %swap3A_395 : vector<1x16xf32> to vector<16xf32>
      %swap3A_397 = vector.shape_cast %add3A_391 : vector<16xf32> to vector<1x16xf32>
      tpu.vector_store %arg8[%swap3A_393, %swap3A_394], %swap3A_397 {strides = array<i32>} : memref<8x1024xf32, #tpu.memory_space<vmem>>, vector<1x16xf32>,
      %mul3A_398 = arith.mulf %exp3A_124, %div3A_133 : vector<16xf32>
      %swap3A_399 = arith.constant 7 : i32
      %swap3A_400 = arith.index_cast %swap3A_399 : i32 to index
      %swap3A_401 = arith.index_cast %mul3A_65 : i32 to index
      %swap3A_402 = tpu.vector_load %arg9[%swap3A_400, %swap3A_401] {strides = array<i32>} : memref<8x1024xf32, #tpu.memory_space<vmem>>, vector<1x16xf32>,
      %swap3A_403 = vector.shape_cast %swap3A_402 : vector<1x16xf32> to vector<16xf32>
      %swap3A_404 = vector.shape_cast %mul3A_398 : vector<16xf32> to vector<1x16xf32>
      tpu.vector_store %arg9[%swap3A_400, %swap3A_401], %swap3A_404 {strides = array<i32>} : memref<8x1024xf32, #tpu.memory_space<vmem>>, vector<1x16xf32>,
      %eq3A_405 = arith.constant 7 : i32
      %eq3A_406 = vector.broadcast %eq3A_405 : i32 to vector<16xi32>
      %eq3A_407 = arith.cmpi eq, %select_n3A_166, %eq3A_406 : vector<16xi32>
      %select_n3A_408 = arith.select %eq3A_407, %mul3A_241, %broadcast_in_dim3A_244 : vector<16xi1>, vector<16xf32>
      %eq3A_409 = arith.constant 7 : i32
      %eq3A_410 = vector.broadcast %eq3A_409 : i32 to vector<16xi32>
      %eq3A_411 = arith.cmpi eq, %select_n3A_236, %eq3A_410 : vector<16xi32>
      %select_n3A_412 = arith.select %eq3A_411, %mul3A_242, %broadcast_in_dim3A_244 : vector<16xi1>, vector<16xf32>
      %add3A_413 = arith.addf %select_n3A_408, %select_n3A_412 : vector<16xf32>
      %swap3A_414 = arith.constant 7 : i32
      %swap3A_415 = arith.index_cast %swap3A_414 : i32 to index
      %swap3A_416 = arith.index_cast %mul3A_65 : i32 to index
      %swap3A_417 = tpu.vector_load %arg8[%swap3A_415, %swap3A_416] {strides = array<i32>} : memref<8x1024xf32, #tpu.memory_space<vmem>>, vector<1x16xf32>,
      %swap3A_418 = vector.shape_cast %swap3A_417 : vector<1x16xf32> to vector<16xf32>
      %swap3A_419 = vector.shape_cast %add3A_413 : vector<16xf32> to vector<1x16xf32>
      tpu.vector_store %arg8[%swap3A_415, %swap3A_416], %swap3A_419 {strides = array<i32>} : memref<8x1024xf32, #tpu.memory_space<vmem>>, vector<1x16xf32>,
      %swap3A_420 = arith.constant 0 : i32
      %swap3A_421 = arith.index_cast %swap3A_420 : i32 to index
      %swap3A_422 = arith.index_cast %mul3A_65 : i32 to index
      %swap3A_423 = tpu.vector_load %arg10[%swap3A_421, %swap3A_422] {strides = array<i32>} : memref<2x1024xi32, #tpu.memory_space<vmem>>, vector<1x16xi32>,
      %swap3A_424 = vector.shape_cast %swap3A_423 : vector<1x16xi32> to vector<16xi32>
      %swap3A_425 = vector.shape_cast %select_n3A_166 : vector<16xi32> to vector<1x16xi32>
      tpu.vector_store %arg10[%swap3A_421, %swap3A_422], %swap3A_425 {strides = array<i32>} : memref<2x1024xi32, #tpu.memory_space<vmem>>, vector<1x16xi32>,
      %swap3A_426 = arith.constant 1 : i32
      %swap3A_427 = arith.index_cast %swap3A_426 : i32 to index
      %swap3A_428 = arith.index_cast %mul3A_65 : i32 to index
      %swap3A_429 = tpu.vector_load %arg10[%swap3A_427, %swap3A_428] {strides = array<i32>} : memref<2x1024xi32, #tpu.memory_space<vmem>>, vector<1x16xi32>,
      %swap3A_430 = vector.shape_cast %swap3A_429 : vector<1x16xi32> to vector<16xi32>
      %swap3A_431 = vector.shape_cast %select_n3A_236 : vector<16xi32> to vector<1x16xi32>
      tpu.vector_store %arg10[%swap3A_427, %swap3A_428], %swap3A_431 {strides = array<i32>} : memref<2x1024xi32, #tpu.memory_space<vmem>>, vector<1x16xi32>,
      %swap3A_432 = arith.constant 0 : i32
      %swap3A_433 = arith.index_cast %swap3A_432 : i32 to index
      %swap3A_434 = arith.index_cast %mul3A_65 : i32 to index
      %swap3A_435 = tpu.vector_load %arg11[%swap3A_433, %swap3A_434] {strides = array<i32>} : memref<2x1024xf32, #tpu.memory_space<vmem>>, vector<1x16xf32>,
      %swap3A_436 = vector.shape_cast %swap3A_435 : vector<1x16xf32> to vector<16xf32>
      %swap3A_437 = vector.shape_cast %mul3A_241 : vector<16xf32> to vector<1x16xf32>
      tpu.vector_store %arg11[%swap3A_433, %swap3A_434], %swap3A_437 {strides = array<i32>} : memref<2x1024xf32, #tpu.memory_space<vmem>>, vector<1x16xf32>,
      %swap3A_438 = arith.constant 1 : i32
      %swap3A_439 = arith.index_cast %swap3A_438 : i32 to index
      %swap3A_440 = arith.index_cast %mul3A_65 : i32 to index
      %swap3A_441 = tpu.vector_load %arg11[%swap3A_439, %swap3A_440] {strides = array<i32>} : memref<2x1024xf32, #tpu.memory_space<vmem>>, vector<1x16xf32>,
      %swap3A_442 = vector.shape_cast %swap3A_441 : vector<1x16xf32> to vector<16xf32>
      %swap3A_443 = vector.shape_cast %mul3A_242 : vector<16xf32> to vector<1x16xf32>
      tpu.vector_store %arg11[%swap3A_439, %swap3A_440], %swap3A_443 {strides = array<i32>} : memref<2x1024xf32, #tpu.memory_space<vmem>>, vector<1x16xf32>,
    }
    %scan3A_22 = arith.constant 64 : i32
    %run_scoped3A_23 = arith.constant 0 : i32
    %run_scoped3A_24 = arith.constant 0 : i32
    "tpu.region"() ({
      %run_scoped3A_63 = tpu.sem_alloc : memref<!tpu.dma_semaphore, #tpu.memory_space<semaphore_mem>>
      %dma_start3A = arith.constant 0 : i32
      %dma_start3A_64 = tpu.memref_slice %arg8[%run_scoped3A_23, %dma_start3A] : memref<8x1024xf32, #tpu.memory_space<vmem>> -> memref<1x1024xf32, #tpu.memory_space<vmem>>
      %dma_start3A_65 = tpu.memref_squeeze %dma_start3A_64 : memref<1x1024xf32, #tpu.memory_space<vmem>> -> memref<1024xf32, #tpu.memory_space<vmem>>
      %dma_start3A_66 = tpu.memref_slice %arg3[%run_scoped3A_24, %mul3A_2] : memref<8x32768xf32, #tpu.memory_space<hbm>> -> memref<1x1024xf32, #tpu.memory_space<hbm>>
      %dma_start3A_67 = tpu.memref_squeeze %dma_start3A_66 : memref<1x1024xf32, #tpu.memory_space<hbm>> -> memref<1024xf32, #tpu.memory_space<hbm>>
      %dma_start3A_68 = tpu.memref_slice %arg3[%run_scoped3A_24, %mul3A_2] : memref<8x32768xf32, #tpu.memory_space<hbm>> -> memref<1x1024xf32, #tpu.memory_space<hbm>>
      %dma_start3A_69 = tpu.memref_squeeze %dma_start3A_68 : memref<1x1024xf32, #tpu.memory_space<hbm>> -> memref<1024xf32, #tpu.memory_space<hbm>>
      %dma_start3A_70 = arith.constant 0 : i32
      %dma_start3A_71 = tpu.memref_slice %arg8[%run_scoped3A_23, %dma_start3A_70] : memref<8x1024xf32, #tpu.memory_space<vmem>> -> memref<1x1024xf32, #tpu.memory_space<vmem>>
      %dma_start3A_72 = tpu.memref_squeeze %dma_start3A_71 : memref<1x1024xf32, #tpu.memory_space<vmem>> -> memref<1024xf32, #tpu.memory_space<vmem>>
      tpu.enqueue_dma source(%dma_start3A_72 : memref<1024xf32, #tpu.memory_space<vmem>>) target(%dma_start3A_69 : memref<1024xf32, #tpu.memory_space<hbm>>) target_semaphore(%run_scoped3A_63 : memref<!tpu.dma_semaphore, #tpu.memory_space<semaphore_mem>>)
      %dma_wait3A = arith.constant 0 : i32
      %dma_wait3A_73 = tpu.memref_slice %arg8[%run_scoped3A_23, %dma_wait3A] : memref<8x1024xf32, #tpu.memory_space<vmem>> -> memref<1x1024xf32, #tpu.memory_space<vmem>>
      %dma_wait3A_74 = tpu.memref_squeeze %dma_wait3A_73 : memref<1x1024xf32, #tpu.memory_space<vmem>> -> memref<1024xf32, #tpu.memory_space<vmem>>
      %dma_wait3A_75 = tpu.memref_slice %arg3[%run_scoped3A_24, %mul3A_2] : memref<8x32768xf32, #tpu.memory_space<hbm>> -> memref<1x1024xf32, #tpu.memory_space<hbm>>
      %dma_wait3A_76 = tpu.memref_squeeze %dma_wait3A_75 : memref<1x1024xf32, #tpu.memory_space<hbm>> -> memref<1024xf32, #tpu.memory_space<hbm>>
      %dma_wait3A_77 = tpu.memref_slice %arg3[%run_scoped3A_24, %mul3A_2] : memref<8x32768xf32, #tpu.memory_space<hbm>> -> memref<1x1024xf32, #tpu.memory_space<hbm>>
      %dma_wait3A_78 = tpu.memref_squeeze %dma_wait3A_77 : memref<1x1024xf32, #tpu.memory_space<hbm>> -> memref<1024xf32, #tpu.memory_space<hbm>>
      %dma_wait3A_79 = arith.constant 0 : i32
      %dma_wait3A_80 = tpu.memref_slice %arg8[%run_scoped3A_23, %dma_wait3A_79] : memref<8x1024xf32, #tpu.memory_space<vmem>> -> memref<1x1024xf32, #tpu.memory_space<vmem>>
      %dma_wait3A_81 = tpu.memref_squeeze %dma_wait3A_80 : memref<1x1024xf32, #tpu.memory_space<vmem>> -> memref<1024xf32, #tpu.memory_space<vmem>>
      tpu.wait_dma2 semaphore(%run_scoped3A_63 : memref<!tpu.dma_semaphore, #tpu.memory_space<semaphore_mem>>) src(%dma_wait3A_81 : memref<1024xf32, #tpu.memory_space<vmem>>) dst(%dma_wait3A_78 : memref<1024xf32, #tpu.memory_space<hbm>>)
      tpu.yield
    }) : () -> ()
    %run_scoped3A_25 = arith.constant 0 : i32
    %run_scoped3A_26 = arith.constant 0 : i32
    "tpu.region"() ({
      %run_scoped3A_63 = tpu.sem_alloc : memref<!tpu.dma_semaphore, #tpu.memory_space<semaphore_mem>>
      %dma_start3A = arith.constant 0 : i32
      %dma_start3A_64 = tpu.memref_slice %arg9[%run_scoped3A_25, %dma_start3A] : memref<8x1024xf32, #tpu.memory_space<vmem>> -> memref<1x1024xf32, #tpu.memory_space<vmem>>
      %dma_start3A_65 = tpu.memref_squeeze %dma_start3A_64 : memref<1x1024xf32, #tpu.memory_space<vmem>> -> memref<1024xf32, #tpu.memory_space<vmem>>
      %dma_start3A_66 = tpu.memref_slice %arg4[%run_scoped3A_26, %mul3A_2] : memref<8x32768xf32, #tpu.memory_space<hbm>> -> memref<1x1024xf32, #tpu.memory_space<hbm>>
      %dma_start3A_67 = tpu.memref_squeeze %dma_start3A_66 : memref<1x1024xf32, #tpu.memory_space<hbm>> -> memref<1024xf32, #tpu.memory_space<hbm>>
      %dma_start3A_68 = tpu.memref_slice %arg4[%run_scoped3A_26, %mul3A_2] : memref<8x32768xf32, #tpu.memory_space<hbm>> -> memref<1x1024xf32, #tpu.memory_space<hbm>>
      %dma_start3A_69 = tpu.memref_squeeze %dma_start3A_68 : memref<1x1024xf32, #tpu.memory_space<hbm>> -> memref<1024xf32, #tpu.memory_space<hbm>>
      %dma_start3A_70 = arith.constant 0 : i32
      %dma_start3A_71 = tpu.memref_slice %arg9[%run_scoped3A_25, %dma_start3A_70] : memref<8x1024xf32, #tpu.memory_space<vmem>> -> memref<1x1024xf32, #tpu.memory_space<vmem>>
      %dma_start3A_72 = tpu.memref_squeeze %dma_start3A_71 : memref<1x1024xf32, #tpu.memory_space<vmem>> -> memref<1024xf32, #tpu.memory_space<vmem>>
      tpu.enqueue_dma source(%dma_start3A_72 : memref<1024xf32, #tpu.memory_space<vmem>>) target(%dma_start3A_69 : memref<1024xf32, #tpu.memory_space<hbm>>) target_semaphore(%run_scoped3A_63 : memref<!tpu.dma_semaphore, #tpu.memory_space<semaphore_mem>>)
      %dma_wait3A = arith.constant 0 : i32
      %dma_wait3A_73 = tpu.memref_slice %arg9[%run_scoped3A_25, %dma_wait3A] : memref<8x1024xf32, #tpu.memory_space<vmem>> -> memref<1x1024xf32, #tpu.memory_space<vmem>>
      %dma_wait3A_74 = tpu.memref_squeeze %dma_wait3A_73 : memref<1x1024xf32, #tpu.memory_space<vmem>> -> memref<1024xf32, #tpu.memory_space<vmem>>
      %dma_wait3A_75 = tpu.memref_slice %arg4[%run_scoped3A_26, %mul3A_2] : memref<8x32768xf32, #tpu.memory_space<hbm>> -> memref<1x1024xf32, #tpu.memory_space<hbm>>
      %dma_wait3A_76 = tpu.memref_squeeze %dma_wait3A_75 : memref<1x1024xf32, #tpu.memory_space<hbm>> -> memref<1024xf32, #tpu.memory_space<hbm>>
      %dma_wait3A_77 = tpu.memref_slice %arg4[%run_scoped3A_26, %mul3A_2] : memref<8x32768xf32, #tpu.memory_space<hbm>> -> memref<1x1024xf32, #tpu.memory_space<hbm>>
      %dma_wait3A_78 = tpu.memref_squeeze %dma_wait3A_77 : memref<1x1024xf32, #tpu.memory_space<hbm>> -> memref<1024xf32, #tpu.memory_space<hbm>>
      %dma_wait3A_79 = arith.constant 0 : i32
      %dma_wait3A_80 = tpu.memref_slice %arg9[%run_scoped3A_25, %dma_wait3A_79] : memref<8x1024xf32, #tpu.memory_space<vmem>> -> memref<1x1024xf32, #tpu.memory_space<vmem>>
      %dma_wait3A_81 = tpu.memref_squeeze %dma_wait3A_80 : memref<1x1024xf32, #tpu.memory_space<vmem>> -> memref<1024xf32, #tpu.memory_space<vmem>>
      tpu.wait_dma2 semaphore(%run_scoped3A_63 : memref<!tpu.dma_semaphore, #tpu.memory_space<semaphore_mem>>) src(%dma_wait3A_81 : memref<1024xf32, #tpu.memory_space<vmem>>) dst(%dma_wait3A_78 : memref<1024xf32, #tpu.memory_space<hbm>>)
      tpu.yield
    }) : () -> ()
    %run_scoped3A_27 = arith.constant 1 : i32
    %run_scoped3A_28 = arith.constant 1 : i32
    "tpu.region"() ({
      %run_scoped3A_63 = tpu.sem_alloc : memref<!tpu.dma_semaphore, #tpu.memory_space<semaphore_mem>>
      %dma_start3A = arith.constant 0 : i32
      %dma_start3A_64 = tpu.memref_slice %arg8[%run_scoped3A_27, %dma_start3A] : memref<8x1024xf32, #tpu.memory_space<vmem>> -> memref<1x1024xf32, #tpu.memory_space<vmem>>
      %dma_start3A_65 = tpu.memref_squeeze %dma_start3A_64 : memref<1x1024xf32, #tpu.memory_space<vmem>> -> memref<1024xf32, #tpu.memory_space<vmem>>
      %dma_start3A_66 = tpu.memref_slice %arg3[%run_scoped3A_28, %mul3A_2] : memref<8x32768xf32, #tpu.memory_space<hbm>> -> memref<1x1024xf32, #tpu.memory_space<hbm>>
      %dma_start3A_67 = tpu.memref_squeeze %dma_start3A_66 : memref<1x1024xf32, #tpu.memory_space<hbm>> -> memref<1024xf32, #tpu.memory_space<hbm>>
      %dma_start3A_68 = tpu.memref_slice %arg3[%run_scoped3A_28, %mul3A_2] : memref<8x32768xf32, #tpu.memory_space<hbm>> -> memref<1x1024xf32, #tpu.memory_space<hbm>>
      %dma_start3A_69 = tpu.memref_squeeze %dma_start3A_68 : memref<1x1024xf32, #tpu.memory_space<hbm>> -> memref<1024xf32, #tpu.memory_space<hbm>>
      %dma_start3A_70 = arith.constant 0 : i32
      %dma_start3A_71 = tpu.memref_slice %arg8[%run_scoped3A_27, %dma_start3A_70] : memref<8x1024xf32, #tpu.memory_space<vmem>> -> memref<1x1024xf32, #tpu.memory_space<vmem>>
      %dma_start3A_72 = tpu.memref_squeeze %dma_start3A_71 : memref<1x1024xf32, #tpu.memory_space<vmem>> -> memref<1024xf32, #tpu.memory_space<vmem>>
      tpu.enqueue_dma source(%dma_start3A_72 : memref<1024xf32, #tpu.memory_space<vmem>>) target(%dma_start3A_69 : memref<1024xf32, #tpu.memory_space<hbm>>) target_semaphore(%run_scoped3A_63 : memref<!tpu.dma_semaphore, #tpu.memory_space<semaphore_mem>>)
      %dma_wait3A = arith.constant 0 : i32
      %dma_wait3A_73 = tpu.memref_slice %arg8[%run_scoped3A_27, %dma_wait3A] : memref<8x1024xf32, #tpu.memory_space<vmem>> -> memref<1x1024xf32, #tpu.memory_space<vmem>>
      %dma_wait3A_74 = tpu.memref_squeeze %dma_wait3A_73 : memref<1x1024xf32, #tpu.memory_space<vmem>> -> memref<1024xf32, #tpu.memory_space<vmem>>
      %dma_wait3A_75 = tpu.memref_slice %arg3[%run_scoped3A_28, %mul3A_2] : memref<8x32768xf32, #tpu.memory_space<hbm>> -> memref<1x1024xf32, #tpu.memory_space<hbm>>
      %dma_wait3A_76 = tpu.memref_squeeze %dma_wait3A_75 : memref<1x1024xf32, #tpu.memory_space<hbm>> -> memref<1024xf32, #tpu.memory_space<hbm>>
      %dma_wait3A_77 = tpu.memref_slice %arg3[%run_scoped3A_28, %mul3A_2] : memref<8x32768xf32, #tpu.memory_space<hbm>> -> memref<1x1024xf32, #tpu.memory_space<hbm>>
      %dma_wait3A_78 = tpu.memref_squeeze %dma_wait3A_77 : memref<1x1024xf32, #tpu.memory_space<hbm>> -> memref<1024xf32, #tpu.memory_space<hbm>>
      %dma_wait3A_79 = arith.constant 0 : i32
      %dma_wait3A_80 = tpu.memref_slice %arg8[%run_scoped3A_27, %dma_wait3A_79] : memref<8x1024xf32, #tpu.memory_space<vmem>> -> memref<1x1024xf32, #tpu.memory_space<vmem>>
      %dma_wait3A_81 = tpu.memref_squeeze %dma_wait3A_80 : memref<1x1024xf32, #tpu.memory_space<vmem>> -> memref<1024xf32, #tpu.memory_space<vmem>>
      tpu.wait_dma2 semaphore(%run_scoped3A_63 : memref<!tpu.dma_semaphore, #tpu.memory_space<semaphore_mem>>) src(%dma_wait3A_81 : memref<1024xf32, #tpu.memory_space<vmem>>) dst(%dma_wait3A_78 : memref<1024xf32, #tpu.memory_space<hbm>>)
      tpu.yield
    }) : () -> ()
    %run_scoped3A_29 = arith.constant 1 : i32
    %run_scoped3A_30 = arith.constant 1 : i32
    "tpu.region"() ({
      %run_scoped3A_63 = tpu.sem_alloc : memref<!tpu.dma_semaphore, #tpu.memory_space<semaphore_mem>>
      %dma_start3A = arith.constant 0 : i32
      %dma_start3A_64 = tpu.memref_slice %arg9[%run_scoped3A_29, %dma_start3A] : memref<8x1024xf32, #tpu.memory_space<vmem>> -> memref<1x1024xf32, #tpu.memory_space<vmem>>
      %dma_start3A_65 = tpu.memref_squeeze %dma_start3A_64 : memref<1x1024xf32, #tpu.memory_space<vmem>> -> memref<1024xf32, #tpu.memory_space<vmem>>
      %dma_start3A_66 = tpu.memref_slice %arg4[%run_scoped3A_30, %mul3A_2] : memref<8x32768xf32, #tpu.memory_space<hbm>> -> memref<1x1024xf32, #tpu.memory_space<hbm>>
      %dma_start3A_67 = tpu.memref_squeeze %dma_start3A_66 : memref<1x1024xf32, #tpu.memory_space<hbm>> -> memref<1024xf32, #tpu.memory_space<hbm>>
      %dma_start3A_68 = tpu.memref_slice %arg4[%run_scoped3A_30, %mul3A_2] : memref<8x32768xf32, #tpu.memory_space<hbm>> -> memref<1x1024xf32, #tpu.memory_space<hbm>>
      %dma_start3A_69 = tpu.memref_squeeze %dma_start3A_68 : memref<1x1024xf32, #tpu.memory_space<hbm>> -> memref<1024xf32, #tpu.memory_space<hbm>>
      %dma_start3A_70 = arith.constant 0 : i32
      %dma_start3A_71 = tpu.memref_slice %arg9[%run_scoped3A_29, %dma_start3A_70] : memref<8x1024xf32, #tpu.memory_space<vmem>> -> memref<1x1024xf32, #tpu.memory_space<vmem>>
      %dma_start3A_72 = tpu.memref_squeeze %dma_start3A_71 : memref<1x1024xf32, #tpu.memory_space<vmem>> -> memref<1024xf32, #tpu.memory_space<vmem>>
      tpu.enqueue_dma source(%dma_start3A_72 : memref<1024xf32, #tpu.memory_space<vmem>>) target(%dma_start3A_69 : memref<1024xf32, #tpu.memory_space<hbm>>) target_semaphore(%run_scoped3A_63 : memref<!tpu.dma_semaphore, #tpu.memory_space<semaphore_mem>>)
      %dma_wait3A = arith.constant 0 : i32
      %dma_wait3A_73 = tpu.memref_slice %arg9[%run_scoped3A_29, %dma_wait3A] : memref<8x1024xf32, #tpu.memory_space<vmem>> -> memref<1x1024xf32, #tpu.memory_space<vmem>>
      %dma_wait3A_74 = tpu.memref_squeeze %dma_wait3A_73 : memref<1x1024xf32, #tpu.memory_space<vmem>> -> memref<1024xf32, #tpu.memory_space<vmem>>
      %dma_wait3A_75 = tpu.memref_slice %arg4[%run_scoped3A_30, %mul3A_2] : memref<8x32768xf32, #tpu.memory_space<hbm>> -> memref<1x1024xf32, #tpu.memory_space<hbm>>
      %dma_wait3A_76 = tpu.memref_squeeze %dma_wait3A_75 : memref<1x1024xf32, #tpu.memory_space<hbm>> -> memref<1024xf32, #tpu.memory_space<hbm>>
      %dma_wait3A_77 = tpu.memref_slice %arg4[%run_scoped3A_30, %mul3A_2] : memref<8x32768xf32, #tpu.memory_space<hbm>> -> memref<1x1024xf32, #tpu.memory_space<hbm>>
      %dma_wait3A_78 = tpu.memref_squeeze %dma_wait3A_77 : memref<1x1024xf32, #tpu.memory_space<hbm>> -> memref<1024xf32, #tpu.memory_space<hbm>>
      %dma_wait3A_79 = arith.constant 0 : i32
      %dma_wait3A_80 = tpu.memref_slice %arg9[%run_scoped3A_29, %dma_wait3A_79] : memref<8x1024xf32, #tpu.memory_space<vmem>> -> memref<1x1024xf32, #tpu.memory_space<vmem>>
      %dma_wait3A_81 = tpu.memref_squeeze %dma_wait3A_80 : memref<1x1024xf32, #tpu.memory_space<vmem>> -> memref<1024xf32, #tpu.memory_space<vmem>>
      tpu.wait_dma2 semaphore(%run_scoped3A_63 : memref<!tpu.dma_semaphore, #tpu.memory_space<semaphore_mem>>) src(%dma_wait3A_81 : memref<1024xf32, #tpu.memory_space<vmem>>) dst(%dma_wait3A_78 : memref<1024xf32, #tpu.memory_space<hbm>>)
      tpu.yield
    }) : () -> ()
    %run_scoped3A_31 = arith.constant 2 : i32
    %run_scoped3A_32 = arith.constant 2 : i32
    "tpu.region"() ({
      %run_scoped3A_63 = tpu.sem_alloc : memref<!tpu.dma_semaphore, #tpu.memory_space<semaphore_mem>>
      %dma_start3A = arith.constant 0 : i32
      %dma_start3A_64 = tpu.memref_slice %arg8[%run_scoped3A_31, %dma_start3A] : memref<8x1024xf32, #tpu.memory_space<vmem>> -> memref<1x1024xf32, #tpu.memory_space<vmem>>
      %dma_start3A_65 = tpu.memref_squeeze %dma_start3A_64 : memref<1x1024xf32, #tpu.memory_space<vmem>> -> memref<1024xf32, #tpu.memory_space<vmem>>
      %dma_start3A_66 = tpu.memref_slice %arg3[%run_scoped3A_32, %mul3A_2] : memref<8x32768xf32, #tpu.memory_space<hbm>> -> memref<1x1024xf32, #tpu.memory_space<hbm>>
      %dma_start3A_67 = tpu.memref_squeeze %dma_start3A_66 : memref<1x1024xf32, #tpu.memory_space<hbm>> -> memref<1024xf32, #tpu.memory_space<hbm>>
      %dma_start3A_68 = tpu.memref_slice %arg3[%run_scoped3A_32, %mul3A_2] : memref<8x32768xf32, #tpu.memory_space<hbm>> -> memref<1x1024xf32, #tpu.memory_space<hbm>>
      %dma_start3A_69 = tpu.memref_squeeze %dma_start3A_68 : memref<1x1024xf32, #tpu.memory_space<hbm>> -> memref<1024xf32, #tpu.memory_space<hbm>>
      %dma_start3A_70 = arith.constant 0 : i32
      %dma_start3A_71 = tpu.memref_slice %arg8[%run_scoped3A_31, %dma_start3A_70] : memref<8x1024xf32, #tpu.memory_space<vmem>> -> memref<1x1024xf32, #tpu.memory_space<vmem>>
      %dma_start3A_72 = tpu.memref_squeeze %dma_start3A_71 : memref<1x1024xf32, #tpu.memory_space<vmem>> -> memref<1024xf32, #tpu.memory_space<vmem>>
      tpu.enqueue_dma source(%dma_start3A_72 : memref<1024xf32, #tpu.memory_space<vmem>>) target(%dma_start3A_69 : memref<1024xf32, #tpu.memory_space<hbm>>) target_semaphore(%run_scoped3A_63 : memref<!tpu.dma_semaphore, #tpu.memory_space<semaphore_mem>>)
      %dma_wait3A = arith.constant 0 : i32
      %dma_wait3A_73 = tpu.memref_slice %arg8[%run_scoped3A_31, %dma_wait3A] : memref<8x1024xf32, #tpu.memory_space<vmem>> -> memref<1x1024xf32, #tpu.memory_space<vmem>>
      %dma_wait3A_74 = tpu.memref_squeeze %dma_wait3A_73 : memref<1x1024xf32, #tpu.memory_space<vmem>> -> memref<1024xf32, #tpu.memory_space<vmem>>
      %dma_wait3A_75 = tpu.memref_slice %arg3[%run_scoped3A_32, %mul3A_2] : memref<8x32768xf32, #tpu.memory_space<hbm>> -> memref<1x1024xf32, #tpu.memory_space<hbm>>
      %dma_wait3A_76 = tpu.memref_squeeze %dma_wait3A_75 : memref<1x1024xf32, #tpu.memory_space<hbm>> -> memref<1024xf32, #tpu.memory_space<hbm>>
      %dma_wait3A_77 = tpu.memref_slice %arg3[%run_scoped3A_32, %mul3A_2] : memref<8x32768xf32, #tpu.memory_space<hbm>> -> memref<1x1024xf32, #tpu.memory_space<hbm>>
      %dma_wait3A_78 = tpu.memref_squeeze %dma_wait3A_77 : memref<1x1024xf32, #tpu.memory_space<hbm>> -> memref<1024xf32, #tpu.memory_space<hbm>>
      %dma_wait3A_79 = arith.constant 0 : i32
      %dma_wait3A_80 = tpu.memref_slice %arg8[%run_scoped3A_31, %dma_wait3A_79] : memref<8x1024xf32, #tpu.memory_space<vmem>> -> memref<1x1024xf32, #tpu.memory_space<vmem>>
      %dma_wait3A_81 = tpu.memref_squeeze %dma_wait3A_80 : memref<1x1024xf32, #tpu.memory_space<vmem>> -> memref<1024xf32, #tpu.memory_space<vmem>>
      tpu.wait_dma2 semaphore(%run_scoped3A_63 : memref<!tpu.dma_semaphore, #tpu.memory_space<semaphore_mem>>) src(%dma_wait3A_81 : memref<1024xf32, #tpu.memory_space<vmem>>) dst(%dma_wait3A_78 : memref<1024xf32, #tpu.memory_space<hbm>>)
      tpu.yield
    }) : () -> ()
    %run_scoped3A_33 = arith.constant 2 : i32
    %run_scoped3A_34 = arith.constant 2 : i32
    "tpu.region"() ({
      %run_scoped3A_63 = tpu.sem_alloc : memref<!tpu.dma_semaphore, #tpu.memory_space<semaphore_mem>>
      %dma_start3A = arith.constant 0 : i32
      %dma_start3A_64 = tpu.memref_slice %arg9[%run_scoped3A_33, %dma_start3A] : memref<8x1024xf32, #tpu.memory_space<vmem>> -> memref<1x1024xf32, #tpu.memory_space<vmem>>
      %dma_start3A_65 = tpu.memref_squeeze %dma_start3A_64 : memref<1x1024xf32, #tpu.memory_space<vmem>> -> memref<1024xf32, #tpu.memory_space<vmem>>
      %dma_start3A_66 = tpu.memref_slice %arg4[%run_scoped3A_34, %mul3A_2] : memref<8x32768xf32, #tpu.memory_space<hbm>> -> memref<1x1024xf32, #tpu.memory_space<hbm>>
      %dma_start3A_67 = tpu.memref_squeeze %dma_start3A_66 : memref<1x1024xf32, #tpu.memory_space<hbm>> -> memref<1024xf32, #tpu.memory_space<hbm>>
      %dma_start3A_68 = tpu.memref_slice %arg4[%run_scoped3A_34, %mul3A_2] : memref<8x32768xf32, #tpu.memory_space<hbm>> -> memref<1x1024xf32, #tpu.memory_space<hbm>>
      %dma_start3A_69 = tpu.memref_squeeze %dma_start3A_68 : memref<1x1024xf32, #tpu.memory_space<hbm>> -> memref<1024xf32, #tpu.memory_space<hbm>>
      %dma_start3A_70 = arith.constant 0 : i32
      %dma_start3A_71 = tpu.memref_slice %arg9[%run_scoped3A_33, %dma_start3A_70] : memref<8x1024xf32, #tpu.memory_space<vmem>> -> memref<1x1024xf32, #tpu.memory_space<vmem>>
      %dma_start3A_72 = tpu.memref_squeeze %dma_start3A_71 : memref<1x1024xf32, #tpu.memory_space<vmem>> -> memref<1024xf32, #tpu.memory_space<vmem>>
      tpu.enqueue_dma source(%dma_start3A_72 : memref<1024xf32, #tpu.memory_space<vmem>>) target(%dma_start3A_69 : memref<1024xf32, #tpu.memory_space<hbm>>) target_semaphore(%run_scoped3A_63 : memref<!tpu.dma_semaphore, #tpu.memory_space<semaphore_mem>>)
      %dma_wait3A = arith.constant 0 : i32
      %dma_wait3A_73 = tpu.memref_slice %arg9[%run_scoped3A_33, %dma_wait3A] : memref<8x1024xf32, #tpu.memory_space<vmem>> -> memref<1x1024xf32, #tpu.memory_space<vmem>>
      %dma_wait3A_74 = tpu.memref_squeeze %dma_wait3A_73 : memref<1x1024xf32, #tpu.memory_space<vmem>> -> memref<1024xf32, #tpu.memory_space<vmem>>
      %dma_wait3A_75 = tpu.memref_slice %arg4[%run_scoped3A_34, %mul3A_2] : memref<8x32768xf32, #tpu.memory_space<hbm>> -> memref<1x1024xf32, #tpu.memory_space<hbm>>
      %dma_wait3A_76 = tpu.memref_squeeze %dma_wait3A_75 : memref<1x1024xf32, #tpu.memory_space<hbm>> -> memref<1024xf32, #tpu.memory_space<hbm>>
      %dma_wait3A_77 = tpu.memref_slice %arg4[%run_scoped3A_34, %mul3A_2] : memref<8x32768xf32, #tpu.memory_space<hbm>> -> memref<1x1024xf32, #tpu.memory_space<hbm>>
      %dma_wait3A_78 = tpu.memref_squeeze %dma_wait3A_77 : memref<1x1024xf32, #tpu.memory_space<hbm>> -> memref<1024xf32, #tpu.memory_space<hbm>>
      %dma_wait3A_79 = arith.constant 0 : i32
      %dma_wait3A_80 = tpu.memref_slice %arg9[%run_scoped3A_33, %dma_wait3A_79] : memref<8x1024xf32, #tpu.memory_space<vmem>> -> memref<1x1024xf32, #tpu.memory_space<vmem>>
      %dma_wait3A_81 = tpu.memref_squeeze %dma_wait3A_80 : memref<1x1024xf32, #tpu.memory_space<vmem>> -> memref<1024xf32, #tpu.memory_space<vmem>>
      tpu.wait_dma2 semaphore(%run_scoped3A_63 : memref<!tpu.dma_semaphore, #tpu.memory_space<semaphore_mem>>) src(%dma_wait3A_81 : memref<1024xf32, #tpu.memory_space<vmem>>) dst(%dma_wait3A_78 : memref<1024xf32, #tpu.memory_space<hbm>>)
      tpu.yield
    }) : () -> ()
    %run_scoped3A_35 = arith.constant 3 : i32
    %run_scoped3A_36 = arith.constant 3 : i32
    "tpu.region"() ({
      %run_scoped3A_63 = tpu.sem_alloc : memref<!tpu.dma_semaphore, #tpu.memory_space<semaphore_mem>>
      %dma_start3A = arith.constant 0 : i32
      %dma_start3A_64 = tpu.memref_slice %arg8[%run_scoped3A_35, %dma_start3A] : memref<8x1024xf32, #tpu.memory_space<vmem>> -> memref<1x1024xf32, #tpu.memory_space<vmem>>
      %dma_start3A_65 = tpu.memref_squeeze %dma_start3A_64 : memref<1x1024xf32, #tpu.memory_space<vmem>> -> memref<1024xf32, #tpu.memory_space<vmem>>
      %dma_start3A_66 = tpu.memref_slice %arg3[%run_scoped3A_36, %mul3A_2] : memref<8x32768xf32, #tpu.memory_space<hbm>> -> memref<1x1024xf32, #tpu.memory_space<hbm>>
      %dma_start3A_67 = tpu.memref_squeeze %dma_start3A_66 : memref<1x1024xf32, #tpu.memory_space<hbm>> -> memref<1024xf32, #tpu.memory_space<hbm>>
      %dma_start3A_68 = tpu.memref_slice %arg3[%run_scoped3A_36, %mul3A_2] : memref<8x32768xf32, #tpu.memory_space<hbm>> -> memref<1x1024xf32, #tpu.memory_space<hbm>>
      %dma_start3A_69 = tpu.memref_squeeze %dma_start3A_68 : memref<1x1024xf32, #tpu.memory_space<hbm>> -> memref<1024xf32, #tpu.memory_space<hbm>>
      %dma_start3A_70 = arith.constant 0 : i32
      %dma_start3A_71 = tpu.memref_slice %arg8[%run_scoped3A_35, %dma_start3A_70] : memref<8x1024xf32, #tpu.memory_space<vmem>> -> memref<1x1024xf32, #tpu.memory_space<vmem>>
      %dma_start3A_72 = tpu.memref_squeeze %dma_start3A_71 : memref<1x1024xf32, #tpu.memory_space<vmem>> -> memref<1024xf32, #tpu.memory_space<vmem>>
      tpu.enqueue_dma source(%dma_start3A_72 : memref<1024xf32, #tpu.memory_space<vmem>>) target(%dma_start3A_69 : memref<1024xf32, #tpu.memory_space<hbm>>) target_semaphore(%run_scoped3A_63 : memref<!tpu.dma_semaphore, #tpu.memory_space<semaphore_mem>>)
      %dma_wait3A = arith.constant 0 : i32
      %dma_wait3A_73 = tpu.memref_slice %arg8[%run_scoped3A_35, %dma_wait3A] : memref<8x1024xf32, #tpu.memory_space<vmem>> -> memref<1x1024xf32, #tpu.memory_space<vmem>>
      %dma_wait3A_74 = tpu.memref_squeeze %dma_wait3A_73 : memref<1x1024xf32, #tpu.memory_space<vmem>> -> memref<1024xf32, #tpu.memory_space<vmem>>
      %dma_wait3A_75 = tpu.memref_slice %arg3[%run_scoped3A_36, %mul3A_2] : memref<8x32768xf32, #tpu.memory_space<hbm>> -> memref<1x1024xf32, #tpu.memory_space<hbm>>
      %dma_wait3A_76 = tpu.memref_squeeze %dma_wait3A_75 : memref<1x1024xf32, #tpu.memory_space<hbm>> -> memref<1024xf32, #tpu.memory_space<hbm>>
      %dma_wait3A_77 = tpu.memref_slice %arg3[%run_scoped3A_36, %mul3A_2] : memref<8x32768xf32, #tpu.memory_space<hbm>> -> memref<1x1024xf32, #tpu.memory_space<hbm>>
      %dma_wait3A_78 = tpu.memref_squeeze %dma_wait3A_77 : memref<1x1024xf32, #tpu.memory_space<hbm>> -> memref<1024xf32, #tpu.memory_space<hbm>>
      %dma_wait3A_79 = arith.constant 0 : i32
      %dma_wait3A_80 = tpu.memref_slice %arg8[%run_scoped3A_35, %dma_wait3A_79] : memref<8x1024xf32, #tpu.memory_space<vmem>> -> memref<1x1024xf32, #tpu.memory_space<vmem>>
      %dma_wait3A_81 = tpu.memref_squeeze %dma_wait3A_80 : memref<1x1024xf32, #tpu.memory_space<vmem>> -> memref<1024xf32, #tpu.memory_space<vmem>>
      tpu.wait_dma2 semaphore(%run_scoped3A_63 : memref<!tpu.dma_semaphore, #tpu.memory_space<semaphore_mem>>) src(%dma_wait3A_81 : memref<1024xf32, #tpu.memory_space<vmem>>) dst(%dma_wait3A_78 : memref<1024xf32, #tpu.memory_space<hbm>>)
      tpu.yield
    }) : () -> ()
    %run_scoped3A_37 = arith.constant 3 : i32
    %run_scoped3A_38 = arith.constant 3 : i32
    "tpu.region"() ({
      %run_scoped3A_63 = tpu.sem_alloc : memref<!tpu.dma_semaphore, #tpu.memory_space<semaphore_mem>>
      %dma_start3A = arith.constant 0 : i32
      %dma_start3A_64 = tpu.memref_slice %arg9[%run_scoped3A_37, %dma_start3A] : memref<8x1024xf32, #tpu.memory_space<vmem>> -> memref<1x1024xf32, #tpu.memory_space<vmem>>
      %dma_start3A_65 = tpu.memref_squeeze %dma_start3A_64 : memref<1x1024xf32, #tpu.memory_space<vmem>> -> memref<1024xf32, #tpu.memory_space<vmem>>
      %dma_start3A_66 = tpu.memref_slice %arg4[%run_scoped3A_38, %mul3A_2] : memref<8x32768xf32, #tpu.memory_space<hbm>> -> memref<1x1024xf32, #tpu.memory_space<hbm>>
      %dma_start3A_67 = tpu.memref_squeeze %dma_start3A_66 : memref<1x1024xf32, #tpu.memory_space<hbm>> -> memref<1024xf32, #tpu.memory_space<hbm>>
      %dma_start3A_68 = tpu.memref_slice %arg4[%run_scoped3A_38, %mul3A_2] : memref<8x32768xf32, #tpu.memory_space<hbm>> -> memref<1x1024xf32, #tpu.memory_space<hbm>>
      %dma_start3A_69 = tpu.memref_squeeze %dma_start3A_68 : memref<1x1024xf32, #tpu.memory_space<hbm>> -> memref<1024xf32, #tpu.memory_space<hbm>>
      %dma_start3A_70 = arith.constant 0 : i32
      %dma_start3A_71 = tpu.memref_slice %arg9[%run_scoped3A_37, %dma_start3A_70] : memref<8x1024xf32, #tpu.memory_space<vmem>> -> memref<1x1024xf32, #tpu.memory_space<vmem>>
      %dma_start3A_72 = tpu.memref_squeeze %dma_start3A_71 : memref<1x1024xf32, #tpu.memory_space<vmem>> -> memref<1024xf32, #tpu.memory_space<vmem>>
      tpu.enqueue_dma source(%dma_start3A_72 : memref<1024xf32, #tpu.memory_space<vmem>>) target(%dma_start3A_69 : memref<1024xf32, #tpu.memory_space<hbm>>) target_semaphore(%run_scoped3A_63 : memref<!tpu.dma_semaphore, #tpu.memory_space<semaphore_mem>>)
      %dma_wait3A = arith.constant 0 : i32
      %dma_wait3A_73 = tpu.memref_slice %arg9[%run_scoped3A_37, %dma_wait3A] : memref<8x1024xf32, #tpu.memory_space<vmem>> -> memref<1x1024xf32, #tpu.memory_space<vmem>>
      %dma_wait3A_74 = tpu.memref_squeeze %dma_wait3A_73 : memref<1x1024xf32, #tpu.memory_space<vmem>> -> memref<1024xf32, #tpu.memory_space<vmem>>
      %dma_wait3A_75 = tpu.memref_slice %arg4[%run_scoped3A_38, %mul3A_2] : memref<8x32768xf32, #tpu.memory_space<hbm>> -> memref<1x1024xf32, #tpu.memory_space<hbm>>
      %dma_wait3A_76 = tpu.memref_squeeze %dma_wait3A_75 : memref<1x1024xf32, #tpu.memory_space<hbm>> -> memref<1024xf32, #tpu.memory_space<hbm>>
      %dma_wait3A_77 = tpu.memref_slice %arg4[%run_scoped3A_38, %mul3A_2] : memref<8x32768xf32, #tpu.memory_space<hbm>> -> memref<1x1024xf32, #tpu.memory_space<hbm>>
      %dma_wait3A_78 = tpu.memref_squeeze %dma_wait3A_77 : memref<1x1024xf32, #tpu.memory_space<hbm>> -> memref<1024xf32, #tpu.memory_space<hbm>>
      %dma_wait3A_79 = arith.constant 0 : i32
      %dma_wait3A_80 = tpu.memref_slice %arg9[%run_scoped3A_37, %dma_wait3A_79] : memref<8x1024xf32, #tpu.memory_space<vmem>> -> memref<1x1024xf32, #tpu.memory_space<vmem>>
      %dma_wait3A_81 = tpu.memref_squeeze %dma_wait3A_80 : memref<1x1024xf32, #tpu.memory_space<vmem>> -> memref<1024xf32, #tpu.memory_space<vmem>>
      tpu.wait_dma2 semaphore(%run_scoped3A_63 : memref<!tpu.dma_semaphore, #tpu.memory_space<semaphore_mem>>) src(%dma_wait3A_81 : memref<1024xf32, #tpu.memory_space<vmem>>) dst(%dma_wait3A_78 : memref<1024xf32, #tpu.memory_space<hbm>>)
      tpu.yield
    }) : () -> ()
    %run_scoped3A_39 = arith.constant 4 : i32
    %run_scoped3A_40 = arith.constant 4 : i32
    "tpu.region"() ({
      %run_scoped3A_63 = tpu.sem_alloc : memref<!tpu.dma_semaphore, #tpu.memory_space<semaphore_mem>>
      %dma_start3A = arith.constant 0 : i32
      %dma_start3A_64 = tpu.memref_slice %arg8[%run_scoped3A_39, %dma_start3A] : memref<8x1024xf32, #tpu.memory_space<vmem>> -> memref<1x1024xf32, #tpu.memory_space<vmem>>
      %dma_start3A_65 = tpu.memref_squeeze %dma_start3A_64 : memref<1x1024xf32, #tpu.memory_space<vmem>> -> memref<1024xf32, #tpu.memory_space<vmem>>
      %dma_start3A_66 = tpu.memref_slice %arg3[%run_scoped3A_40, %mul3A_2] : memref<8x32768xf32, #tpu.memory_space<hbm>> -> memref<1x1024xf32, #tpu.memory_space<hbm>>
      %dma_start3A_67 = tpu.memref_squeeze %dma_start3A_66 : memref<1x1024xf32, #tpu.memory_space<hbm>> -> memref<1024xf32, #tpu.memory_space<hbm>>
      %dma_start3A_68 = tpu.memref_slice %arg3[%run_scoped3A_40, %mul3A_2] : memref<8x32768xf32, #tpu.memory_space<hbm>> -> memref<1x1024xf32, #tpu.memory_space<hbm>>
      %dma_start3A_69 = tpu.memref_squeeze %dma_start3A_68 : memref<1x1024xf32, #tpu.memory_space<hbm>> -> memref<1024xf32, #tpu.memory_space<hbm>>
      %dma_start3A_70 = arith.constant 0 : i32
      %dma_start3A_71 = tpu.memref_slice %arg8[%run_scoped3A_39, %dma_start3A_70] : memref<8x1024xf32, #tpu.memory_space<vmem>> -> memref<1x1024xf32, #tpu.memory_space<vmem>>
      %dma_start3A_72 = tpu.memref_squeeze %dma_start3A_71 : memref<1x1024xf32, #tpu.memory_space<vmem>> -> memref<1024xf32, #tpu.memory_space<vmem>>
      tpu.enqueue_dma source(%dma_start3A_72 : memref<1024xf32, #tpu.memory_space<vmem>>) target(%dma_start3A_69 : memref<1024xf32, #tpu.memory_space<hbm>>) target_semaphore(%run_scoped3A_63 : memref<!tpu.dma_semaphore, #tpu.memory_space<semaphore_mem>>)
      %dma_wait3A = arith.constant 0 : i32
      %dma_wait3A_73 = tpu.memref_slice %arg8[%run_scoped3A_39, %dma_wait3A] : memref<8x1024xf32, #tpu.memory_space<vmem>> -> memref<1x1024xf32, #tpu.memory_space<vmem>>
      %dma_wait3A_74 = tpu.memref_squeeze %dma_wait3A_73 : memref<1x1024xf32, #tpu.memory_space<vmem>> -> memref<1024xf32, #tpu.memory_space<vmem>>
      %dma_wait3A_75 = tpu.memref_slice %arg3[%run_scoped3A_40, %mul3A_2] : memref<8x32768xf32, #tpu.memory_space<hbm>> -> memref<1x1024xf32, #tpu.memory_space<hbm>>
      %dma_wait3A_76 = tpu.memref_squeeze %dma_wait3A_75 : memref<1x1024xf32, #tpu.memory_space<hbm>> -> memref<1024xf32, #tpu.memory_space<hbm>>
      %dma_wait3A_77 = tpu.memref_slice %arg3[%run_scoped3A_40, %mul3A_2] : memref<8x32768xf32, #tpu.memory_space<hbm>> -> memref<1x1024xf32, #tpu.memory_space<hbm>>
      %dma_wait3A_78 = tpu.memref_squeeze %dma_wait3A_77 : memref<1x1024xf32, #tpu.memory_space<hbm>> -> memref<1024xf32, #tpu.memory_space<hbm>>
      %dma_wait3A_79 = arith.constant 0 : i32
      %dma_wait3A_80 = tpu.memref_slice %arg8[%run_scoped3A_39, %dma_wait3A_79] : memref<8x1024xf32, #tpu.memory_space<vmem>> -> memref<1x1024xf32, #tpu.memory_space<vmem>>
      %dma_wait3A_81 = tpu.memref_squeeze %dma_wait3A_80 : memref<1x1024xf32, #tpu.memory_space<vmem>> -> memref<1024xf32, #tpu.memory_space<vmem>>
      tpu.wait_dma2 semaphore(%run_scoped3A_63 : memref<!tpu.dma_semaphore, #tpu.memory_space<semaphore_mem>>) src(%dma_wait3A_81 : memref<1024xf32, #tpu.memory_space<vmem>>) dst(%dma_wait3A_78 : memref<1024xf32, #tpu.memory_space<hbm>>)
      tpu.yield
    }) : () -> ()
    %run_scoped3A_41 = arith.constant 4 : i32
    %run_scoped3A_42 = arith.constant 4 : i32
    "tpu.region"() ({
      %run_scoped3A_63 = tpu.sem_alloc : memref<!tpu.dma_semaphore, #tpu.memory_space<semaphore_mem>>
      %dma_start3A = arith.constant 0 : i32
      %dma_start3A_64 = tpu.memref_slice %arg9[%run_scoped3A_41, %dma_start3A] : memref<8x1024xf32, #tpu.memory_space<vmem>> -> memref<1x1024xf32, #tpu.memory_space<vmem>>
      %dma_start3A_65 = tpu.memref_squeeze %dma_start3A_64 : memref<1x1024xf32, #tpu.memory_space<vmem>> -> memref<1024xf32, #tpu.memory_space<vmem>>
      %dma_start3A_66 = tpu.memref_slice %arg4[%run_scoped3A_42, %mul3A_2] : memref<8x32768xf32, #tpu.memory_space<hbm>> -> memref<1x1024xf32, #tpu.memory_space<hbm>>
      %dma_start3A_67 = tpu.memref_squeeze %dma_start3A_66 : memref<1x1024xf32, #tpu.memory_space<hbm>> -> memref<1024xf32, #tpu.memory_space<hbm>>
      %dma_start3A_68 = tpu.memref_slice %arg4[%run_scoped3A_42, %mul3A_2] : memref<8x32768xf32, #tpu.memory_space<hbm>> -> memref<1x1024xf32, #tpu.memory_space<hbm>>
      %dma_start3A_69 = tpu.memref_squeeze %dma_start3A_68 : memref<1x1024xf32, #tpu.memory_space<hbm>> -> memref<1024xf32, #tpu.memory_space<hbm>>
      %dma_start3A_70 = arith.constant 0 : i32
      %dma_start3A_71 = tpu.memref_slice %arg9[%run_scoped3A_41, %dma_start3A_70] : memref<8x1024xf32, #tpu.memory_space<vmem>> -> memref<1x1024xf32, #tpu.memory_space<vmem>>
      %dma_start3A_72 = tpu.memref_squeeze %dma_start3A_71 : memref<1x1024xf32, #tpu.memory_space<vmem>> -> memref<1024xf32, #tpu.memory_space<vmem>>
      tpu.enqueue_dma source(%dma_start3A_72 : memref<1024xf32, #tpu.memory_space<vmem>>) target(%dma_start3A_69 : memref<1024xf32, #tpu.memory_space<hbm>>) target_semaphore(%run_scoped3A_63 : memref<!tpu.dma_semaphore, #tpu.memory_space<semaphore_mem>>)
      %dma_wait3A = arith.constant 0 : i32
      %dma_wait3A_73 = tpu.memref_slice %arg9[%run_scoped3A_41, %dma_wait3A] : memref<8x1024xf32, #tpu.memory_space<vmem>> -> memref<1x1024xf32, #tpu.memory_space<vmem>>
      %dma_wait3A_74 = tpu.memref_squeeze %dma_wait3A_73 : memref<1x1024xf32, #tpu.memory_space<vmem>> -> memref<1024xf32, #tpu.memory_space<vmem>>
      %dma_wait3A_75 = tpu.memref_slice %arg4[%run_scoped3A_42, %mul3A_2] : memref<8x32768xf32, #tpu.memory_space<hbm>> -> memref<1x1024xf32, #tpu.memory_space<hbm>>
      %dma_wait3A_76 = tpu.memref_squeeze %dma_wait3A_75 : memref<1x1024xf32, #tpu.memory_space<hbm>> -> memref<1024xf32, #tpu.memory_space<hbm>>
      %dma_wait3A_77 = tpu.memref_slice %arg4[%run_scoped3A_42, %mul3A_2] : memref<8x32768xf32, #tpu.memory_space<hbm>> -> memref<1x1024xf32, #tpu.memory_space<hbm>>
      %dma_wait3A_78 = tpu.memref_squeeze %dma_wait3A_77 : memref<1x1024xf32, #tpu.memory_space<hbm>> -> memref<1024xf32, #tpu.memory_space<hbm>>
      %dma_wait3A_79 = arith.constant 0 : i32
      %dma_wait3A_80 = tpu.memref_slice %arg9[%run_scoped3A_41, %dma_wait3A_79] : memref<8x1024xf32, #tpu.memory_space<vmem>> -> memref<1x1024xf32, #tpu.memory_space<vmem>>
      %dma_wait3A_81 = tpu.memref_squeeze %dma_wait3A_80 : memref<1x1024xf32, #tpu.memory_space<vmem>> -> memref<1024xf32, #tpu.memory_space<vmem>>
      tpu.wait_dma2 semaphore(%run_scoped3A_63 : memref<!tpu.dma_semaphore, #tpu.memory_space<semaphore_mem>>) src(%dma_wait3A_81 : memref<1024xf32, #tpu.memory_space<vmem>>) dst(%dma_wait3A_78 : memref<1024xf32, #tpu.memory_space<hbm>>)
      tpu.yield
    }) : () -> ()
    %run_scoped3A_43 = arith.constant 5 : i32
    %run_scoped3A_44 = arith.constant 5 : i32
    "tpu.region"() ({
      %run_scoped3A_63 = tpu.sem_alloc : memref<!tpu.dma_semaphore, #tpu.memory_space<semaphore_mem>>
      %dma_start3A = arith.constant 0 : i32
      %dma_start3A_64 = tpu.memref_slice %arg8[%run_scoped3A_43, %dma_start3A] : memref<8x1024xf32, #tpu.memory_space<vmem>> -> memref<1x1024xf32, #tpu.memory_space<vmem>>
      %dma_start3A_65 = tpu.memref_squeeze %dma_start3A_64 : memref<1x1024xf32, #tpu.memory_space<vmem>> -> memref<1024xf32, #tpu.memory_space<vmem>>
      %dma_start3A_66 = tpu.memref_slice %arg3[%run_scoped3A_44, %mul3A_2] : memref<8x32768xf32, #tpu.memory_space<hbm>> -> memref<1x1024xf32, #tpu.memory_space<hbm>>
      %dma_start3A_67 = tpu.memref_squeeze %dma_start3A_66 : memref<1x1024xf32, #tpu.memory_space<hbm>> -> memref<1024xf32, #tpu.memory_space<hbm>>
      %dma_start3A_68 = tpu.memref_slice %arg3[%run_scoped3A_44, %mul3A_2] : memref<8x32768xf32, #tpu.memory_space<hbm>> -> memref<1x1024xf32, #tpu.memory_space<hbm>>
      %dma_start3A_69 = tpu.memref_squeeze %dma_start3A_68 : memref<1x1024xf32, #tpu.memory_space<hbm>> -> memref<1024xf32, #tpu.memory_space<hbm>>
      %dma_start3A_70 = arith.constant 0 : i32
      %dma_start3A_71 = tpu.memref_slice %arg8[%run_scoped3A_43, %dma_start3A_70] : memref<8x1024xf32, #tpu.memory_space<vmem>> -> memref<1x1024xf32, #tpu.memory_space<vmem>>
      %dma_start3A_72 = tpu.memref_squeeze %dma_start3A_71 : memref<1x1024xf32, #tpu.memory_space<vmem>> -> memref<1024xf32, #tpu.memory_space<vmem>>
      tpu.enqueue_dma source(%dma_start3A_72 : memref<1024xf32, #tpu.memory_space<vmem>>) target(%dma_start3A_69 : memref<1024xf32, #tpu.memory_space<hbm>>) target_semaphore(%run_scoped3A_63 : memref<!tpu.dma_semaphore, #tpu.memory_space<semaphore_mem>>)
      %dma_wait3A = arith.constant 0 : i32
      %dma_wait3A_73 = tpu.memref_slice %arg8[%run_scoped3A_43, %dma_wait3A] : memref<8x1024xf32, #tpu.memory_space<vmem>> -> memref<1x1024xf32, #tpu.memory_space<vmem>>
      %dma_wait3A_74 = tpu.memref_squeeze %dma_wait3A_73 : memref<1x1024xf32, #tpu.memory_space<vmem>> -> memref<1024xf32, #tpu.memory_space<vmem>>
      %dma_wait3A_75 = tpu.memref_slice %arg3[%run_scoped3A_44, %mul3A_2] : memref<8x32768xf32, #tpu.memory_space<hbm>> -> memref<1x1024xf32, #tpu.memory_space<hbm>>
      %dma_wait3A_76 = tpu.memref_squeeze %dma_wait3A_75 : memref<1x1024xf32, #tpu.memory_space<hbm>> -> memref<1024xf32, #tpu.memory_space<hbm>>
      %dma_wait3A_77 = tpu.memref_slice %arg3[%run_scoped3A_44, %mul3A_2] : memref<8x32768xf32, #tpu.memory_space<hbm>> -> memref<1x1024xf32, #tpu.memory_space<hbm>>
      %dma_wait3A_78 = tpu.memref_squeeze %dma_wait3A_77 : memref<1x1024xf32, #tpu.memory_space<hbm>> -> memref<1024xf32, #tpu.memory_space<hbm>>
      %dma_wait3A_79 = arith.constant 0 : i32
      %dma_wait3A_80 = tpu.memref_slice %arg8[%run_scoped3A_43, %dma_wait3A_79] : memref<8x1024xf32, #tpu.memory_space<vmem>> -> memref<1x1024xf32, #tpu.memory_space<vmem>>
      %dma_wait3A_81 = tpu.memref_squeeze %dma_wait3A_80 : memref<1x1024xf32, #tpu.memory_space<vmem>> -> memref<1024xf32, #tpu.memory_space<vmem>>
      tpu.wait_dma2 semaphore(%run_scoped3A_63 : memref<!tpu.dma_semaphore, #tpu.memory_space<semaphore_mem>>) src(%dma_wait3A_81 : memref<1024xf32, #tpu.memory_space<vmem>>) dst(%dma_wait3A_78 : memref<1024xf32, #tpu.memory_space<hbm>>)
      tpu.yield
    }) : () -> ()
    %run_scoped3A_45 = arith.constant 5 : i32
    %run_scoped3A_46 = arith.constant 5 : i32
    "tpu.region"() ({
      %run_scoped3A_63 = tpu.sem_alloc : memref<!tpu.dma_semaphore, #tpu.memory_space<semaphore_mem>>
      %dma_start3A = arith.constant 0 : i32
      %dma_start3A_64 = tpu.memref_slice %arg9[%run_scoped3A_45, %dma_start3A] : memref<8x1024xf32, #tpu.memory_space<vmem>> -> memref<1x1024xf32, #tpu.memory_space<vmem>>
      %dma_start3A_65 = tpu.memref_squeeze %dma_start3A_64 : memref<1x1024xf32, #tpu.memory_space<vmem>> -> memref<1024xf32, #tpu.memory_space<vmem>>
      %dma_start3A_66 = tpu.memref_slice %arg4[%run_scoped3A_46, %mul3A_2] : memref<8x32768xf32, #tpu.memory_space<hbm>> -> memref<1x1024xf32, #tpu.memory_space<hbm>>
      %dma_start3A_67 = tpu.memref_squeeze %dma_start3A_66 : memref<1x1024xf32, #tpu.memory_space<hbm>> -> memref<1024xf32, #tpu.memory_space<hbm>>
      %dma_start3A_68 = tpu.memref_slice %arg4[%run_scoped3A_46, %mul3A_2] : memref<8x32768xf32, #tpu.memory_space<hbm>> -> memref<1x1024xf32, #tpu.memory_space<hbm>>
      %dma_start3A_69 = tpu.memref_squeeze %dma_start3A_68 : memref<1x1024xf32, #tpu.memory_space<hbm>> -> memref<1024xf32, #tpu.memory_space<hbm>>
      %dma_start3A_70 = arith.constant 0 : i32
      %dma_start3A_71 = tpu.memref_slice %arg9[%run_scoped3A_45, %dma_start3A_70] : memref<8x1024xf32, #tpu.memory_space<vmem>> -> memref<1x1024xf32, #tpu.memory_space<vmem>>
      %dma_start3A_72 = tpu.memref_squeeze %dma_start3A_71 : memref<1x1024xf32, #tpu.memory_space<vmem>> -> memref<1024xf32, #tpu.memory_space<vmem>>
      tpu.enqueue_dma source(%dma_start3A_72 : memref<1024xf32, #tpu.memory_space<vmem>>) target(%dma_start3A_69 : memref<1024xf32, #tpu.memory_space<hbm>>) target_semaphore(%run_scoped3A_63 : memref<!tpu.dma_semaphore, #tpu.memory_space<semaphore_mem>>)
      %dma_wait3A = arith.constant 0 : i32
      %dma_wait3A_73 = tpu.memref_slice %arg9[%run_scoped3A_45, %dma_wait3A] : memref<8x1024xf32, #tpu.memory_space<vmem>> -> memref<1x1024xf32, #tpu.memory_space<vmem>>
      %dma_wait3A_74 = tpu.memref_squeeze %dma_wait3A_73 : memref<1x1024xf32, #tpu.memory_space<vmem>> -> memref<1024xf32, #tpu.memory_space<vmem>>
      %dma_wait3A_75 = tpu.memref_slice %arg4[%run_scoped3A_46, %mul3A_2] : memref<8x32768xf32, #tpu.memory_space<hbm>> -> memref<1x1024xf32, #tpu.memory_space<hbm>>
      %dma_wait3A_76 = tpu.memref_squeeze %dma_wait3A_75 : memref<1x1024xf32, #tpu.memory_space<hbm>> -> memref<1024xf32, #tpu.memory_space<hbm>>
      %dma_wait3A_77 = tpu.memref_slice %arg4[%run_scoped3A_46, %mul3A_2] : memref<8x32768xf32, #tpu.memory_space<hbm>> -> memref<1x1024xf32, #tpu.memory_space<hbm>>
      %dma_wait3A_78 = tpu.memref_squeeze %dma_wait3A_77 : memref<1x1024xf32, #tpu.memory_space<hbm>> -> memref<1024xf32, #tpu.memory_space<hbm>>
      %dma_wait3A_79 = arith.constant 0 : i32
      %dma_wait3A_80 = tpu.memref_slice %arg9[%run_scoped3A_45, %dma_wait3A_79] : memref<8x1024xf32, #tpu.memory_space<vmem>> -> memref<1x1024xf32, #tpu.memory_space<vmem>>
      %dma_wait3A_81 = tpu.memref_squeeze %dma_wait3A_80 : memref<1x1024xf32, #tpu.memory_space<vmem>> -> memref<1024xf32, #tpu.memory_space<vmem>>
      tpu.wait_dma2 semaphore(%run_scoped3A_63 : memref<!tpu.dma_semaphore, #tpu.memory_space<semaphore_mem>>) src(%dma_wait3A_81 : memref<1024xf32, #tpu.memory_space<vmem>>) dst(%dma_wait3A_78 : memref<1024xf32, #tpu.memory_space<hbm>>)
      tpu.yield
    }) : () -> ()
    %run_scoped3A_47 = arith.constant 6 : i32
    %run_scoped3A_48 = arith.constant 6 : i32
    "tpu.region"() ({
      %run_scoped3A_63 = tpu.sem_alloc : memref<!tpu.dma_semaphore, #tpu.memory_space<semaphore_mem>>
      %dma_start3A = arith.constant 0 : i32
      %dma_start3A_64 = tpu.memref_slice %arg8[%run_scoped3A_47, %dma_start3A] : memref<8x1024xf32, #tpu.memory_space<vmem>> -> memref<1x1024xf32, #tpu.memory_space<vmem>>
      %dma_start3A_65 = tpu.memref_squeeze %dma_start3A_64 : memref<1x1024xf32, #tpu.memory_space<vmem>> -> memref<1024xf32, #tpu.memory_space<vmem>>
      %dma_start3A_66 = tpu.memref_slice %arg3[%run_scoped3A_48, %mul3A_2] : memref<8x32768xf32, #tpu.memory_space<hbm>> -> memref<1x1024xf32, #tpu.memory_space<hbm>>
      %dma_start3A_67 = tpu.memref_squeeze %dma_start3A_66 : memref<1x1024xf32, #tpu.memory_space<hbm>> -> memref<1024xf32, #tpu.memory_space<hbm>>
      %dma_start3A_68 = tpu.memref_slice %arg3[%run_scoped3A_48, %mul3A_2] : memref<8x32768xf32, #tpu.memory_space<hbm>> -> memref<1x1024xf32, #tpu.memory_space<hbm>>
      %dma_start3A_69 = tpu.memref_squeeze %dma_start3A_68 : memref<1x1024xf32, #tpu.memory_space<hbm>> -> memref<1024xf32, #tpu.memory_space<hbm>>
      %dma_start3A_70 = arith.constant 0 : i32
      %dma_start3A_71 = tpu.memref_slice %arg8[%run_scoped3A_47, %dma_start3A_70] : memref<8x1024xf32, #tpu.memory_space<vmem>> -> memref<1x1024xf32, #tpu.memory_space<vmem>>
      %dma_start3A_72 = tpu.memref_squeeze %dma_start3A_71 : memref<1x1024xf32, #tpu.memory_space<vmem>> -> memref<1024xf32, #tpu.memory_space<vmem>>
      tpu.enqueue_dma source(%dma_start3A_72 : memref<1024xf32, #tpu.memory_space<vmem>>) target(%dma_start3A_69 : memref<1024xf32, #tpu.memory_space<hbm>>) target_semaphore(%run_scoped3A_63 : memref<!tpu.dma_semaphore, #tpu.memory_space<semaphore_mem>>)
      %dma_wait3A = arith.constant 0 : i32
      %dma_wait3A_73 = tpu.memref_slice %arg8[%run_scoped3A_47, %dma_wait3A] : memref<8x1024xf32, #tpu.memory_space<vmem>> -> memref<1x1024xf32, #tpu.memory_space<vmem>>
      %dma_wait3A_74 = tpu.memref_squeeze %dma_wait3A_73 : memref<1x1024xf32, #tpu.memory_space<vmem>> -> memref<1024xf32, #tpu.memory_space<vmem>>
      %dma_wait3A_75 = tpu.memref_slice %arg3[%run_scoped3A_48, %mul3A_2] : memref<8x32768xf32, #tpu.memory_space<hbm>> -> memref<1x1024xf32, #tpu.memory_space<hbm>>
      %dma_wait3A_76 = tpu.memref_squeeze %dma_wait3A_75 : memref<1x1024xf32, #tpu.memory_space<hbm>> -> memref<1024xf32, #tpu.memory_space<hbm>>
      %dma_wait3A_77 = tpu.memref_slice %arg3[%run_scoped3A_48, %mul3A_2] : memref<8x32768xf32, #tpu.memory_space<hbm>> -> memref<1x1024xf32, #tpu.memory_space<hbm>>
      %dma_wait3A_78 = tpu.memref_squeeze %dma_wait3A_77 : memref<1x1024xf32, #tpu.memory_space<hbm>> -> memref<1024xf32, #tpu.memory_space<hbm>>
      %dma_wait3A_79 = arith.constant 0 : i32
      %dma_wait3A_80 = tpu.memref_slice %arg8[%run_scoped3A_47, %dma_wait3A_79] : memref<8x1024xf32, #tpu.memory_space<vmem>> -> memref<1x1024xf32, #tpu.memory_space<vmem>>
      %dma_wait3A_81 = tpu.memref_squeeze %dma_wait3A_80 : memref<1x1024xf32, #tpu.memory_space<vmem>> -> memref<1024xf32, #tpu.memory_space<vmem>>
      tpu.wait_dma2 semaphore(%run_scoped3A_63 : memref<!tpu.dma_semaphore, #tpu.memory_space<semaphore_mem>>) src(%dma_wait3A_81 : memref<1024xf32, #tpu.memory_space<vmem>>) dst(%dma_wait3A_78 : memref<1024xf32, #tpu.memory_space<hbm>>)
      tpu.yield
    }) : () -> ()
    %run_scoped3A_49 = arith.constant 6 : i32
    %run_scoped3A_50 = arith.constant 6 : i32
    "tpu.region"() ({
      %run_scoped3A_63 = tpu.sem_alloc : memref<!tpu.dma_semaphore, #tpu.memory_space<semaphore_mem>>
      %dma_start3A = arith.constant 0 : i32
      %dma_start3A_64 = tpu.memref_slice %arg9[%run_scoped3A_49, %dma_start3A] : memref<8x1024xf32, #tpu.memory_space<vmem>> -> memref<1x1024xf32, #tpu.memory_space<vmem>>
      %dma_start3A_65 = tpu.memref_squeeze %dma_start3A_64 : memref<1x1024xf32, #tpu.memory_space<vmem>> -> memref<1024xf32, #tpu.memory_space<vmem>>
      %dma_start3A_66 = tpu.memref_slice %arg4[%run_scoped3A_50, %mul3A_2] : memref<8x32768xf32, #tpu.memory_space<hbm>> -> memref<1x1024xf32, #tpu.memory_space<hbm>>
      %dma_start3A_67 = tpu.memref_squeeze %dma_start3A_66 : memref<1x1024xf32, #tpu.memory_space<hbm>> -> memref<1024xf32, #tpu.memory_space<hbm>>
      %dma_start3A_68 = tpu.memref_slice %arg4[%run_scoped3A_50, %mul3A_2] : memref<8x32768xf32, #tpu.memory_space<hbm>> -> memref<1x1024xf32, #tpu.memory_space<hbm>>
      %dma_start3A_69 = tpu.memref_squeeze %dma_start3A_68 : memref<1x1024xf32, #tpu.memory_space<hbm>> -> memref<1024xf32, #tpu.memory_space<hbm>>
      %dma_start3A_70 = arith.constant 0 : i32
      %dma_start3A_71 = tpu.memref_slice %arg9[%run_scoped3A_49, %dma_start3A_70] : memref<8x1024xf32, #tpu.memory_space<vmem>> -> memref<1x1024xf32, #tpu.memory_space<vmem>>
      %dma_start3A_72 = tpu.memref_squeeze %dma_start3A_71 : memref<1x1024xf32, #tpu.memory_space<vmem>> -> memref<1024xf32, #tpu.memory_space<vmem>>
      tpu.enqueue_dma source(%dma_start3A_72 : memref<1024xf32, #tpu.memory_space<vmem>>) target(%dma_start3A_69 : memref<1024xf32, #tpu.memory_space<hbm>>) target_semaphore(%run_scoped3A_63 : memref<!tpu.dma_semaphore, #tpu.memory_space<semaphore_mem>>)
      %dma_wait3A = arith.constant 0 : i32
      %dma_wait3A_73 = tpu.memref_slice %arg9[%run_scoped3A_49, %dma_wait3A] : memref<8x1024xf32, #tpu.memory_space<vmem>> -> memref<1x1024xf32, #tpu.memory_space<vmem>>
      %dma_wait3A_74 = tpu.memref_squeeze %dma_wait3A_73 : memref<1x1024xf32, #tpu.memory_space<vmem>> -> memref<1024xf32, #tpu.memory_space<vmem>>
      %dma_wait3A_75 = tpu.memref_slice %arg4[%run_scoped3A_50, %mul3A_2] : memref<8x32768xf32, #tpu.memory_space<hbm>> -> memref<1x1024xf32, #tpu.memory_space<hbm>>
      %dma_wait3A_76 = tpu.memref_squeeze %dma_wait3A_75 : memref<1x1024xf32, #tpu.memory_space<hbm>> -> memref<1024xf32, #tpu.memory_space<hbm>>
      %dma_wait3A_77 = tpu.memref_slice %arg4[%run_scoped3A_50, %mul3A_2] : memref<8x32768xf32, #tpu.memory_space<hbm>> -> memref<1x1024xf32, #tpu.memory_space<hbm>>
      %dma_wait3A_78 = tpu.memref_squeeze %dma_wait3A_77 : memref<1x1024xf32, #tpu.memory_space<hbm>> -> memref<1024xf32, #tpu.memory_space<hbm>>
      %dma_wait3A_79 = arith.constant 0 : i32
      %dma_wait3A_80 = tpu.memref_slice %arg9[%run_scoped3A_49, %dma_wait3A_79] : memref<8x1024xf32, #tpu.memory_space<vmem>> -> memref<1x1024xf32, #tpu.memory_space<vmem>>
      %dma_wait3A_81 = tpu.memref_squeeze %dma_wait3A_80 : memref<1x1024xf32, #tpu.memory_space<vmem>> -> memref<1024xf32, #tpu.memory_space<vmem>>
      tpu.wait_dma2 semaphore(%run_scoped3A_63 : memref<!tpu.dma_semaphore, #tpu.memory_space<semaphore_mem>>) src(%dma_wait3A_81 : memref<1024xf32, #tpu.memory_space<vmem>>) dst(%dma_wait3A_78 : memref<1024xf32, #tpu.memory_space<hbm>>)
      tpu.yield
    }) : () -> ()
    %run_scoped3A_51 = arith.constant 7 : i32
    %run_scoped3A_52 = arith.constant 7 : i32
    "tpu.region"() ({
      %run_scoped3A_63 = tpu.sem_alloc : memref<!tpu.dma_semaphore, #tpu.memory_space<semaphore_mem>>
      %dma_start3A = arith.constant 0 : i32
      %dma_start3A_64 = tpu.memref_slice %arg8[%run_scoped3A_51, %dma_start3A] : memref<8x1024xf32, #tpu.memory_space<vmem>> -> memref<1x1024xf32, #tpu.memory_space<vmem>>
      %dma_start3A_65 = tpu.memref_squeeze %dma_start3A_64 : memref<1x1024xf32, #tpu.memory_space<vmem>> -> memref<1024xf32, #tpu.memory_space<vmem>>
      %dma_start3A_66 = tpu.memref_slice %arg3[%run_scoped3A_52, %mul3A_2] : memref<8x32768xf32, #tpu.memory_space<hbm>> -> memref<1x1024xf32, #tpu.memory_space<hbm>>
      %dma_start3A_67 = tpu.memref_squeeze %dma_start3A_66 : memref<1x1024xf32, #tpu.memory_space<hbm>> -> memref<1024xf32, #tpu.memory_space<hbm>>
      %dma_start3A_68 = tpu.memref_slice %arg3[%run_scoped3A_52, %mul3A_2] : memref<8x32768xf32, #tpu.memory_space<hbm>> -> memref<1x1024xf32, #tpu.memory_space<hbm>>
      %dma_start3A_69 = tpu.memref_squeeze %dma_start3A_68 : memref<1x1024xf32, #tpu.memory_space<hbm>> -> memref<1024xf32, #tpu.memory_space<hbm>>
      %dma_start3A_70 = arith.constant 0 : i32
      %dma_start3A_71 = tpu.memref_slice %arg8[%run_scoped3A_51, %dma_start3A_70] : memref<8x1024xf32, #tpu.memory_space<vmem>> -> memref<1x1024xf32, #tpu.memory_space<vmem>>
      %dma_start3A_72 = tpu.memref_squeeze %dma_start3A_71 : memref<1x1024xf32, #tpu.memory_space<vmem>> -> memref<1024xf32, #tpu.memory_space<vmem>>
      tpu.enqueue_dma source(%dma_start3A_72 : memref<1024xf32, #tpu.memory_space<vmem>>) target(%dma_start3A_69 : memref<1024xf32, #tpu.memory_space<hbm>>) target_semaphore(%run_scoped3A_63 : memref<!tpu.dma_semaphore, #tpu.memory_space<semaphore_mem>>)
      %dma_wait3A = arith.constant 0 : i32
      %dma_wait3A_73 = tpu.memref_slice %arg8[%run_scoped3A_51, %dma_wait3A] : memref<8x1024xf32, #tpu.memory_space<vmem>> -> memref<1x1024xf32, #tpu.memory_space<vmem>>
      %dma_wait3A_74 = tpu.memref_squeeze %dma_wait3A_73 : memref<1x1024xf32, #tpu.memory_space<vmem>> -> memref<1024xf32, #tpu.memory_space<vmem>>
      %dma_wait3A_75 = tpu.memref_slice %arg3[%run_scoped3A_52, %mul3A_2] : memref<8x32768xf32, #tpu.memory_space<hbm>> -> memref<1x1024xf32, #tpu.memory_space<hbm>>
      %dma_wait3A_76 = tpu.memref_squeeze %dma_wait3A_75 : memref<1x1024xf32, #tpu.memory_space<hbm>> -> memref<1024xf32, #tpu.memory_space<hbm>>
      %dma_wait3A_77 = tpu.memref_slice %arg3[%run_scoped3A_52, %mul3A_2] : memref<8x32768xf32, #tpu.memory_space<hbm>> -> memref<1x1024xf32, #tpu.memory_space<hbm>>
      %dma_wait3A_78 = tpu.memref_squeeze %dma_wait3A_77 : memref<1x1024xf32, #tpu.memory_space<hbm>> -> memref<1024xf32, #tpu.memory_space<hbm>>
      %dma_wait3A_79 = arith.constant 0 : i32
      %dma_wait3A_80 = tpu.memref_slice %arg8[%run_scoped3A_51, %dma_wait3A_79] : memref<8x1024xf32, #tpu.memory_space<vmem>> -> memref<1x1024xf32, #tpu.memory_space<vmem>>
      %dma_wait3A_81 = tpu.memref_squeeze %dma_wait3A_80 : memref<1x1024xf32, #tpu.memory_space<vmem>> -> memref<1024xf32, #tpu.memory_space<vmem>>
      tpu.wait_dma2 semaphore(%run_scoped3A_63 : memref<!tpu.dma_semaphore, #tpu.memory_space<semaphore_mem>>) src(%dma_wait3A_81 : memref<1024xf32, #tpu.memory_space<vmem>>) dst(%dma_wait3A_78 : memref<1024xf32, #tpu.memory_space<hbm>>)
      tpu.yield
    }) : () -> ()
    %run_scoped3A_53 = arith.constant 7 : i32
    %run_scoped3A_54 = arith.constant 7 : i32
    "tpu.region"() ({
      %run_scoped3A_63 = tpu.sem_alloc : memref<!tpu.dma_semaphore, #tpu.memory_space<semaphore_mem>>
      %dma_start3A = arith.constant 0 : i32
      %dma_start3A_64 = tpu.memref_slice %arg9[%run_scoped3A_53, %dma_start3A] : memref<8x1024xf32, #tpu.memory_space<vmem>> -> memref<1x1024xf32, #tpu.memory_space<vmem>>
      %dma_start3A_65 = tpu.memref_squeeze %dma_start3A_64 : memref<1x1024xf32, #tpu.memory_space<vmem>> -> memref<1024xf32, #tpu.memory_space<vmem>>
      %dma_start3A_66 = tpu.memref_slice %arg4[%run_scoped3A_54, %mul3A_2] : memref<8x32768xf32, #tpu.memory_space<hbm>> -> memref<1x1024xf32, #tpu.memory_space<hbm>>
      %dma_start3A_67 = tpu.memref_squeeze %dma_start3A_66 : memref<1x1024xf32, #tpu.memory_space<hbm>> -> memref<1024xf32, #tpu.memory_space<hbm>>
      %dma_start3A_68 = tpu.memref_slice %arg4[%run_scoped3A_54, %mul3A_2] : memref<8x32768xf32, #tpu.memory_space<hbm>> -> memref<1x1024xf32, #tpu.memory_space<hbm>>
      %dma_start3A_69 = tpu.memref_squeeze %dma_start3A_68 : memref<1x1024xf32, #tpu.memory_space<hbm>> -> memref<1024xf32, #tpu.memory_space<hbm>>
      %dma_start3A_70 = arith.constant 0 : i32
      %dma_start3A_71 = tpu.memref_slice %arg9[%run_scoped3A_53, %dma_start3A_70] : memref<8x1024xf32, #tpu.memory_space<vmem>> -> memref<1x1024xf32, #tpu.memory_space<vmem>>
      %dma_start3A_72 = tpu.memref_squeeze %dma_start3A_71 : memref<1x1024xf32, #tpu.memory_space<vmem>> -> memref<1024xf32, #tpu.memory_space<vmem>>
      tpu.enqueue_dma source(%dma_start3A_72 : memref<1024xf32, #tpu.memory_space<vmem>>) target(%dma_start3A_69 : memref<1024xf32, #tpu.memory_space<hbm>>) target_semaphore(%run_scoped3A_63 : memref<!tpu.dma_semaphore, #tpu.memory_space<semaphore_mem>>)
      %dma_wait3A = arith.constant 0 : i32
      %dma_wait3A_73 = tpu.memref_slice %arg9[%run_scoped3A_53, %dma_wait3A] : memref<8x1024xf32, #tpu.memory_space<vmem>> -> memref<1x1024xf32, #tpu.memory_space<vmem>>
      %dma_wait3A_74 = tpu.memref_squeeze %dma_wait3A_73 : memref<1x1024xf32, #tpu.memory_space<vmem>> -> memref<1024xf32, #tpu.memory_space<vmem>>
      %dma_wait3A_75 = tpu.memref_slice %arg4[%run_scoped3A_54, %mul3A_2] : memref<8x32768xf32, #tpu.memory_space<hbm>> -> memref<1x1024xf32, #tpu.memory_space<hbm>>
      %dma_wait3A_76 = tpu.memref_squeeze %dma_wait3A_75 : memref<1x1024xf32, #tpu.memory_space<hbm>> -> memref<1024xf32, #tpu.memory_space<hbm>>
      %dma_wait3A_77 = tpu.memref_slice %arg4[%run_scoped3A_54, %mul3A_2] : memref<8x32768xf32, #tpu.memory_space<hbm>> -> memref<1x1024xf32, #tpu.memory_space<hbm>>
      %dma_wait3A_78 = tpu.memref_squeeze %dma_wait3A_77 : memref<1x1024xf32, #tpu.memory_space<hbm>> -> memref<1024xf32, #tpu.memory_space<hbm>>
      %dma_wait3A_79 = arith.constant 0 : i32
      %dma_wait3A_80 = tpu.memref_slice %arg9[%run_scoped3A_53, %dma_wait3A_79] : memref<8x1024xf32, #tpu.memory_space<vmem>> -> memref<1x1024xf32, #tpu.memory_space<vmem>>
      %dma_wait3A_81 = tpu.memref_squeeze %dma_wait3A_80 : memref<1x1024xf32, #tpu.memory_space<vmem>> -> memref<1024xf32, #tpu.memory_space<vmem>>
      tpu.wait_dma2 semaphore(%run_scoped3A_63 : memref<!tpu.dma_semaphore, #tpu.memory_space<semaphore_mem>>) src(%dma_wait3A_81 : memref<1024xf32, #tpu.memory_space<vmem>>) dst(%dma_wait3A_78 : memref<1024xf32, #tpu.memory_space<hbm>>)
      tpu.yield
    }) : () -> ()
    %run_scoped3A_55 = arith.constant 0 : i32
    %run_scoped3A_56 = arith.constant 0 : i32
    "tpu.region"() ({
      %run_scoped3A_63 = tpu.sem_alloc : memref<!tpu.dma_semaphore, #tpu.memory_space<semaphore_mem>>
      %dma_start3A = arith.constant 0 : i32
      %dma_start3A_64 = tpu.memref_slice %arg10[%run_scoped3A_55, %dma_start3A] : memref<2x1024xi32, #tpu.memory_space<vmem>> -> memref<1x1024xi32, #tpu.memory_space<vmem>>
      %dma_start3A_65 = tpu.memref_squeeze %dma_start3A_64 : memref<1x1024xi32, #tpu.memory_space<vmem>> -> memref<1024xi32, #tpu.memory_space<vmem>>
      %dma_start3A_66 = tpu.memref_slice %arg5[%run_scoped3A_56, %mul3A_2] : memref<2x32768xi32, #tpu.memory_space<hbm>> -> memref<1x1024xi32, #tpu.memory_space<hbm>>
      %dma_start3A_67 = tpu.memref_squeeze %dma_start3A_66 : memref<1x1024xi32, #tpu.memory_space<hbm>> -> memref<1024xi32, #tpu.memory_space<hbm>>
      %dma_start3A_68 = tpu.memref_slice %arg5[%run_scoped3A_56, %mul3A_2] : memref<2x32768xi32, #tpu.memory_space<hbm>> -> memref<1x1024xi32, #tpu.memory_space<hbm>>
      %dma_start3A_69 = tpu.memref_squeeze %dma_start3A_68 : memref<1x1024xi32, #tpu.memory_space<hbm>> -> memref<1024xi32, #tpu.memory_space<hbm>>
      %dma_start3A_70 = arith.constant 0 : i32
      %dma_start3A_71 = tpu.memref_slice %arg10[%run_scoped3A_55, %dma_start3A_70] : memref<2x1024xi32, #tpu.memory_space<vmem>> -> memref<1x1024xi32, #tpu.memory_space<vmem>>
      %dma_start3A_72 = tpu.memref_squeeze %dma_start3A_71 : memref<1x1024xi32, #tpu.memory_space<vmem>> -> memref<1024xi32, #tpu.memory_space<vmem>>
      tpu.enqueue_dma source(%dma_start3A_72 : memref<1024xi32, #tpu.memory_space<vmem>>) target(%dma_start3A_69 : memref<1024xi32, #tpu.memory_space<hbm>>) target_semaphore(%run_scoped3A_63 : memref<!tpu.dma_semaphore, #tpu.memory_space<semaphore_mem>>)
      %dma_wait3A = arith.constant 0 : i32
      %dma_wait3A_73 = tpu.memref_slice %arg10[%run_scoped3A_55, %dma_wait3A] : memref<2x1024xi32, #tpu.memory_space<vmem>> -> memref<1x1024xi32, #tpu.memory_space<vmem>>
      %dma_wait3A_74 = tpu.memref_squeeze %dma_wait3A_73 : memref<1x1024xi32, #tpu.memory_space<vmem>> -> memref<1024xi32, #tpu.memory_space<vmem>>
      %dma_wait3A_75 = tpu.memref_slice %arg5[%run_scoped3A_56, %mul3A_2] : memref<2x32768xi32, #tpu.memory_space<hbm>> -> memref<1x1024xi32, #tpu.memory_space<hbm>>
      %dma_wait3A_76 = tpu.memref_squeeze %dma_wait3A_75 : memref<1x1024xi32, #tpu.memory_space<hbm>> -> memref<1024xi32, #tpu.memory_space<hbm>>
      %dma_wait3A_77 = tpu.memref_slice %arg5[%run_scoped3A_56, %mul3A_2] : memref<2x32768xi32, #tpu.memory_space<hbm>> -> memref<1x1024xi32, #tpu.memory_space<hbm>>
      %dma_wait3A_78 = tpu.memref_squeeze %dma_wait3A_77 : memref<1x1024xi32, #tpu.memory_space<hbm>> -> memref<1024xi32, #tpu.memory_space<hbm>>
      %dma_wait3A_79 = arith.constant 0 : i32
      %dma_wait3A_80 = tpu.memref_slice %arg10[%run_scoped3A_55, %dma_wait3A_79] : memref<2x1024xi32, #tpu.memory_space<vmem>> -> memref<1x1024xi32, #tpu.memory_space<vmem>>
      %dma_wait3A_81 = tpu.memref_squeeze %dma_wait3A_80 : memref<1x1024xi32, #tpu.memory_space<vmem>> -> memref<1024xi32, #tpu.memory_space<vmem>>
      tpu.wait_dma2 semaphore(%run_scoped3A_63 : memref<!tpu.dma_semaphore, #tpu.memory_space<semaphore_mem>>) src(%dma_wait3A_81 : memref<1024xi32, #tpu.memory_space<vmem>>) dst(%dma_wait3A_78 : memref<1024xi32, #tpu.memory_space<hbm>>)
      tpu.yield
    }) : () -> ()
    %run_scoped3A_57 = arith.constant 0 : i32
    %run_scoped3A_58 = arith.constant 0 : i32
    "tpu.region"() ({
      %run_scoped3A_63 = tpu.sem_alloc : memref<!tpu.dma_semaphore, #tpu.memory_space<semaphore_mem>>
      %dma_start3A = arith.constant 0 : i32
      %dma_start3A_64 = tpu.memref_slice %arg11[%run_scoped3A_57, %dma_start3A] : memref<2x1024xf32, #tpu.memory_space<vmem>> -> memref<1x1024xf32, #tpu.memory_space<vmem>>
      %dma_start3A_65 = tpu.memref_squeeze %dma_start3A_64 : memref<1x1024xf32, #tpu.memory_space<vmem>> -> memref<1024xf32, #tpu.memory_space<vmem>>
      %dma_start3A_66 = tpu.memref_slice %arg6[%run_scoped3A_58, %mul3A_2] : memref<2x32768xf32, #tpu.memory_space<hbm>> -> memref<1x1024xf32, #tpu.memory_space<hbm>>
      %dma_start3A_67 = tpu.memref_squeeze %dma_start3A_66 : memref<1x1024xf32, #tpu.memory_space<hbm>> -> memref<1024xf32, #tpu.memory_space<hbm>>
      %dma_start3A_68 = tpu.memref_slice %arg6[%run_scoped3A_58, %mul3A_2] : memref<2x32768xf32, #tpu.memory_space<hbm>> -> memref<1x1024xf32, #tpu.memory_space<hbm>>
      %dma_start3A_69 = tpu.memref_squeeze %dma_start3A_68 : memref<1x1024xf32, #tpu.memory_space<hbm>> -> memref<1024xf32, #tpu.memory_space<hbm>>
      %dma_start3A_70 = arith.constant 0 : i32
      %dma_start3A_71 = tpu.memref_slice %arg11[%run_scoped3A_57, %dma_start3A_70] : memref<2x1024xf32, #tpu.memory_space<vmem>> -> memref<1x1024xf32, #tpu.memory_space<vmem>>
      %dma_start3A_72 = tpu.memref_squeeze %dma_start3A_71 : memref<1x1024xf32, #tpu.memory_space<vmem>> -> memref<1024xf32, #tpu.memory_space<vmem>>
      tpu.enqueue_dma source(%dma_start3A_72 : memref<1024xf32, #tpu.memory_space<vmem>>) target(%dma_start3A_69 : memref<1024xf32, #tpu.memory_space<hbm>>) target_semaphore(%run_scoped3A_63 : memref<!tpu.dma_semaphore, #tpu.memory_space<semaphore_mem>>)
      %dma_wait3A = arith.constant 0 : i32
      %dma_wait3A_73 = tpu.memref_slice %arg11[%run_scoped3A_57, %dma_wait3A] : memref<2x1024xf32, #tpu.memory_space<vmem>> -> memref<1x1024xf32, #tpu.memory_space<vmem>>
      %dma_wait3A_74 = tpu.memref_squeeze %dma_wait3A_73 : memref<1x1024xf32, #tpu.memory_space<vmem>> -> memref<1024xf32, #tpu.memory_space<vmem>>
      %dma_wait3A_75 = tpu.memref_slice %arg6[%run_scoped3A_58, %mul3A_2] : memref<2x32768xf32, #tpu.memory_space<hbm>> -> memref<1x1024xf32, #tpu.memory_space<hbm>>
      %dma_wait3A_76 = tpu.memref_squeeze %dma_wait3A_75 : memref<1x1024xf32, #tpu.memory_space<hbm>> -> memref<1024xf32, #tpu.memory_space<hbm>>
      %dma_wait3A_77 = tpu.memref_slice %arg6[%run_scoped3A_58, %mul3A_2] : memref<2x32768xf32, #tpu.memory_space<hbm>> -> memref<1x1024xf32, #tpu.memory_space<hbm>>
      %dma_wait3A_78 = tpu.memref_squeeze %dma_wait3A_77 : memref<1x1024xf32, #tpu.memory_space<hbm>> -> memref<1024xf32, #tpu.memory_space<hbm>>
      %dma_wait3A_79 = arith.constant 0 : i32
      %dma_wait3A_80 = tpu.memref_slice %arg11[%run_scoped3A_57, %dma_wait3A_79] : memref<2x1024xf32, #tpu.memory_space<vmem>> -> memref<1x1024xf32, #tpu.memory_space<vmem>>
      %dma_wait3A_81 = tpu.memref_squeeze %dma_wait3A_80 : memref<1x1024xf32, #tpu.memory_space<vmem>> -> memref<1024xf32, #tpu.memory_space<vmem>>
      tpu.wait_dma2 semaphore(%run_scoped3A_63 : memref<!tpu.dma_semaphore, #tpu.memory_space<semaphore_mem>>) src(%dma_wait3A_81 : memref<1024xf32, #tpu.memory_space<vmem>>) dst(%dma_wait3A_78 : memref<1024xf32, #tpu.memory_space<hbm>>)
      tpu.yield
    }) : () -> ()
    %run_scoped3A_59 = arith.constant 1 : i32
    %run_scoped3A_60 = arith.constant 1 : i32
    "tpu.region"() ({
      %run_scoped3A_63 = tpu.sem_alloc : memref<!tpu.dma_semaphore, #tpu.memory_space<semaphore_mem>>
      %dma_start3A = arith.constant 0 : i32
      %dma_start3A_64 = tpu.memref_slice %arg10[%run_scoped3A_59, %dma_start3A] : memref<2x1024xi32, #tpu.memory_space<vmem>> -> memref<1x1024xi32, #tpu.memory_space<vmem>>
      %dma_start3A_65 = tpu.memref_squeeze %dma_start3A_64 : memref<1x1024xi32, #tpu.memory_space<vmem>> -> memref<1024xi32, #tpu.memory_space<vmem>>
      %dma_start3A_66 = tpu.memref_slice %arg5[%run_scoped3A_60, %mul3A_2] : memref<2x32768xi32, #tpu.memory_space<hbm>> -> memref<1x1024xi32, #tpu.memory_space<hbm>>
      %dma_start3A_67 = tpu.memref_squeeze %dma_start3A_66 : memref<1x1024xi32, #tpu.memory_space<hbm>> -> memref<1024xi32, #tpu.memory_space<hbm>>
      %dma_start3A_68 = tpu.memref_slice %arg5[%run_scoped3A_60, %mul3A_2] : memref<2x32768xi32, #tpu.memory_space<hbm>> -> memref<1x1024xi32, #tpu.memory_space<hbm>>
      %dma_start3A_69 = tpu.memref_squeeze %dma_start3A_68 : memref<1x1024xi32, #tpu.memory_space<hbm>> -> memref<1024xi32, #tpu.memory_space<hbm>>
      %dma_start3A_70 = arith.constant 0 : i32
      %dma_start3A_71 = tpu.memref_slice %arg10[%run_scoped3A_59, %dma_start3A_70] : memref<2x1024xi32, #tpu.memory_space<vmem>> -> memref<1x1024xi32, #tpu.memory_space<vmem>>
      %dma_start3A_72 = tpu.memref_squeeze %dma_start3A_71 : memref<1x1024xi32, #tpu.memory_space<vmem>> -> memref<1024xi32, #tpu.memory_space<vmem>>
      tpu.enqueue_dma source(%dma_start3A_72 : memref<1024xi32, #tpu.memory_space<vmem>>) target(%dma_start3A_69 : memref<1024xi32, #tpu.memory_space<hbm>>) target_semaphore(%run_scoped3A_63 : memref<!tpu.dma_semaphore, #tpu.memory_space<semaphore_mem>>)
      %dma_wait3A = arith.constant 0 : i32
      %dma_wait3A_73 = tpu.memref_slice %arg10[%run_scoped3A_59, %dma_wait3A] : memref<2x1024xi32, #tpu.memory_space<vmem>> -> memref<1x1024xi32, #tpu.memory_space<vmem>>
      %dma_wait3A_74 = tpu.memref_squeeze %dma_wait3A_73 : memref<1x1024xi32, #tpu.memory_space<vmem>> -> memref<1024xi32, #tpu.memory_space<vmem>>
      %dma_wait3A_75 = tpu.memref_slice %arg5[%run_scoped3A_60, %mul3A_2] : memref<2x32768xi32, #tpu.memory_space<hbm>> -> memref<1x1024xi32, #tpu.memory_space<hbm>>
      %dma_wait3A_76 = tpu.memref_squeeze %dma_wait3A_75 : memref<1x1024xi32, #tpu.memory_space<hbm>> -> memref<1024xi32, #tpu.memory_space<hbm>>
      %dma_wait3A_77 = tpu.memref_slice %arg5[%run_scoped3A_60, %mul3A_2] : memref<2x32768xi32, #tpu.memory_space<hbm>> -> memref<1x1024xi32, #tpu.memory_space<hbm>>
      %dma_wait3A_78 = tpu.memref_squeeze %dma_wait3A_77 : memref<1x1024xi32, #tpu.memory_space<hbm>> -> memref<1024xi32, #tpu.memory_space<hbm>>
      %dma_wait3A_79 = arith.constant 0 : i32
      %dma_wait3A_80 = tpu.memref_slice %arg10[%run_scoped3A_59, %dma_wait3A_79] : memref<2x1024xi32, #tpu.memory_space<vmem>> -> memref<1x1024xi32, #tpu.memory_space<vmem>>
      %dma_wait3A_81 = tpu.memref_squeeze %dma_wait3A_80 : memref<1x1024xi32, #tpu.memory_space<vmem>> -> memref<1024xi32, #tpu.memory_space<vmem>>
      tpu.wait_dma2 semaphore(%run_scoped3A_63 : memref<!tpu.dma_semaphore, #tpu.memory_space<semaphore_mem>>) src(%dma_wait3A_81 : memref<1024xi32, #tpu.memory_space<vmem>>) dst(%dma_wait3A_78 : memref<1024xi32, #tpu.memory_space<hbm>>)
      tpu.yield
    }) : () -> ()
    %run_scoped3A_61 = arith.constant 1 : i32
    %run_scoped3A_62 = arith.constant 1 : i32
    "tpu.region"() ({
      %run_scoped3A_63 = tpu.sem_alloc : memref<!tpu.dma_semaphore, #tpu.memory_space<semaphore_mem>>
      %dma_start3A = arith.constant 0 : i32
      %dma_start3A_64 = tpu.memref_slice %arg11[%run_scoped3A_61, %dma_start3A] : memref<2x1024xf32, #tpu.memory_space<vmem>> -> memref<1x1024xf32, #tpu.memory_space<vmem>>
      %dma_start3A_65 = tpu.memref_squeeze %dma_start3A_64 : memref<1x1024xf32, #tpu.memory_space<vmem>> -> memref<1024xf32, #tpu.memory_space<vmem>>
      %dma_start3A_66 = tpu.memref_slice %arg6[%run_scoped3A_62, %mul3A_2] : memref<2x32768xf32, #tpu.memory_space<hbm>> -> memref<1x1024xf32, #tpu.memory_space<hbm>>
      %dma_start3A_67 = tpu.memref_squeeze %dma_start3A_66 : memref<1x1024xf32, #tpu.memory_space<hbm>> -> memref<1024xf32, #tpu.memory_space<hbm>>
      %dma_start3A_68 = tpu.memref_slice %arg6[%run_scoped3A_62, %mul3A_2] : memref<2x32768xf32, #tpu.memory_space<hbm>> -> memref<1x1024xf32, #tpu.memory_space<hbm>>
      %dma_start3A_69 = tpu.memref_squeeze %dma_start3A_68 : memref<1x1024xf32, #tpu.memory_space<hbm>> -> memref<1024xf32, #tpu.memory_space<hbm>>
      %dma_start3A_70 = arith.constant 0 : i32
      %dma_start3A_71 = tpu.memref_slice %arg11[%run_scoped3A_61, %dma_start3A_70] : memref<2x1024xf32, #tpu.memory_space<vmem>> -> memref<1x1024xf32, #tpu.memory_space<vmem>>
      %dma_start3A_72 = tpu.memref_squeeze %dma_start3A_71 : memref<1x1024xf32, #tpu.memory_space<vmem>> -> memref<1024xf32, #tpu.memory_space<vmem>>
      tpu.enqueue_dma source(%dma_start3A_72 : memref<1024xf32, #tpu.memory_space<vmem>>) target(%dma_start3A_69 : memref<1024xf32, #tpu.memory_space<hbm>>) target_semaphore(%run_scoped3A_63 : memref<!tpu.dma_semaphore, #tpu.memory_space<semaphore_mem>>)
      %dma_wait3A = arith.constant 0 : i32
      %dma_wait3A_73 = tpu.memref_slice %arg11[%run_scoped3A_61, %dma_wait3A] : memref<2x1024xf32, #tpu.memory_space<vmem>> -> memref<1x1024xf32, #tpu.memory_space<vmem>>
      %dma_wait3A_74 = tpu.memref_squeeze %dma_wait3A_73 : memref<1x1024xf32, #tpu.memory_space<vmem>> -> memref<1024xf32, #tpu.memory_space<vmem>>
      %dma_wait3A_75 = tpu.memref_slice %arg6[%run_scoped3A_62, %mul3A_2] : memref<2x32768xf32, #tpu.memory_space<hbm>> -> memref<1x1024xf32, #tpu.memory_space<hbm>>
      %dma_wait3A_76 = tpu.memref_squeeze %dma_wait3A_75 : memref<1x1024xf32, #tpu.memory_space<hbm>> -> memref<1024xf32, #tpu.memory_space<hbm>>
      %dma_wait3A_77 = tpu.memref_slice %arg6[%run_scoped3A_62, %mul3A_2] : memref<2x32768xf32, #tpu.memory_space<hbm>> -> memref<1x1024xf32, #tpu.memory_space<hbm>>
      %dma_wait3A_78 = tpu.memref_squeeze %dma_wait3A_77 : memref<1x1024xf32, #tpu.memory_space<hbm>> -> memref<1024xf32, #tpu.memory_space<hbm>>
      %dma_wait3A_79 = arith.constant 0 : i32
      %dma_wait3A_80 = tpu.memref_slice %arg11[%run_scoped3A_61, %dma_wait3A_79] : memref<2x1024xf32, #tpu.memory_space<vmem>> -> memref<1x1024xf32, #tpu.memory_space<vmem>>
      %dma_wait3A_81 = tpu.memref_squeeze %dma_wait3A_80 : memref<1x1024xf32, #tpu.memory_space<vmem>> -> memref<1024xf32, #tpu.memory_space<vmem>>
      tpu.wait_dma2 semaphore(%run_scoped3A_63 : memref<!tpu.dma_semaphore, #tpu.memory_space<semaphore_mem>>) src(%dma_wait3A_81 : memref<1024xf32, #tpu.memory_space<vmem>>) dst(%dma_wait3A_78 : memref<1024xf32, #tpu.memory_space<hbm>>)
      tpu.yield
    }) : () -> ()
    return
  }
}

module attributes {stable_mosaic.version = 14 : i64} {
  func.func @_logits_block(%arg0: i32, %arg1: memref<1024x768xf32, #tpu.memory_space<vmem>>, %arg2: memref<1024x768xf32, #tpu.memory_space<vmem>>, %arg3: memref<1024x768xf32, #tpu.memory_space<vmem>>, %arg4: memref<1024x768xf32, #tpu.memory_space<vmem>>, %arg5: memref<8x768xf32, #tpu.memory_space<vmem>>, %arg6: memref<8x1xf32, #tpu.memory_space<vmem>>, %arg7: memref<8x4096xf32, #tpu.memory_space<vmem>>) attributes {dimension_semantics = [#tpu.dimension_semantics<parallel>], iteration_bounds = array<i64: 8>, scalar_prefetch = 0 : i64, scratch_operands = 0 : i64, tpu.core_type = #tpu.core_type<tc>, window_params = [{transform_indices = @transform_0, window_bounds = array<i64: 1024, 768>}, {transform_indices = @transform_1, window_bounds = array<i64: 1024, 768>}, {transform_indices = @transform_2, window_bounds = array<i64: 1024, 768>}, {transform_indices = @transform_3, window_bounds = array<i64: 1024, 768>}, {pipeline_mode = #tpu.pipeline_mode<synchronous>, transform_indices = @transform_4, window_bounds = array<i64: 8, 768>}, {pipeline_mode = #tpu.pipeline_mode<synchronous>, transform_indices = @transform_5, window_bounds = array<i64: 8, 1>}, {transform_indices = @transform_6, window_bounds = array<i64: 8, 4096>}]} {
    %get3A = arith.constant 0 : index
    %get3A_0 = arith.constant 0 : index
    %get3A_1 = vector.load %arg5[%get3A, %get3A_0] : memref<8x768xf32, #tpu.memory_space<vmem>>, vector<8x768xf32>
    %get3A_2 = arith.constant 0 : index
    %get3A_3 = arith.constant 0 : index
    %get3A_4 = vector.load %arg1[%get3A_2, %get3A_3] : memref<1024x768xf32, #tpu.memory_space<vmem>>, vector<1024x768xf32>
    %dot_general3A = arith.constant dense<0.000000e+00> : vector<8x1024xf32>
    %dot_general3A_5 = tpu.matmul %get3A_1, %get3A_4, %dot_general3A {dimension_numbers = #tpu.dot_dimension_numbers<[1], [1], [0], [0], [0, 0, 1, 0], [], []>, transpose_lhs_hint = false} : vector<8x768xf32>, vector<1024x768xf32>, vector<8x1024xf32> -> vector<8x1024xf32>
    %get3A_6 = arith.constant 0 : index
    %get3A_7 = arith.constant 0 : index
    %get3A_8 = vector.load %arg2[%get3A_6, %get3A_7] : memref<1024x768xf32, #tpu.memory_space<vmem>>, vector<1024x768xf32>
    %dot_general3A_9 = arith.constant dense<0.000000e+00> : vector<8x1024xf32>
    %dot_general3A_10 = tpu.matmul %get3A_1, %get3A_8, %dot_general3A_9 {dimension_numbers = #tpu.dot_dimension_numbers<[1], [1], [0], [0], [0, 0, 1, 0], [], []>, transpose_lhs_hint = false} : vector<8x768xf32>, vector<1024x768xf32>, vector<8x1024xf32> -> vector<8x1024xf32>
    %get3A_11 = arith.constant 0 : index
    %get3A_12 = arith.constant 0 : index
    %get3A_13 = vector.load %arg3[%get3A_11, %get3A_12] : memref<1024x768xf32, #tpu.memory_space<vmem>>, vector<1024x768xf32>
    %dot_general3A_14 = arith.constant dense<0.000000e+00> : vector<8x1024xf32>
    %dot_general3A_15 = tpu.matmul %get3A_1, %get3A_13, %dot_general3A_14 {dimension_numbers = #tpu.dot_dimension_numbers<[1], [1], [0], [0], [0, 0, 1, 0], [], []>, transpose_lhs_hint = false} : vector<8x768xf32>, vector<1024x768xf32>, vector<8x1024xf32> -> vector<8x1024xf32>
    %get3A_16 = arith.constant 0 : index
    %get3A_17 = arith.constant 0 : index
    %get3A_18 = vector.load %arg4[%get3A_16, %get3A_17] : memref<1024x768xf32, #tpu.memory_space<vmem>>, vector<1024x768xf32>
    %dot_general3A_19 = arith.constant dense<0.000000e+00> : vector<8x1024xf32>
    %dot_general3A_20 = tpu.matmul %get3A_1, %get3A_18, %dot_general3A_19 {dimension_numbers = #tpu.dot_dimension_numbers<[1], [1], [0], [0], [0, 0, 1, 0], [], []>, transpose_lhs_hint = false} : vector<8x768xf32>, vector<1024x768xf32>, vector<8x1024xf32> -> vector<8x1024xf32>
    %concatenate3A = tpu.concatenate %dot_general3A_5, %dot_general3A_10, %dot_general3A_15, %dot_general3A_20 in 1 : vector<8x1024xf32>, vector<8x1024xf32>, vector<8x1024xf32>, vector<8x1024xf32> -> vector<8x4096xf32>
    %get3A_21 = arith.constant 0 : index
    %get3A_22 = arith.constant 0 : index
    %get3A_23 = vector.load %arg6[%get3A_21, %get3A_22] : memref<8x1xf32, #tpu.memory_space<vmem>>, vector<8x1xf32>
    %add3A = vector.broadcast %get3A_23 : vector<8x1xf32> to vector<8x4096xf32>
    %add3A_24 = arith.addf %concatenate3A, %add3A : vector<8x4096xf32>
    %swap3A = arith.constant 0 : index
    %swap3A_25 = arith.constant 0 : index
    %swap3A_26 = vector.load %arg7[%swap3A, %swap3A_25] : memref<8x4096xf32, #tpu.memory_space<vmem>>, vector<8x4096xf32>
    tpu.vector_store %arg7[%swap3A, %swap3A_25], %add3A_24 {strides = array<i32>} : memref<8x4096xf32, #tpu.memory_space<vmem>>, vector<8x4096xf32>,
    return
  }
  func.func @transform_0(%arg0: i32) -> (i32, i32) {
    %mul3A = arith.constant 4 : i32
    %mul3A_0 = arith.muli %mul3A, %arg0 : i32
    %add3A = arith.constant 0 : i32
    %add3A_1 = arith.addi %mul3A_0, %add3A : i32
    %c0_i32 = arith.constant 0 : i32
    %c0_i32_2 = arith.constant 0 : i32
    return %add3A_1, %c0_i32 : i32, i32
  }
  func.func @transform_1(%arg0: i32) -> (i32, i32) {
    %mul3A = arith.constant 4 : i32
    %mul3A_0 = arith.muli %mul3A, %arg0 : i32
    %add3A = arith.constant 1 : i32
    %add3A_1 = arith.addi %mul3A_0, %add3A : i32
    %c0_i32 = arith.constant 0 : i32
    %c0_i32_2 = arith.constant 0 : i32
    return %add3A_1, %c0_i32 : i32, i32
  }
  func.func @transform_2(%arg0: i32) -> (i32, i32) {
    %mul3A = arith.constant 4 : i32
    %mul3A_0 = arith.muli %mul3A, %arg0 : i32
    %add3A = arith.constant 2 : i32
    %add3A_1 = arith.addi %mul3A_0, %add3A : i32
    %c0_i32 = arith.constant 0 : i32
    %c0_i32_2 = arith.constant 0 : i32
    return %add3A_1, %c0_i32 : i32, i32
  }
  func.func @transform_3(%arg0: i32) -> (i32, i32) {
    %mul3A = arith.constant 4 : i32
    %mul3A_0 = arith.muli %mul3A, %arg0 : i32
    %add3A = arith.constant 3 : i32
    %add3A_1 = arith.addi %mul3A_0, %add3A : i32
    %c0_i32 = arith.constant 0 : i32
    %c0_i32_2 = arith.constant 0 : i32
    return %add3A_1, %c0_i32 : i32, i32
  }
  func.func @transform_4(%arg0: i32) -> (i32, i32) {
    %c0_i32 = arith.constant 0 : i32
    %c0_i32_0 = arith.constant 0 : i32
    %c0_i32_1 = arith.constant 0 : i32
    return %c0_i32, %c0_i32_0 : i32, i32
  }
  func.func @transform_5(%arg0: i32) -> (i32, i32) {
    %c0_i32 = arith.constant 0 : i32
    %c0_i32_0 = arith.constant 0 : i32
    %c0_i32_1 = arith.constant 0 : i32
    return %c0_i32, %c0_i32_0 : i32, i32
  }
  func.func @transform_6(%arg0: i32) -> (i32, i32) {
    %c0_i32 = arith.constant 0 : i32
    %c0_i32_0 = arith.constant 0 : i32
    return %c0_i32, %arg0 : i32, i32
  }
}

</mosaic_0001>

<sc_bundles>
// kernel: kernel.4.cloned.1.call-start
scs
__scs_entry_jumppad:
0x0: {  	(pc) =	sbr.rel $0x88, $3  }
0x1: {  	(tag) =	ssettag $0x0;
	lr =	simm.s32 $0x1  }
0x2: {  	[smem:$0x3F9E] =	sst lr;
	_ =	strace $0xD0000000  }
0x3: {  	_ = 	snop  }
0x4: {  	_ = 	snop  }
0x5: {  	_ = 	snop  }
0x6: {  	_ = 	snop  }
0x7: {  	_ = 	snop  }
__scs_overlays_trampoline_lowered:
0x8: {  	[smem:$0x3FAD] =	sst s0  }
0x9: {  	[smem:$0x3FAE] =	sst s1  }
0xa: {  	[smem:$0x3FAF] =	sst s2  }
0xb: {  	[smem:$0x3FB0] =	sst s3  }
0xc: {  	[smem:$0x3FB1] =	sst s4  }
0xd: {  	[smem:$0x3FB2] =	sst s5  }
0xe: {  	[smem:$0x3FB3] =	sst s6  }
0xf: {  	[smem:$0x3FB4] =	sst s7  }
0x10: {  	[smem:$0x3FB5] =	sst s8  }
0x11: {  	[smem:$0x3FB6] =	sst s9;
	s0 =	simm.s32 @!p0 $0x0  }
0x12: {  	s1 =	sld [smem:$0x3F9C];
	s0 =	simm.s32 @p0 $0x1  }
0x13: {  	[smem:$0x3FB7] =	sst s0;
	s0 =	simm.s32 @!p1 $0x0  }
0x14: {  	s2 =	sld [smem:$0x3F9B];
	s0 =	simm.s32 @p1 $0x1  }
0x15: {  	[smem:$0x3FB8] =	sst s0;
	s0 =	simm.s32 @!p2 $0x0  }
0x16: {  	s3 =	sld [smem:$0x3FDB];
	s0 =	simm.s32 @p2 $0x1  }
0x17: {  	s4 =	simm.s32 $0x1BF5;
	[smem:$0x3FBA] =	sst s0  }
0x18: {  	s0 =	sld [smem:$0x3F9D];
	_ =	swait.ge [sflag:s4], $0x0  }
0x19: {  	s7 =	sld [smem:$0x3F9E]  }
0x1a: {  	s8 =	sadd.s32 $0xFFFFE003, lr  }
0x1b: {  	s9 =	sadd.s32 $0xFFFFFEF7, lr;
	s5 =	simm.s32 $0xFFFFFFFF;
	p2 =	slt.u32 s8, $0xFFFFF086  }
0x1c: {  	p1 =	slt.u32 s9, $0xF7A;
	s5 =	simm.s32 @!p2 $0x0  }
0x1d: {  	s5 =	simm.s32 @p1 $0x1;
	p0 =	seq.s32 s7, s2  }
0x1e: {  	s7 =	smul.u32 @!p0 $0xF7A, s2;
	p2 =	seq.s32 @!p0 s5, $0x0  }
0x1f: {  	s9 =	smul.u32 $0xF7A, s1;
	s8 =	simm.s32 @!p0 $0x1BF5;
	p2 =	por !p2, p0  }
0x20: {  	[sflag:s8] =	ssyncset.s32 @!p0 $0xFFFFF086;
	s6 =	sadd.s32 @!p0 s3, s7;
	s7 =	simm.s32 @!p0 $0x108  }
0x21: {  	s3 =	sadd.s32 s3, s9;
	s6 =	sadd.s32 @!p0 $0x88, s6;
	s7 =	simm.s32 @p2 $0x1082  }
0x22: {  	[simem:s7], [sflag:s8] =	dma.local @!p0 [hbm:s6], $0xF7A  }
0x23: {  	s9 =	sor.u32 $0xD0000000, s2;
	s6 =	simm.s32 $0x108;
	_ =	swait.ge @!p0 [sflag:s8], $0x0  }
0x24: {  	s3 =	sadd.s32 $0x88, s3;
	s6 =	simm.s32 @!p1 $0x1082;
	[sflag:s4] =	ssyncset.s32 $0xFFFFF086  }
0x25: {  	[simem:s6], [sflag:s4] =	dma.local [hbm:s3], $0xF7A  }
0x26: {  	[smem:$0x3F9E] =	sst s1;
	(tag) =	ssettag s2;
	_ =	strace s9  }
0x27: {  	s1 =	sld [smem:$0x3FAE]  }
0x28: {  	s2 =	sld [smem:$0x3FAF]  }
0x29: {  	s4 =	sld [smem:$0x3FB1]  }
0x2a: {  	p0 =	seq.s32 s5, $0x0;
	s5 =	sld [smem:$0x3FB2]  }
0x2b: {  	s6 =	sld [smem:$0x3FB3]  }
0x2c: {  	s7 =	sld [smem:$0x3FB4]  }
0x2d: {  	s3 =	simm.s32 $0x108;
	s8 =	sld [smem:$0x3FB5]  }
0x2e: {  	s3 =	simm.s32 @!p0 $0x1082;
	s9 =	sld [smem:$0x3FB6]  }
0x2f: {  	lr =	sadd.s32 s0, s3;
	s0 =	sld [smem:$0x3FAD]  }
0x30: {  	s3 =	sld [smem:$0x3FB0]  }
0x31: {  	[smem:$0x3FB9] =	sst s10  }
0x32: {  	s10 =	sld [smem:$0x3FB7];
	_ =	sdelay $0x3  }
0x33: {  	p0 =	seq.s32 s10, $0x1;
	s10 =	sld [smem:$0x3FB9];
	_ =	sdelay $0x3  }
0x34: {  	[smem:$0x3FB9] =	sst s10  }
0x35: {  	s10 =	sld [smem:$0x3FB8];
	_ =	sdelay $0x3  }
0x36: {  	p1 =	seq.s32 s10, $0x1;
	s10 =	sld [smem:$0x3FB9];
	_ =	sdelay $0x3  }
0x37: {  	[smem:$0x3FB9] =	sst s10  }
0x38: {  	s10 =	sld [smem:$0x3FBA]  }
0x39: {  	_ = 	snop;
	(pc) =	sbr.ind lr, $3  }
0x3a: {  	_ = 	snop  }
0x3b: {  	_ = 	snop  }
0x3c: {  	p2 =	seq.s32 s10, $0x1;
	s10 =	sld [smem:$0x3FB9]  }
0x3d: {  	_ =	shalt  }
0x3e: {  	_ =	shalt  }
0x3f: {  	_ =	shalt  }
0x40: {  	_ =	shalt  }
0x41: {  	_ =	shalt  }
0x42: {  	_ =	shalt  }
0x43: {  	_ =	shalt  }
0x44: {  	_ =	shalt  }
0x45: {  	_ =	shalt  }
0x46: {  	_ =	shalt  }
0x47: {  	_ =	shalt  }
0x48: {  	_ =	shalt  }
0x49: {  	_ =	shalt  }
0x4a: {  	_ =	shalt  }
0x4b: {  	_ =	shalt  }
0x4c: {  	_ =	shalt  }
0x4d: {  	_ =	shalt  }
0x4e: {  	_ =	shalt  }
0x4f: {  	_ =	shalt  }
0x50: {  	_ =	shalt  }
0x51: {  	_ =	shalt  }
0x52: {  	_ =	shalt  }
0x53: {  	_ =	shalt  }
0x54: {  	_ =	shalt  }
0x55: {  	_ =	shalt  }
0x56: {  	_ =	shalt  }
0x57: {  	_ =	shalt  }
0x58: {  	_ =	shalt  }
0x59: {  	_ =	shalt  }
0x5a: {  	_ =	shalt  }
0x5b: {  	_ =	shalt  }
0x5c: {  	_ =	shalt  }
0x5d: {  	_ =	shalt  }
0x5e: {  	_ =	shalt  }
0x5f: {  	_ =	shalt  }
0x60: {  	_ =	shalt  }
0x61: {  	_ =	shalt  }
0x62: {  	_ =	shalt  }
0x63: {  	_ =	shalt  }
0x64: {  	_ =	shalt  }
0x65: {  	_ =	shalt  }
0x66: {  	_ =	shalt  }
0x67: {  	_ =	shalt  }
0x68: {  	_ =	shalt  }
0x69: {  	_ =	shalt  }
0x6a: {  	_ =	shalt  }
0x6b: {  	_ =	shalt  }
0x6c: {  	_ =	shalt  }
0x6d: {  	_ =	shalt  }
0x6e: {  	_ =	shalt  }
0x6f: {  	_ =	shalt  }
0x70: {  	_ =	shalt  }
0x71: {  	_ =	shalt  }
0x72: {  	_ =	shalt  }
0x73: {  	_ =	shalt  }
0x74: {  	_ =	shalt  }
0x75: {  	_ =	shalt  }
0x76: {  	_ =	shalt  }
0x77: {  	_ =	shalt  }
0x78: {  	_ =	shalt  }
0x79: {  	_ =	shalt  }
0x7a: {  	_ =	shalt  }
0x7b: {  	_ =	shalt  }
0x7c: {  	_ =	shalt  }
0x7d: {  	_ =	shalt  }
0x7e: {  	_ =	shalt  }
0x7f: {  	_ =	shalt  }
0x80: {  	_ =	shalt  }
0x81: {  	_ =	shalt  }
0x82: {  	_ =	shalt  }
0x83: {  	_ =	shalt  }
0x84: {  	_ =	shalt  }
0x85: {  	_ =	shalt  }
0x86: {  	_ =	shalt  }
0x87: {  	_ =	shalt  }
.Lfunc_end0:
.L_simem_size_0:
called_computation_lowered:
.L_overlay_start_0:
0x88: {  	s2 =	sld [smem:$0x3FD9]  }
0x89: {  	s3 =	sld [smem:$0x3FFE];
	_ =	sdelay $0x1  }
0x8a: {  	s1 =	srdreg.scid  }
0x8b: {  	s0 =	sand.u32 $0x1, s1  }
0x8c: {  	s14 =	sshll.u32 s0, $0xA;
	s2 =	sadd.s32 s3, s2  }
0x8d: {  	s2 =	sadd.s32 s2, s14  }
0x8e: {  	[smem:$0x3FC5] =	sst s2  }
0x8f: {  	_ = 	snop  }
0x90: {  	s2 =	sld [smem:$0x3FD0];
	_ =	sdelay $0x2  }
0x91: {  	s15 =	simm.s32 $0xA;
	s4 =	simm.s32 $0x10  }
0x92: {  	[smem:s4], [sflag:s15] =	dma.local [hbm:s2], $0x1  }
0x93: {  	_ =	swait.eq [sflag:s15], $0x1  }
0x94: {  	s16 =	sld [smem:$0x10]  }
0x95: {  	s17 =	sld [smem:$0x11];
	[sflag:s15] =	ssyncset.done $0x0  }
0x96: {  	s5 =	sld [smem:$0x12];
	[sflag:s15] =	ssyncadd.s32 $0xFFFFFFFF  }
0x97: {  	s18 =	sld [smem:$0x13];
	(tm) =	ssettm $0x1  }
0x98: {  	s6 =	sld [smem:$0x3FFB];
	_ =	sdelay $0x3  }
0x99: {  	_ =	strace s6  }
0x9a: {  	s6 =	sld [smem:$0x3FFC];
	_ =	sdelay $0x3  }
0x9b: {  	_ =	strace s6  }
0x9c: {  	s6 =	sld [smem:$0x3FFD];
	_ =	sdelay $0x3  }
0x9d: {  	_ =	strace s6  }
0x9e: {  	_ =	strace $0x8FFFFFFF  }
0x9f: {  	s19 =	sld [smem:$0x3FDB];
	_ =	sdelay $0x1  }
0xa0: {  	s7 =	simm.s32 $_scs_section_size  }
0xa1: {  	s8 =	simm.s32 $_size__tile_overlayer_lowered;
	s9 =	simm.s32 $_tile_overlayer_lowered  }
0xa2: {  	s22 =	simm.s32 $0x1BFF;
	s21 =	sshll.u32 s9, $0x1;
	s6 =	sadd.s32 s7, s19  }
0xa3: {  	s10 =	simm.s32 $0x0;
	s20 =	sshll.u32 s8, $0x1;
	s8 =	sadd.s32 s21, s6  }
0xa4: {  	[timem:s10], [sflag:s22] =	dma.local [hbm:s8], s20  }
0xa5: {  	_ =	swait.ge [sflag:s22], s20  }
0xa6: {  	s7 =	ssub.s32 $0x0, s20;
	[sflag:s22] =	ssyncset.done $0x0  }
0xa7: {  	[sflag:s22] =	ssyncadd.s32 s7;
	_ =	sdelay $0x1  }
0xa8: {  	s23 =	simm.s32 $0x1B8B  }
0xa9: {  	_ =	swait.ge [sflag:s23], $0x1  }
0xaa: {  	[sflag:s23] =	ssyncset.done $0x0  }
0xab: {  	s25 =	simm.s32 $0x1B8E;
	s24 =	sld [smem:$0x3FFE];
	[sflag:s23] =	ssyncadd.s32 $0xFFFFFFFF  }
0xac: {  	s26 =	simm.s32 $execute0_lowered;
	[smem:$0x3FD2] =	sst s25  }
0xad: {  	s8 =	sshll.u32 s26, $0x1;
	_ =	strace $0x80000046;
	[dreg:$0x1] =	wrdreg $0xFFFFFFFF  }
0xae: {  	s28 =	simm.s32 $_size_execute0_lowered;
	s6 =	sadd.s32 s6, s8;
	[dreg:$0x0] =	wrdreg $0x0  }
0xaf: {  	s8 =	sshll.u32 s28, $0x1;
	[dreg:$0x2] =	wrdreg s6  }
0xb0: {  	[dreg:$0x3] =	wrdreg s8  }
0xb1: {  	[dreg:$0x4] =	wrdreg $0xC0  }
0xb2: {  	_ =	task [dreg:s10], $0x5FFFF  }
0xb3: {  	[dreg:$0x1] =	wrdreg $0xFFFFFFFF  }
0xb4: {  	[dreg:$0x0] =	wrdreg $0x60  }
0xb5: {  	[dreg:$0x2] =	wrdreg s24  }
0xb6: {  	[dreg:$0x3] =	wrdreg s16  }
0xb7: {  	[dreg:$0x4] =	wrdreg s17  }
0xb8: {  	[dreg:$0x5] =	wrdreg s5  }
0xb9: {  	[dreg:$0x6] =	wrdreg s18  }
0xba: {  	[dreg:$0x7] =	wrdreg $0x9  }
0xbb: {  	_ =	task.clear_ibuf [dreg:s10], $0x8FFFF;
	_ =	strace $0x90000046  }
0xbc: {  	s29 =	simm.s32 $0x9;
	_ =	strace $0x80000048  }
0xbd: {  	_ =	swait.ge [sflag:s29], $0x1  }
0xbe: {  	[sflag:s29] =	ssyncadd.s32 $0xFFFFFFFF  }
0xbf: {  	_ =	strace $0x90000048  }
0xc0: {  	_ =	sfence  }
0xc1: {  	s30 =	sld [smem:$0x0];
	_ =	sdelay $0x2  }
0xc2: {  	s31 =	sshll.u32 s1, $0xD;
	s1 =	sshrl.u32 s1, $0x2  }
0xc3: {  	s3 =	sand.u32 $0x4000, s31;
	s1 =	sadd.s32 s1, s30  }
0xc4: {  	s0 =	sor.u32 s3, s0;
	s1 =	sshll.u32 s1, $0x11  }
0xc5: {  	s0 =	sor.u32 s1, s0  }
0xc6: {  	s0 =	sadd.s32 $0x8F2B, s0  }
0xc7: {  	[sflag:s0] =	ssyncadd.remote.s32 $0x1  }
0xc8: {  	_ =	sfence.sel $0xFFFF  }
0xc9: {  	[dreg:$0x0] =	wrdreg $0xFFFFFFFF;
	(pc) =	sbr.abs _section_cstart, $3  }
0xca: {  	[dreg:$0x1] =	wrdreg $0xFFFFFFFF  }
0xcb: {  	_ =	task.clear_ibuf [dreg:s10], $0x2FFFF;
	_ =	strace $0x9FFFFFFF  }
0xcc: {  	(tm) =	ssettm $0x7FFFFFFF  }
0xcd: {  	_ =	shalt  }
tec
execute0_lowered:
.L_overlay_start_1:
0x0: {  	(tag) =	ssettag $0x1  }
0x1: {  	s0 =	rddreg [dreg:$0x0]  }
0x2: {  	s2 =	rddreg [dreg:$0x1]  }
0x3: {  	s3 =	rddreg [dreg:$0x2];
	s4 =	srdreg.scid;
	s1 =	simm.s32 $0x0  }
0x4: {  	s6 =	stileid.u32;
	s26 =	rddreg [dreg:$0x3];
	s4 =	sand.u32 $0x1, s4  }
0x5: {  	s6 =	sshll.u32 s6, $0xB;
	s5 =	ssub.s32 $0x2, s4;
	s4 =	sshll.u32 s4, $0xA  }
0x6: {  	[smem:$0x7FF] =	sst s1;
	s7 =	sshrl.u32 s5, $0x1;
	s4 =	sor.u32 s4, s6  }
0x7: {  	s0 =	sadd.s32 $0xC00, s0;
	s5 =	ssub.s32 s5, s7;
	s6 =	sor.u32 $0x10, s4  }
0x8: {  	s8 =	sadd.s32 s0, s4;
	s20 =	sor.u32 $0x20, s4;
	s15 =	sor.u32 $0x30, s4  }
0x9: {  	s17 =	sor.u32 $0x40, s4;
	s21 =	sor.u32 $0x60, s4;
	s7 =	rddreg [dreg:$0x4]  }
0xa: {  	s19 =	sadd.s32 s0, s6;
	s9 =	sadd.s32 s0, s20;
	s22 =	sadd.s32 s0, s15  }
0xb: {  	s23 =	sadd.s32 s0, s17;
	s25 =	sadd.s32 s0, s21;
	s10 =	sadd.s32 s2, s6  }
0xc: {  	s11 =	sadd.s32 s3, s6;
	s12 =	sadd.s32 s2, s20;
	s13 =	sadd.s32 s3, s20  }
0xd: {  	s14 =	sadd.s32 s2, s15;
	s15 =	sadd.s32 s3, s15;
	[dreg:$0x7] =	wrdreg s19  }
0xe: {  	s16 =	sadd.s32 s2, s17;
	s17 =	sadd.s32 s3, s17;
	[dreg:$0x8] =	wrdreg s9  }
0xf: {  	s20 =	sadd.s32 s2, s21;
	s21 =	sadd.s32 s3, s21;
	[dreg:$0x9] =	wrdreg s22  }
0x10: {  	s6 =	sshrl.u32 s4, $0x2;
	[dreg:$0xa] =	wrdreg s23;
	s19 =	sor.u32 $0x50, s4  }
0x11: {  	[dreg:$0xc] =	wrdreg s25;
	s22 =	sadd.s32 s2, s4;
	s25 =	sadd.s32 s3, s4  }
0x12: {  	s28 =	sadd.s32 s26, s6;
	s29 =	sadd.s32 s7, s6;
	s24 =	sadd.s32 s0, s19  }
0x13: {  	s18 =	sadd.s32 s2, s19;
	[dreg:$0xb] =	wrdreg s24;
	s24 =	sor.u32 $0x70, s4  }
0x14: {  	s19 =	sadd.s32 s3, s19;
	s4 =	sadd.s32 $0x180, s8;
	s9 =	sadd.s32 s0, s24  }
0x15: {  	s23 =	sadd.s32 s2, s24;
	_ =	strace $0x80000047;
	[dreg:$0x10] =	wrdreg s4  }
0x16: {  	s24 =	sadd.s32 s3, s24;
	s3 =	sadd.s32 $0x100, s8;
	[dreg:$0x6] =	wrdreg s8  }
0x17: {  	s2 =	sor.u32 $0x10, s6;
	s6 =	sadd.s32 $0x280, s8;
	[dreg:$0xf] =	wrdreg s3  }
0x18: {  	s30 =	sadd.s32 s26, s2;
	s26 =	smax.u32 s5, $0x1;
	[dreg:$0x12] =	wrdreg s6  }
0x19: {  	s31 =	sadd.s32 s7, s2;
	s2 =	sadd.s32 $0x80, s8;
	[dreg:$0xd] =	wrdreg s26  }
0x1a: {  	s5 =	sadd.s32 $0x200, s8;
	[dreg:$0xe] =	wrdreg s2  }
0x1b: {  	s7 =	sadd.s32 $0x300, s8;
	[dreg:$0x11] =	wrdreg s5  }
0x1c: {  	[dreg:$0x13] =	wrdreg s7;
	s26 =	sadd.s32 $0x380, s8  }
0x1d: {  	v0 =	vimm.s32 $0x0;
	s0 =	simm.s32 $0x0;
	[dreg:$0x14] =	wrdreg s26;
	s26 =	simm.s32 $0x1  }
.LBB2_1:
0x1e: {  	s2 =	rddreg [dreg:$0x6]  }
0x1f: {  	[tilespmem:s1], [sflag:$0x1] =	stream.linear.gather [hbm4b:s2+s1], $0x80, $0x38;
	[tilespmem:$0x7000] =	vst v63  }
0x20: {  	s4 =	rddreg [dreg:$0xe];
	s3 =	simm.s32 $0x400  }
0x21: {  	[tilespmem:s3], [sflag:$0x1] =	stream.linear.gather [hbm4b:s4+s1], $0x80, $0x38;
	[tilespmem:$0x7000] =	vst v63  }
0x22: {  	s5 =	rddreg [dreg:$0xf];
	s6 =	simm.s32 $0x800  }
0x23: {  	[tilespmem:s6], [sflag:$0x1] =	stream.linear.gather [hbm4b:s5+s1], $0x80, $0x38;
	[tilespmem:$0x7000] =	vst v63  }
0x24: {  	s7 =	rddreg [dreg:$0x10];
	s8 =	simm.s32 $0xC00  }
0x25: {  	[tilespmem:s8], [sflag:$0x1] =	stream.linear.gather [hbm4b:s7+s1], $0x80, $0x38;
	[tilespmem:$0x7000] =	vst v63  }
0x26: {  	s3 =	rddreg [dreg:$0x11];
	s4 =	simm.s32 $0x1000  }
0x27: {  	[tilespmem:s4], [sflag:$0x1] =	stream.linear.gather [hbm4b:s3+s1], $0x80, $0x38;
	[tilespmem:$0x7000] =	vst v63  }
0x28: {  	s5 =	rddreg [dreg:$0x12];
	s6 =	simm.s32 $0x1400  }
0x29: {  	[tilespmem:s6], [sflag:$0x1] =	stream.linear.gather [hbm4b:s5+s1], $0x80, $0x38;
	[tilespmem:$0x7000] =	vst v63  }
0x2a: {  	s7 =	rddreg [dreg:$0x13];
	s8 =	simm.s32 $0x1800  }
0x2b: {  	[tilespmem:s8], [sflag:$0x1] =	stream.linear.gather [hbm4b:s7+s1], $0x80, $0x38;
	[tilespmem:$0x7000] =	vst v63  }
0x2c: {  	s3 =	rddreg [dreg:$0x14];
	s4 =	simm.s32 $0x1C00  }
0x2d: {  	[tilespmem:s4], [sflag:$0x1] =	stream.linear.gather [hbm4b:s3+s1], $0x80, $0x38;
	[tilespmem:$0x7000] =	vst v63  }
0x2e: {  	_ =	swait.ge [sflag:s26], $0x400  }
0x2f: {  	[sflag:s26] =	ssyncset.done $0x0  }
0x30: {  	s5 =	simm.s32 $0x80;
	s3 =	rddreg [dreg:$0x7];
	[sflag:s26] =	ssyncadd.s32 $0xFFFFFC00  }
0x31: {  	[tilespmem:s5], [sflag:$0x1] =	stream.linear.gather [hbm4b:s3+s1], $0x80, $0x38;
	[tilespmem:$0x7000] =	vst v63  }
0x32: {  	s4 =	simm.s32 $0x480;
	s6 =	sadd.s32 $0x80, s3  }
0x33: {  	[tilespmem:s4], [sflag:$0x1] =	stream.linear.gather [hbm4b:s6+s1], $0x80, $0x38;
	[tilespmem:$0x7000] =	vst v63  }
0x34: {  	s8 =	simm.s32 $0x880;
	s7 =	sadd.s32 $0x100, s3  }
0x35: {  	[tilespmem:s8], [sflag:$0x1] =	stream.linear.gather [hbm4b:s7+s1], $0x80, $0x38;
	[tilespmem:$0x7000] =	vst v63  }
0x36: {  	s5 =	sadd.s32 $0x180, s3;
	s6 =	simm.s32 $0xC80  }
0x37: {  	[tilespmem:s6], [sflag:$0x1] =	stream.linear.gather [hbm4b:s5+s1], $0x80, $0x38;
	[tilespmem:$0x7000] =	vst v63  }
0x38: {  	s7 =	sadd.s32 $0x200, s3;
	s8 =	simm.s32 $0x1080  }
0x39: {  	[tilespmem:s8], [sflag:$0x1] =	stream.linear.gather [hbm4b:s7+s1], $0x80, $0x38;
	[tilespmem:$0x7000] =	vst v63  }
0x3a: {  	s5 =	sadd.s32 $0x280, s3;
	s6 =	simm.s32 $0x1480  }
0x3b: {  	[tilespmem:s6], [sflag:$0x1] =	stream.linear.gather [hbm4b:s5+s1], $0x80, $0x38;
	[tilespmem:$0x7000] =	vst v63  }
0x3c: {  	s7 =	sadd.s32 $0x300, s3;
	s8 =	simm.s32 $0x1880  }
0x3d: {  	[tilespmem:s8], [sflag:$0x1] =	stream.linear.gather [hbm4b:s7+s1], $0x80, $0x38;
	[tilespmem:$0x7000] =	vst v63  }
0x3e: {  	s4 =	sadd.s32 $0x380, s3;
	s5 =	simm.s32 $0x1C80  }
0x3f: {  	[tilespmem:s5], [sflag:$0x1] =	stream.linear.gather [hbm4b:s4+s1], $0x80, $0x38;
	[tilespmem:$0x7000] =	vst v63  }
0x40: {  	_ =	swait.ge [sflag:s26], $0x400  }
0x41: {  	[sflag:s26] =	ssyncset.done $0x0  }
0x42: {  	s6 =	simm.s32 $0x100;
	s3 =	rddreg [dreg:$0x8];
	[sflag:s26] =	ssyncadd.s32 $0xFFFFFC00  }
0x43: {  	[tilespmem:s6], [sflag:$0x1] =	stream.linear.gather [hbm4b:s3+s1], $0x80, $0x38;
	[tilespmem:$0x7000] =	vst v63  }
0x44: {  	s8 =	simm.s32 $0x500;
	s7 =	sadd.s32 $0x80, s3  }
0x45: {  	[tilespmem:s8], [sflag:$0x1] =	stream.linear.gather [hbm4b:s7+s1], $0x80, $0x38;
	[tilespmem:$0x7000] =	vst v63  }
0x46: {  	s5 =	sadd.s32 $0x100, s3;
	s6 =	simm.s32 $0x900  }
0x47: {  	[tilespmem:s6], [sflag:$0x1] =	stream.linear.gather [hbm4b:s5+s1], $0x80, $0x38;
	[tilespmem:$0x7000] =	vst v63  }
0x48: {  	s7 =	sadd.s32 $0x180, s3;
	s8 =	simm.s32 $0xD00  }
0x49: {  	[tilespmem:s8], [sflag:$0x1] =	stream.linear.gather [hbm4b:s7+s1], $0x80, $0x38;
	[tilespmem:$0x7000] =	vst v63  }
0x4a: {  	s5 =	sadd.s32 $0x200, s3;
	s6 =	simm.s32 $0x1100  }
0x4b: {  	[tilespmem:s6], [sflag:$0x1] =	stream.linear.gather [hbm4b:s5+s1], $0x80, $0x38;
	[tilespmem:$0x7000] =	vst v63  }
0x4c: {  	s7 =	sadd.s32 $0x280, s3;
	s8 =	simm.s32 $0x1500  }
0x4d: {  	[tilespmem:s8], [sflag:$0x1] =	stream.linear.gather [hbm4b:s7+s1], $0x80, $0x38;
	[tilespmem:$0x7000] =	vst v63  }
0x4e: {  	s5 =	sadd.s32 $0x300, s3;
	s6 =	simm.s32 $0x1900  }
0x4f: {  	[tilespmem:s6], [sflag:$0x1] =	stream.linear.gather [hbm4b:s5+s1], $0x80, $0x38;
	[tilespmem:$0x7000] =	vst v63  }
0x50: {  	s7 =	sadd.s32 $0x380, s3;
	s8 =	simm.s32 $0x1D00  }
0x51: {  	[tilespmem:s8], [sflag:$0x1] =	stream.linear.gather [hbm4b:s7+s1], $0x80, $0x38;
	[tilespmem:$0x7000] =	vst v63  }
0x52: {  	_ =	swait.ge [sflag:s26], $0x400  }
0x53: {  	[sflag:s26] =	ssyncset.done $0x0  }
0x54: {  	s4 =	simm.s32 $0x180;
	s3 =	rddreg [dreg:$0x9];
	[sflag:s26] =	ssyncadd.s32 $0xFFFFFC00  }
0x55: {  	[tilespmem:s4], [sflag:$0x1] =	stream.linear.gather [hbm4b:s3+s1], $0x80, $0x38;
	[tilespmem:$0x7000] =	vst v63  }
0x56: {  	s6 =	simm.s32 $0x580;
	s5 =	sadd.s32 $0x80, s3  }
0x57: {  	[tilespmem:s6], [sflag:$0x1] =	stream.linear.gather [hbm4b:s5+s1], $0x80, $0x38;
	[tilespmem:$0x7000] =	vst v63  }
0x58: {  	s8 =	simm.s32 $0x980;
	s7 =	sadd.s32 $0x100, s3  }
0x59: {  	[tilespmem:s8], [sflag:$0x1] =	stream.linear.gather [hbm4b:s7+s1], $0x80, $0x38;
	[tilespmem:$0x7000] =	vst v63  }
0x5a: {  	s5 =	sadd.s32 $0x180, s3;
	s6 =	simm.s32 $0xD80  }
0x5b: {  	[tilespmem:s6], [sflag:$0x1] =	stream.linear.gather [hbm4b:s5+s1], $0x80, $0x38;
	[tilespmem:$0x7000] =	vst v63  }
0x5c: {  	s7 =	sadd.s32 $0x200, s3;
	s8 =	simm.s32 $0x1180  }
0x5d: {  	[tilespmem:s8], [sflag:$0x1] =	stream.linear.gather [hbm4b:s7+s1], $0x80, $0x38;
	[tilespmem:$0x7000] =	vst v63  }
0x5e: {  	s5 =	sadd.s32 $0x280, s3;
	s6 =	simm.s32 $0x1580  }
0x5f: {  	[tilespmem:s6], [sflag:$0x1] =	stream.linear.gather [hbm4b:s5+s1], $0x80, $0x38;
	[tilespmem:$0x7000] =	vst v63  }
0x60: {  	s7 =	sadd.s32 $0x300, s3;
	s8 =	simm.s32 $0x1980  }
0x61: {  	[tilespmem:s8], [sflag:$0x1] =	stream.linear.gather [hbm4b:s7+s1], $0x80, $0x38;
	[tilespmem:$0x7000] =	vst v63  }
0x62: {  	s4 =	sadd.s32 $0x380, s3;
	s5 =	simm.s32 $0x1D80  }
0x63: {  	[tilespmem:s5], [sflag:$0x1] =	stream.linear.gather [hbm4b:s4+s1], $0x80, $0x38;
	[tilespmem:$0x7000] =	vst v63  }
0x64: {  	_ =	swait.ge [sflag:s26], $0x400  }
0x65: {  	[sflag:s26] =	ssyncset.done $0x0  }
0x66: {  	s6 =	simm.s32 $0x200;
	s3 =	rddreg [dreg:$0xa];
	[sflag:s26] =	ssyncadd.s32 $0xFFFFFC00  }
0x67: {  	[tilespmem:s6], [sflag:$0x1] =	stream.linear.gather [hbm4b:s3+s1], $0x80, $0x38;
	[tilespmem:$0x7000] =	vst v63  }
0x68: {  	s8 =	simm.s32 $0x600;
	s7 =	sadd.s32 $0x80, s3  }
0x69: {  	[tilespmem:s8], [sflag:$0x1] =	stream.linear.gather [hbm4b:s7+s1], $0x80, $0x38;
	[tilespmem:$0x7000] =	vst v63  }
0x6a: {  	s5 =	sadd.s32 $0x100, s3;
	s6 =	simm.s32 $0xA00  }
0x6b: {  	[tilespmem:s6], [sflag:$0x1] =	stream.linear.gather [hbm4b:s5+s1], $0x80, $0x38;
	[tilespmem:$0x7000] =	vst v63  }
0x6c: {  	s7 =	sadd.s32 $0x180, s3;
	s8 =	simm.s32 $0xE00  }
0x6d: {  	[tilespmem:s8], [sflag:$0x1] =	stream.linear.gather [hbm4b:s7+s1], $0x80, $0x38;
	[tilespmem:$0x7000] =	vst v63  }
0x6e: {  	s5 =	sadd.s32 $0x200, s3;
	s6 =	simm.s32 $0x1200  }
0x6f: {  	[tilespmem:s6], [sflag:$0x1] =	stream.linear.gather [hbm4b:s5+s1], $0x80, $0x38;
	[tilespmem:$0x7000] =	vst v63  }
0x70: {  	s7 =	sadd.s32 $0x280, s3;
	s8 =	simm.s32 $0x1600  }
0x71: {  	[tilespmem:s8], [sflag:$0x1] =	stream.linear.gather [hbm4b:s7+s1], $0x80, $0x38;
	[tilespmem:$0x7000] =	vst v63  }
0x72: {  	s5 =	sadd.s32 $0x300, s3;
	s6 =	simm.s32 $0x1A00  }
0x73: {  	[tilespmem:s6], [sflag:$0x1] =	stream.linear.gather [hbm4b:s5+s1], $0x80, $0x38;
	[tilespmem:$0x7000] =	vst v63  }
0x74: {  	s7 =	sadd.s32 $0x380, s3;
	s8 =	simm.s32 $0x1E00  }
0x75: {  	[tilespmem:s8], [sflag:$0x1] =	stream.linear.gather [hbm4b:s7+s1], $0x80, $0x38;
	[tilespmem:$0x7000] =	vst v63  }
0x76: {  	_ =	swait.ge [sflag:s26], $0x400  }
0x77: {  	[sflag:s26] =	ssyncset.done $0x0  }
0x78: {  	s4 =	simm.s32 $0x280;
	s3 =	rddreg [dreg:$0xb];
	[sflag:s26] =	ssyncadd.s32 $0xFFFFFC00  }
0x79: {  	[tilespmem:s4], [sflag:$0x1] =	stream.linear.gather [hbm4b:s3+s1], $0x80, $0x38;
	[tilespmem:$0x7000] =	vst v63  }
0x7a: {  	s6 =	simm.s32 $0x680;
	s5 =	sadd.s32 $0x80, s3  }
0x7b: {  	[tilespmem:s6], [sflag:$0x1] =	stream.linear.gather [hbm4b:s5+s1], $0x80, $0x38;
	[tilespmem:$0x7000] =	vst v63  }
0x7c: {  	s8 =	simm.s32 $0xA80;
	s7 =	sadd.s32 $0x100, s3  }
0x7d: {  	[tilespmem:s8], [sflag:$0x1] =	stream.linear.gather [hbm4b:s7+s1], $0x80, $0x38;
	[tilespmem:$0x7000] =	vst v63  }
0x7e: {  	s5 =	sadd.s32 $0x180, s3;
	s6 =	simm.s32 $0xE80  }
0x7f: {  	[tilespmem:s6], [sflag:$0x1] =	stream.linear.gather [hbm4b:s5+s1], $0x80, $0x38;
	[tilespmem:$0x7000] =	vst v63  }
0x80: {  	s7 =	sadd.s32 $0x200, s3;
	s8 =	simm.s32 $0x1280  }
0x81: {  	[tilespmem:s8], [sflag:$0x1] =	stream.linear.gather [hbm4b:s7+s1], $0x80, $0x38;
	[tilespmem:$0x7000] =	vst v63  }
0x82: {  	s5 =	sadd.s32 $0x280, s3;
	s6 =	simm.s32 $0x1680  }
0x83: {  	[tilespmem:s6], [sflag:$0x1] =	stream.linear.gather [hbm4b:s5+s1], $0x80, $0x38;
	[tilespmem:$0x7000] =	vst v63  }
0x84: {  	s7 =	sadd.s32 $0x300, s3;
	s8 =	simm.s32 $0x1A80  }
0x85: {  	[tilespmem:s8], [sflag:$0x1] =	stream.linear.gather [hbm4b:s7+s1], $0x80, $0x38;
	[tilespmem:$0x7000] =	vst v63  }
0x86: {  	s4 =	sadd.s32 $0x380, s3;
	s5 =	simm.s32 $0x1E80  }
0x87: {  	[tilespmem:s5], [sflag:$0x1] =	stream.linear.gather [hbm4b:s4+s1], $0x80, $0x38;
	[tilespmem:$0x7000] =	vst v63  }
0x88: {  	_ =	swait.ge [sflag:s26], $0x400  }
0x89: {  	[sflag:s26] =	ssyncset.done $0x0  }
0x8a: {  	s6 =	simm.s32 $0x300;
	s3 =	rddreg [dreg:$0xc];
	[sflag:s26] =	ssyncadd.s32 $0xFFFFFC00  }
0x8b: {  	[tilespmem:s6], [sflag:$0x1] =	stream.linear.gather [hbm4b:s3+s1], $0x80, $0x38;
	[tilespmem:$0x7000] =	vst v63  }
0x8c: {  	s8 =	simm.s32 $0x700;
	s7 =	sadd.s32 $0x80, s3  }
0x8d: {  	[tilespmem:s8], [sflag:$0x1] =	stream.linear.gather [hbm4b:s7+s1], $0x80, $0x38;
	[tilespmem:$0x7000] =	vst v63  }
0x8e: {  	s5 =	sadd.s32 $0x100, s3;
	s6 =	simm.s32 $0xB00  }
0x8f: {  	[tilespmem:s6], [sflag:$0x1] =	stream.linear.gather [hbm4b:s5+s1], $0x80, $0x38;
	[tilespmem:$0x7000] =	vst v63  }
0x90: {  	s7 =	sadd.s32 $0x180, s3;
	s8 =	simm.s32 $0xF00  }
0x91: {  	[tilespmem:s8], [sflag:$0x1] =	stream.linear.gather [hbm4b:s7+s1], $0x80, $0x38;
	[tilespmem:$0x7000] =	vst v63  }
0x92: {  	s5 =	sadd.s32 $0x200, s3;
	s6 =	simm.s32 $0x1300  }
0x93: {  	[tilespmem:s6], [sflag:$0x1] =	stream.linear.gather [hbm4b:s5+s1], $0x80, $0x38;
	[tilespmem:$0x7000] =	vst v63  }
0x94: {  	s7 =	sadd.s32 $0x280, s3;
	s8 =	simm.s32 $0x1700  }
0x95: {  	[tilespmem:s8], [sflag:$0x1] =	stream.linear.gather [hbm4b:s7+s1], $0x80, $0x38;
	[tilespmem:$0x7000] =	vst v63  }
0x96: {  	s5 =	sadd.s32 $0x300, s3;
	s6 =	simm.s32 $0x1B00  }
0x97: {  	[tilespmem:s6], [sflag:$0x1] =	stream.linear.gather [hbm4b:s5+s1], $0x80, $0x38;
	[tilespmem:$0x7000] =	vst v63  }
0x98: {  	s7 =	sadd.s32 $0x380, s3;
	s8 =	simm.s32 $0x1F00  }
0x99: {  	[tilespmem:s8], [sflag:$0x1] =	stream.linear.gather [hbm4b:s7+s1], $0x80, $0x38;
	[tilespmem:$0x7000] =	vst v63  }
0x9a: {  	_ =	swait.ge [sflag:s26], $0x400  }
0x9b: {  	[sflag:s26] =	ssyncset.done $0x0  }
0x9c: {  	s4 =	simm.s32 $0x380;
	[sflag:s26] =	ssyncadd.s32 $0xFFFFFC00  }
0x9d: {  	[tilespmem:s4], [sflag:$0x1] =	stream.linear.gather [hbm4b:s9+s1], $0x80, $0x38;
	[tilespmem:$0x7000] =	vst v63  }
0x9e: {  	s5 =	sadd.s32 $0x80, s9;
	s6 =	simm.s32 $0x780  }
0x9f: {  	[tilespmem:s6], [sflag:$0x1] =	stream.linear.gather [hbm4b:s5+s1], $0x80, $0x38;
	[tilespmem:$0x7000] =	vst v63  }
0xa0: {  	s7 =	sadd.s32 $0x100, s9;
	s8 =	simm.s32 $0xB80  }
0xa1: {  	[tilespmem:s8], [sflag:$0x1] =	stream.linear.gather [hbm4b:s7+s1], $0x80, $0x38;
	[tilespmem:$0x7000] =	vst v63  }
0xa2: {  	s3 =	sadd.s32 $0x180, s9;
	s4 =	simm.s32 $0xF80  }
0xa3: {  	[tilespmem:s4], [sflag:$0x1] =	stream.linear.gather [hbm4b:s3+s1], $0x80, $0x38;
	[tilespmem:$0x7000] =	vst v63  }
0xa4: {  	s5 =	sadd.s32 $0x200, s9;
	s6 =	simm.s32 $0x1380  }
0xa5: {  	[tilespmem:s6], [sflag:$0x1] =	stream.linear.gather [hbm4b:s5+s1], $0x80, $0x38;
	[tilespmem:$0x7000] =	vst v63  }
0xa6: {  	s7 =	sadd.s32 $0x280, s9;
	s8 =	simm.s32 $0x1780  }
0xa7: {  	[tilespmem:s8], [sflag:$0x1] =	stream.linear.gather [hbm4b:s7+s1], $0x80, $0x38;
	[tilespmem:$0x7000] =	vst v63  }
0xa8: {  	s4 =	sadd.s32 $0x300, s9;
	s5 =	simm.s32 $0x1B80  }
0xa9: {  	[tilespmem:s5], [sflag:$0x1] =	stream.linear.gather [hbm4b:s4+s1], $0x80, $0x38;
	[tilespmem:$0x7000] =	vst v63  }
0xaa: {  	s6 =	sadd.s32 $0x380, s9;
	s7 =	simm.s32 $0x1F80  }
0xab: {  	[tilespmem:s7], [sflag:$0x1] =	stream.linear.gather [hbm4b:s6+s1], $0x80, $0x38;
	[tilespmem:$0x7000] =	vst v63  }
0xac: {  	_ =	swait.ge [sflag:s26], $0x400  }
0xad: {  	s2 =	sand.u32 $0x70, s1;
	s8 =	simm.s32 $0x0;
	[sflag:s26] =	ssyncset.done $0x0  }
0xae: {  	s3 =	sor.u32 s2, s8;
	[sflag:s26] =	ssyncadd.s32 $0xFFFFFC00  }
0xaf: {  	v1 =	vld [tilespmem:s3+$0x0]  }
0xb0: {  	v2 =	vld [tilespmem:s3+$0x80]  }
0xb1: {  	v3 =	vld [tilespmem:s3+$0x100]  }
0xb2: {  	v4 =	vld [tilespmem:s3+$0x180]  }
0xb3: {  	v5 =	vld [tilespmem:s3+$0x200]  }
0xb4: {  	s4 =	sor.u32 s8, s1;
	v6 =	vld [tilespmem:s3+$0x280]  }
0xb5: {  	s4 =	sor.u32 $0x380, s4;
	v7 =	vld [tilespmem:s3+$0x300];
	v8 =	vmax.f32 v1, v2  }
0xb6: {  	v9 =	vld [tilespmem:s4+$0x0];
	v8 =	vmax.f32 v8, v3  }
0xb7: {  	v8 =	vmax.f32 v8, v4  }
0xb8: {  	v8 =	vmax.f32 v8, v5  }
0xb9: {  	v8 =	vmax.f32 v8, v6  }
0xba: {  	v8 =	vmax.f32 v8, v7  }
0xbb: {  	v8 =	vmax.f32 v8, v9  }
0xbc: {  	v1 =	vsub.f32 v1, v8  }
0xbd: {  	v2 =	vsub.f32 v2, v8  }
0xbe: {  	v1 =	vmul.f32 $1.442695020e+00, v1  }
0xbf: {  	v3 =	vsub.f32 v3, v8;
	v2 =	vmul.f32 $1.442695020e+00, v2  }
0xc0: {  	(erf) = vpow2.f32 v1  }
0xc1: {  	v3 =	vmul.f32 $1.442695020e+00, v3;
	v1 =	vsub.f32 v4, v8;
	(erf) = vpow2.f32 v2;
	_ =	sdelay $0x1  }
0xc2: {  	v2 =	vsub.f32 v5, v8;
	v1 =	vmul.f32 $1.442695020e+00, v1;
	(erf) = vpow2.f32 v3  }
0xc3: {  	v3 =	vsub.f32 v6, v8  }
0xc4: {  	v2 =	vmul.f32 $1.442695020e+00, v2;
	(erf) = vpow2.f32 v1  }
0xc5: {  	v3 =	vmul.f32 $1.442695020e+00, v3  }
0xc6: {  	v1 =	vsub.f32 v7, v8;
	(erf) = vpow2.f32 v2  }
0xc7: {  	v2 =	vsub.f32 v9, v8  }
0xc8: {  	v1 =	vmul.f32 $1.442695020e+00, v1;
	v4 =	vpop (erf);
	(erf) = vpow2.f32 v3  }
0xc9: {  	v2 =	vmul.f32 $1.442695020e+00, v2;
	v3 =	vpop (erf)  }
0xca: {  	(erf) = vpow2.f32 v1;
	vm0 =	vgt.f32 v3, v4  }
0xcb: {  	v6 =	vpop (erf);
	v1 =	vsel vm0, v3, v4  }
0xcc: {  	(erf) = vpow2.f32 v2;
	vm1 =	vgt.f32 v6, v1  }
0xcd: {  	v2 =	vpop (erf);
	v1 =	vsel vm1, v6, v1  }
0xce: {  	vm2 =	vgt.f32 v2, v1  }
0xcf: {  	v7 =	vpop (erf);
	v1 =	vsel vm2, v2, v1  }
0xd0: {  	vm4 =	vgt.f32 v7, v1  }
0xd1: {  	v1 =	vsel vm4, v7, v1;
	v8 =	vpop (erf)  }
0xd2: {  	v5 =	vsel vm0, $0x1, v0;
	vm0 =	vgt.f32 v8, v1  }
0xd3: {  	v5 =	vsel vm1, $0x2, v5;
	v9 =	vpop (erf);
	v1 =	vsel vm0, v8, v1  }
0xd4: {  	v5 =	vsel vm2, $0x3, v5;
	vm3 =	vgt.f32 v9, v1  }
0xd5: {  	v5 =	vsel vm4, $0x4, v5;
	v11 =	vpop (erf);
	v10 =	vsel vm3, v9, v1  }
0xd6: {  	v1 =	vsel vm0, $0x5, v5;
	vm0 =	vgt.f32 v11, v10  }
0xd7: {  	v1 =	vsel vm3, $0x6, v1;
	vm0 =	vmneg vm0  }
0xd8: {  	v1 =	vnsel vm0, $0x7, v1  }
0xd9: {  	v5 =	vadd.f32 v3, v4;
	vm8 =	veq.s32 v1, $0x0;
	vm6 =	veq.s32 v1, $0x1  }
0xda: {  	v12 =	vsel vm8, $0xBF800000, v4;
	v13 =	vsel vm6, $0xBF800000, v3  }
0xdb: {  	v5 =	vadd.f32 v5, v6;
	vm5 =	veq.s32 v1, $0x2;
	vm4 =	vgt.f32 v13, v12  }
0xdc: {  	v14 =	vsel vm5, $0xBF800000, v6;
	v12 =	vsel vm4, v13, v12  }
0xdd: {  	v5 =	vadd.f32 v5, v2;
	vm7 =	veq.s32 v1, $0x3;
	vm9 =	vgt.f32 v14, v12  }
0xde: {  	v56 =	vsel vm7, $0xBF800000, v2;
	v12 =	vsel vm9, v14, v12  }
0xdf: {  	vm1 =	veq.s32 v1, $0x4;
	v5 =	vadd.f32 v5, v7;
	vm10 =	vgt.f32 v56, v12  }
0xe0: {  	v57 =	vsel vm1, $0xBF800000, v7;
	v12 =	vsel vm10, v56, v12  }
0xe1: {  	vm2 =	veq.s32 v1, $0x5;
	v5 =	vadd.f32 v5, v8;
	vm11 =	vgt.f32 v57, v12  }
0xe2: {  	v58 =	vsel vm2, $0xBF800000, v8;
	v12 =	vsel vm11, v57, v12  }
0xe3: {  	vm3 =	vmand vm3, vm0;
	v5 =	vadd.f32 v5, v9;
	vm12 =	vgt.f32 v58, v12  }
0xe4: {  	v59 =	vsel vm3, $0xBF800000, v9;
	v12 =	vsel vm12, v58, v12  }
0xe5: {  	v5 =	vadd.f32 v5, v11;
	vm14 =	vgt.f32 v59, v12  }
0xe6: {  	v60 =	vnsel vm0, $0xBF800000, v11;
	v12 =	vsel vm14, v59, v12  }
0xe7: {  	(erf) = vrcp.f32 v5;
	vm13 =	vgt.f32 v60, v12  }
0xe8: {  	vm13 =	vmneg vm13  }
0xe9: {  	v10 =	vsel vm0, v10, v11;
	v12 =	vsel vm13, v12, v60  }
0xea: {  	v5 =	vadd.f32 v12, v10;
	_ =	sdelay $0x1  }
0xeb: {  	(erf) = vrcp.f32 v5;
	_ =	sdelay $0x1  }
0xec: {  	v5 =	vsel vm4, $0x1, v0  }
0xed: {  	v5 =	vsel vm9, $0x2, v5  }
0xee: {  	v61 =	vpop (erf);
	v62 =	vsel vm10, $0x3, v5  }
0xef: {  	vm4 =	vmand vm14, vm13;
	v5 =	vmul.f32 v61, v3;
	v3 =	vsel vm11, $0x4, v62  }
0xf0: {  	v15 =	vmul.f32 v61, v4;
	v63 =	vmul.f32 v61, v2;
	v2 =	vsel vm12, $0x5, v3  }
0xf1: {  	v4 =	vmul.f32 v61, v6;
	v16 =	vmul.f32 v61, v7;
	v3 =	vsel vm14, $0x6, v2  }
0xf2: {  	v17 =	vmul.f32 v61, v8;
	v7 =	vmul.f32 v61, v9;
	v3 =	vnsel vm13, $0x7, v3  }
0xf3: {  	[tilespmem:s3+$0x4100] =	vst v4;
	v2 =	vmul.f32 v61, v11;
	vm14 =	veq.s32 v3, $0x0;
	vm10 =	veq.s32 v3, $0x2;
	v6 =	vpop (erf)  }
0xf4: {  	[tilespmem:s3+$0x4000] =	vst v15;
	vm9 =	veq.s32 v3, $0x5;
	v4 =	vmul.f32 v6, v10;
	v6 =	vmul.f32 v6, v12  }
0xf5: {  	[tilespmem:s3+$0x4300] =	vst v7;
	vm15 =	veq.s32 v3, $0x1;
	vm12 =	veq.s32 v3, $0x3;
	vm11 =	veq.s32 v3, $0x4  }
0xf6: {  	[tilespmem:s3+$0x4180] =	vst v63;
	v8 =	vnsel vm8, $0x0, v4;
	v9 =	vnsel vm14, $0x0, v6;
	v7 =	vsel vm13, $0x0, v6  }
0xf7: {  	[tilespmem:s3+$0x4280] =	vst v17;
	v10 =	vnsel vm15, $0x0, v6;
	v8 =	vadd.f32 v9, v8;
	v9 =	vnsel vm6, $0x0, v4  }
0xf8: {  	s5 =	simm.s32 $0x0;
	s6 =	simm.s32 $0x1;
	s7 =	simm.s32 $0x0;
	[tilespmem:s3+$0x4200] =	vst v16;
	v11 =	vnsel vm7, $0x0, v4;
	v10 =	vadd.f32 v10, v9;
	v9 =	vnsel vm5, $0x0, v4  }
.LBB2_2:
0xf9: {  	p0 =	sne.s32 s6, $0x3F  }
0xfa: {  	[tilespmem:s3+$0x4080] =	vst v5;
	v5 =	vnsel vm12, $0x0, v6;
	v12 =	vnsel vm1, $0x0, v4;
	v13 =	vnsel vm11, $0x0, v6;
	s7 =	sadd.s32 $0x10, s7;
	s8 =	smov.u32 s6;
	s6 =	sadd.s32 $0x1, s6  }
0xfb: {  	[tilespmem:s3+$0x2080] =	vst v10;
	v10 =	vnsel vm10, $0x0, v6;
	v5 =	vadd.f32 v5, v11;
	v11 =	vadd.f32 v13, v12  }
0xfc: {  	[tilespmem:s3+$0x2000] =	vst v8;
	v8 =	vadd.f32 v10, v9;
	v9 =	vnsel vm2, $0x0, v4;
	v10 =	vnsel vm9, $0x0, v6  }
0xfd: {  	[tilespmem:s3+$0x2180] =	vst v5;
	v5 =	vadd.f32 v10, v9;
	v9 =	vnsel vm3, $0x0, v4;
	v10 =	vnsel vm4, $0x0, v6  }
0xfe: {  	[tilespmem:s3+$0x2100] =	vst v8;
	v8 =	vadd.f32 v10, v9;
	v9 =	vsel vm0, $0x0, v4  }
0xff: {  	[tilespmem:s3+$0x2280] =	vst v5;
	v5 =	vadd.f32 v7, v9  }
0x100: {  	[tilespmem:s3+$0x2300] =	vst v8  }
0x101: {  	[tilespmem:s3+$0x2200] =	vst v11  }
0x102: {  	[tilespmem:s4+$0x4000] =	vst v2  }
0x103: {  	[tilespmem:s4+$0x2000] =	vst v5;
	s4 =	sor.u32 s2, s5  }
0x104: {  	[tilespmem:s4+$0x6880] =	vst v6  }
0x105: {  	s3 =	sshrl.u32 s8, $0x3;
	[tilespmem:s4+$0x6800] =	vst v4  }
0x106: {  	s8 =	sshll.u32 s3, $0xA;
	s2 =	sand.u32 $0x70, s7;
	s5 =	sshll.u32 s3, $0x8;
	[tilespmem:s4+$0x6000] =	vst v1  }
0x107: {  	s3 =	sor.u32 s2, s8;
	s8 =	sor.u32 s8, s7;
	[tilespmem:s4+$0x6080] =	vst v3  }
0x108: {  	v1 =	vld [tilespmem:s3+$0x0]  }
0x109: {  	v2 =	vld [tilespmem:s3+$0x80]  }
0x10a: {  	v3 =	vld [tilespmem:s3+$0x100]  }
0x10b: {  	v4 =	vld [tilespmem:s3+$0x180]  }
0x10c: {  	v5 =	vld [tilespmem:s3+$0x200]  }
0x10d: {  	v6 =	vld [tilespmem:s3+$0x280]  }
0x10e: {  	s4 =	sor.u32 $0x380, s8;
	v7 =	vld [tilespmem:s3+$0x300];
	v8 =	vmax.f32 v1, v2  }
0x10f: {  	v9 =	vld [tilespmem:s4+$0x0];
	v8 =	vmax.f32 v8, v3  }
0x110: {  	v8 =	vmax.f32 v8, v4  }
0x111: {  	v8 =	vmax.f32 v8, v5  }
0x112: {  	v8 =	vmax.f32 v8, v6  }
0x113: {  	v8 =	vmax.f32 v8, v7  }
0x114: {  	v8 =	vmax.f32 v8, v9  }
0x115: {  	v1 =	vsub.f32 v1, v8;
	v2 =	vsub.f32 v2, v8  }
0x116: {  	v3 =	vsub.f32 v3, v8;
	v4 =	vsub.f32 v4, v8  }
0x117: {  	v5 =	vsub.f32 v5, v8;
	v1 =	vmul.f32 $1.442695020e+00, v1;
	v2 =	vmul.f32 $1.442695020e+00, v2  }
0x118: {  	v6 =	vsub.f32 v6, v8;
	v3 =	vmul.f32 $1.442695020e+00, v3;
	v4 =	vmul.f32 $1.442695020e+00, v4  }
0x119: {  	v7 =	vsub.f32 v7, v8;
	v5 =	vmul.f32 $1.442695020e+00, v5;
	(erf) = vpow2.f32 v1  }
0x11a: {  	v1 =	vmul.f32 $1.442695020e+00, v6;
	v6 =	vsub.f32 v9, v8;
	(erf) = vpow2.f32 v2  }
0x11b: {  	v2 =	vmul.f32 $1.442695020e+00, v7  }
0x11c: {  	v6 =	vmul.f32 $1.442695020e+00, v6;
	(erf) = vpow2.f32 v3;
	_ =	sdelay $0x1  }
0x11d: {  	(erf) = vpow2.f32 v4;
	_ =	sdelay $0x1  }
0x11e: {  	(erf) = vpow2.f32 v5;
	_ =	sdelay $0x1  }
0x11f: {  	v3 =	vpop (erf);
	(erf) = vpow2.f32 v1  }
0x120: {  	v4 =	vpop (erf)  }
0x121: {  	v1 =	vadd.f32 v4, v3;
	vm0 =	vgt.f32 v4, v3;
	(erf) = vpow2.f32 v2  }
0x122: {  	v2 =	vsel vm0, v4, v3;
	v7 =	vpop (erf)  }
0x123: {  	v1 =	vadd.f32 v1, v7;
	vm1 =	vgt.f32 v7, v2;
	(erf) = vpow2.f32 v6  }
0x124: {  	v2 =	vsel vm1, v7, v2;
	v6 =	vpop (erf)  }
0x125: {  	v1 =	vadd.f32 v1, v6;
	vm2 =	vgt.f32 v6, v2  }
0x126: {  	v2 =	vsel vm2, v6, v2;
	v8 =	vpop (erf)  }
0x127: {  	v5 =	vsel vm0, $0x1, v0;
	v1 =	vadd.f32 v1, v8;
	vm0 =	vgt.f32 v8, v2  }
0x128: {  	v5 =	vsel vm1, $0x2, v5;
	v2 =	vsel vm0, v8, v2;
	v9 =	vpop (erf)  }
0x129: {  	v5 =	vsel vm2, $0x3, v5;
	v1 =	vadd.f32 v1, v9;
	vm1 =	vgt.f32 v9, v2  }
0x12a: {  	v5 =	vsel vm0, $0x4, v5;
	v2 =	vsel vm1, v9, v2;
	v10 =	vpop (erf)  }
0x12b: {  	v5 =	vsel vm1, $0x5, v5;
	v1 =	vadd.f32 v1, v10;
	vm3 =	vgt.f32 v10, v2  }
0x12c: {  	v2 =	vsel vm3, v10, v2;
	v5 =	vsel vm3, $0x6, v5;
	v11 =	vpop (erf)  }
0x12d: {  	v12 =	vadd.f32 v1, v11;
	vm0 =	vgt.f32 v11, v2  }
0x12e: {  	vm0 =	vmneg vm0  }
0x12f: {  	v13 =	vsel vm0, v2, v11;
	v1 =	vnsel vm0, $0x7, v5;
	(erf) = vrcp.f32 v12  }
0x130: {  	vm8 =	veq.s32 v1, $0x0;
	vm6 =	veq.s32 v1, $0x1;
	vm5 =	veq.s32 v1, $0x2  }
0x131: {  	v2 =	vsel vm8, $0xBF800000, v3;
	v5 =	vsel vm6, $0xBF800000, v4;
	v12 =	vsel vm5, $0xBF800000, v7  }
0x132: {  	vm7 =	veq.s32 v1, $0x3;
	vm9 =	vgt.f32 v5, v2  }
0x133: {  	v2 =	vsel vm9, v5, v2;
	v5 =	vsel vm7, $0xBF800000, v6  }
0x134: {  	vm1 =	veq.s32 v1, $0x4;
	vm10 =	vgt.f32 v12, v2  }
0x135: {  	v2 =	vsel vm10, v12, v2;
	v12 =	vsel vm1, $0xBF800000, v8  }
0x136: {  	vm2 =	veq.s32 v1, $0x5;
	vm11 =	vgt.f32 v5, v2  }
0x137: {  	v14 =	vsel vm2, $0xBF800000, v9;
	v2 =	vsel vm11, v5, v2  }
0x138: {  	vm3 =	vmand vm3, vm0;
	vm12 =	vgt.f32 v12, v2;
	v15 =	vpop (erf)  }
0x139: {  	v2 =	vsel vm12, v12, v2;
	v12 =	vsel vm3, $0xBF800000, v10;
	v16 =	vmul.f32 v15, v3  }
0x13a: {  	v5 =	vmul.f32 v15, v4;
	v4 =	vmul.f32 v15, v7;
	vm14 =	vgt.f32 v14, v2  }
0x13b: {  	v3 =	vnsel vm0, $0xBF800000, v11;
	v7 =	vmul.f32 v15, v6;
	v2 =	vsel vm14, v14, v2  }
0x13c: {  	v9 =	vmul.f32 v15, v9;
	v14 =	vmul.f32 v15, v8;
	vm15 =	vgt.f32 v12, v2  }
0x13d: {  	v8 =	vmul.f32 v15, v10;
	v6 =	vsel vm15, v12, v2;
	v2 =	vmul.f32 v15, v11  }
0x13e: {  	vm4 =	vgt.f32 v3, v6  }
0x13f: {  	vm13 =	vmneg vm4  }
0x140: {  	v6 =	vsel vm13, v6, v3;
	vm4 =	vmand vm15, vm13  }
0x141: {  	v3 =	vadd.f32 v6, v13;
	_ =	sdelay $0x1  }
0x142: {  	(erf) = vrcp.f32 v3;
	_ =	sdelay $0x1  }
0x143: {  	v3 =	vsel vm9, $0x1, v0  }
0x144: {  	v3 =	vsel vm10, $0x2, v3  }
0x145: {  	v3 =	vsel vm11, $0x3, v3  }
0x146: {  	v3 =	vsel vm12, $0x4, v3  }
0x147: {  	v3 =	vsel vm14, $0x5, v3  }
0x148: {  	v3 =	vsel vm15, $0x6, v3  }
0x149: {  	v3 =	vnsel vm13, $0x7, v3  }
0x14a: {  	vm14 =	veq.s32 v3, $0x0;
	vm10 =	veq.s32 v3, $0x2;
	[tilespmem:s3+$0x4100] =	vst v4;
	v10 =	vpop (erf)  }
.Ltmp0:
0x14b: {  	vm9 =	veq.s32 v3, $0x5;
	v4 =	vmul.f32 v10, v13;
	v6 =	vmul.f32 v10, v6;
	[tilespmem:s3+$0x4000] =	vst v16;
	(pc) =	sbr.rel @p0 .LBB2_2-.Ltmp0, $4  }
0x14c: {  	vm15 =	veq.s32 v3, $0x1;
	vm12 =	veq.s32 v3, $0x3;
	vm11 =	veq.s32 v3, $0x4;
	[tilespmem:s3+$0x4300] =	vst v8  }
0x14d: {  	v8 =	vnsel vm8, $0x0, v4;
	v10 =	vnsel vm14, $0x0, v6;
	[tilespmem:s3+$0x4180] =	vst v7;
	v7 =	vsel vm13, $0x0, v6  }
0x14e: {  	v11 =	vnsel vm15, $0x0, v6;
	v8 =	vadd.f32 v10, v8;
	v10 =	vnsel vm6, $0x0, v4;
	[tilespmem:s3+$0x4280] =	vst v9  }
0x14f: {  	v9 =	vnsel vm5, $0x0, v4;
	v10 =	vadd.f32 v11, v10;
	v11 =	vnsel vm7, $0x0, v4;
	[tilespmem:s3+$0x4200] =	vst v14  }
0x150: {  	[tilespmem:s3+$0x4080] =	vst v5;
	v52 =	vnsel vm12, $0x0, v6  }
0x151: {  	v53 =	vnsel vm10, $0x0, v6;
	[tilespmem:s3+$0x2000] =	vst v8;
	v5 =	vadd.f32 v52, v11  }
0x152: {  	v55 =	vnsel vm2, $0x0, v4;
	v56 =	vnsel vm9, $0x0, v6;
	[tilespmem:s3+$0x2080] =	vst v10;
	v54 =	vadd.f32 v53, v9  }
0x153: {  	v58 =	vnsel vm3, $0x0, v4;
	v59 =	vnsel vm4, $0x0, v6;
	v57 =	vadd.f32 v56, v55;
	[tilespmem:s3+$0x2180] =	vst v5  }
0x154: {  	v60 =	vnsel vm1, $0x0, v4;
	v12 =	vnsel vm11, $0x0, v6;
	v61 =	vadd.f32 v59, v58;
	[tilespmem:s3+$0x2100] =	vst v54  }
0x155: {  	v62 =	vadd.f32 v12, v60;
	[tilespmem:s3+$0x2280] =	vst v57  }
0x156: {  	v63 =	vsel vm0, $0x0, v4;
	[tilespmem:s3+$0x2300] =	vst v61  }
0x157: {  	[tilespmem:s3+$0x2200] =	vst v62;
	v5 =	vadd.f32 v7, v63  }
0x158: {  	[tilespmem:s4+$0x4000] =	vst v2  }
0x159: {  	s2 =	sor.u32 s2, s5;
	[tilespmem:s4+$0x2000] =	vst v5  }
0x15a: {  	[tilespmem:s2+$0x6880] =	vst v6  }
0x15b: {  	[tilespmem:s2+$0x6800] =	vst v4  }
0x15c: {  	[tilespmem:s2+$0x6000] =	vst v1  }
0x15d: {  	s6 =	simm.s32 $0x2000;
	[tilespmem:s2+$0x6080] =	vst v3  }
0x15e: {  	[hbm4b:s22+s1] =	stream.linear.scatter [tilespmem:s6], [sflag:$0x1], $0x80, $0x38;
	[tilespmem:$0x7000] =	vst v63  }
0x15f: {  	s7 =	sadd.s32 $0x80, s22;
	s8 =	simm.s32 $0x2400  }
0x160: {  	[hbm4b:s7+s1] =	stream.linear.scatter [tilespmem:s8], [sflag:$0x1], $0x80, $0x38;
	[tilespmem:$0x7000] =	vst v63  }
0x161: {  	s3 =	sadd.s32 $0x100, s22;
	s4 =	simm.s32 $0x2800  }
0x162: {  	[hbm4b:s3+s1] =	stream.linear.scatter [tilespmem:s4], [sflag:$0x1], $0x80, $0x38;
	[tilespmem:$0x7000] =	vst v63  }
0x163: {  	s5 =	sadd.s32 $0x180, s22;
	s6 =	simm.s32 $0x2C00  }
0x164: {  	[hbm4b:s5+s1] =	stream.linear.scatter [tilespmem:s6], [sflag:$0x1], $0x80, $0x38;
	[tilespmem:$0x7000] =	vst v63  }
0x165: {  	s7 =	sadd.s32 $0x200, s22;
	s8 =	simm.s32 $0x3000  }
0x166: {  	[hbm4b:s7+s1] =	stream.linear.scatter [tilespmem:s8], [sflag:$0x1], $0x80, $0x38;
	[tilespmem:$0x7000] =	vst v63  }
0x167: {  	s3 =	sadd.s32 $0x280, s22;
	s4 =	simm.s32 $0x3400  }
0x168: {  	[hbm4b:s3+s1] =	stream.linear.scatter [tilespmem:s4], [sflag:$0x1], $0x80, $0x38;
	[tilespmem:$0x7000] =	vst v63  }
0x169: {  	s5 =	sadd.s32 $0x300, s22;
	s6 =	simm.s32 $0x3800  }
0x16a: {  	[hbm4b:s5+s1] =	stream.linear.scatter [tilespmem:s6], [sflag:$0x1], $0x80, $0x38;
	[tilespmem:$0x7000] =	vst v63  }
0x16b: {  	s7 =	sadd.s32 $0x380, s22;
	s8 =	simm.s32 $0x3C00  }
0x16c: {  	[hbm4b:s7+s1] =	stream.linear.scatter [tilespmem:s8], [sflag:$0x1], $0x80, $0x38;
	[tilespmem:$0x7000] =	vst v63  }
0x16d: {  	_ =	swait.ge [sflag:s26], $0x400  }
0x16e: {  	[sflag:s26] =	ssyncset.done $0x0  }
0x16f: {  	s4 =	simm.s32 $0x4000;
	[sflag:s26] =	ssyncadd.s32 $0xFFFFFC00  }
0x170: {  	[hbm4b:s25+s1] =	stream.linear.scatter [tilespmem:s4], [sflag:$0x1], $0x80, $0x38;
	[tilespmem:$0x7000] =	vst v63  }
0x171: {  	s5 =	sadd.s32 $0x80, s25;
	s6 =	simm.s32 $0x4400  }
0x172: {  	[hbm4b:s5+s1] =	stream.linear.scatter [tilespmem:s6], [sflag:$0x1], $0x80, $0x38;
	[tilespmem:$0x7000] =	vst v63  }
0x173: {  	s7 =	sadd.s32 $0x100, s25;
	s8 =	simm.s32 $0x4800  }
0x174: {  	[hbm4b:s7+s1] =	stream.linear.scatter [tilespmem:s8], [sflag:$0x1], $0x80, $0x38;
	[tilespmem:$0x7000] =	vst v63  }
0x175: {  	s3 =	sadd.s32 $0x180, s25;
	s4 =	simm.s32 $0x4C00  }
0x176: {  	[hbm4b:s3+s1] =	stream.linear.scatter [tilespmem:s4], [sflag:$0x1], $0x80, $0x38;
	[tilespmem:$0x7000] =	vst v63  }
0x177: {  	s5 =	sadd.s32 $0x200, s25;
	s6 =	simm.s32 $0x5000  }
0x178: {  	[hbm4b:s5+s1] =	stream.linear.scatter [tilespmem:s6], [sflag:$0x1], $0x80, $0x38;
	[tilespmem:$0x7000] =	vst v63  }
0x179: {  	s7 =	sadd.s32 $0x280, s25;
	s8 =	simm.s32 $0x5400  }
0x17a: {  	[hbm4b:s7+s1] =	stream.linear.scatter [tilespmem:s8], [sflag:$0x1], $0x80, $0x38;
	[tilespmem:$0x7000] =	vst v63  }
0x17b: {  	s4 =	sadd.s32 $0x300, s25;
	s5 =	simm.s32 $0x5800  }
0x17c: {  	[hbm4b:s4+s1] =	stream.linear.scatter [tilespmem:s5], [sflag:$0x1], $0x80, $0x38;
	[tilespmem:$0x7000] =	vst v63  }
0x17d: {  	s6 =	sadd.s32 $0x380, s25;
	s7 =	simm.s32 $0x5C00  }
0x17e: {  	[hbm4b:s6+s1] =	stream.linear.scatter [tilespmem:s7], [sflag:$0x1], $0x80, $0x38;
	[tilespmem:$0x7000] =	vst v63  }
0x17f: {  	_ =	swait.ge [sflag:s26], $0x400  }
0x180: {  	[sflag:s26] =	ssyncset.done $0x0  }
0x181: {  	s8 =	simm.s32 $0x2080;
	[sflag:s26] =	ssyncadd.s32 $0xFFFFFC00  }
0x182: {  	[hbm4b:s10+s1] =	stream.linear.scatter [tilespmem:s8], [sflag:$0x1], $0x80, $0x38;
	[tilespmem:$0x7000] =	vst v63  }
0x183: {  	s3 =	sadd.s32 $0x80, s10;
	s4 =	simm.s32 $0x2480  }
0x184: {  	[hbm4b:s3+s1] =	stream.linear.scatter [tilespmem:s4], [sflag:$0x1], $0x80, $0x38;
	[tilespmem:$0x7000] =	vst v63  }
0x185: {  	s5 =	sadd.s32 $0x100, s10;
	s6 =	simm.s32 $0x2880  }
0x186: {  	[hbm4b:s5+s1] =	stream.linear.scatter [tilespmem:s6], [sflag:$0x1], $0x80, $0x38;
	[tilespmem:$0x7000] =	vst v63  }
0x187: {  	s7 =	sadd.s32 $0x180, s10;
	s8 =	simm.s32 $0x2C80  }
0x188: {  	[hbm4b:s7+s1] =	stream.linear.scatter [tilespmem:s8], [sflag:$0x1], $0x80, $0x38;
	[tilespmem:$0x7000] =	vst v63  }
0x189: {  	s3 =	sadd.s32 $0x200, s10;
	s4 =	simm.s32 $0x3080  }
0x18a: {  	[hbm4b:s3+s1] =	stream.linear.scatter [tilespmem:s4], [sflag:$0x1], $0x80, $0x38;
	[tilespmem:$0x7000] =	vst v63  }
0x18b: {  	s5 =	sadd.s32 $0x280, s10;
	s6 =	simm.s32 $0x3480  }
0x18c: {  	[hbm4b:s5+s1] =	stream.linear.scatter [tilespmem:s6], [sflag:$0x1], $0x80, $0x38;
	[tilespmem:$0x7000] =	vst v63  }
0x18d: {  	s7 =	sadd.s32 $0x300, s10;
	s8 =	simm.s32 $0x3880  }
0x18e: {  	[hbm4b:s7+s1] =	stream.linear.scatter [tilespmem:s8], [sflag:$0x1], $0x80, $0x38;
	[tilespmem:$0x7000] =	vst v63  }
0x18f: {  	s4 =	sadd.s32 $0x380, s10;
	s5 =	simm.s32 $0x3C80  }
0x190: {  	[hbm4b:s4+s1] =	stream.linear.scatter [tilespmem:s5], [sflag:$0x1], $0x80, $0x38;
	[tilespmem:$0x7000] =	vst v63  }
0x191: {  	_ =	swait.ge [sflag:s26], $0x400  }
0x192: {  	[sflag:s26] =	ssyncset.done $0x0  }
0x193: {  	s6 =	simm.s32 $0x4080;
	[sflag:s26] =	ssyncadd.s32 $0xFFFFFC00  }
0x194: {  	[hbm4b:s11+s1] =	stream.linear.scatter [tilespmem:s6], [sflag:$0x1], $0x80, $0x38;
	[tilespmem:$0x7000] =	vst v63  }
0x195: {  	s7 =	sadd.s32 $0x80, s11;
	s8 =	simm.s32 $0x4480  }
0x196: {  	[hbm4b:s7+s1] =	stream.linear.scatter [tilespmem:s8], [sflag:$0x1], $0x80, $0x38;
	[tilespmem:$0x7000] =	vst v63  }
0x197: {  	s3 =	sadd.s32 $0x100, s11;
	s4 =	simm.s32 $0x4880  }
0x198: {  	[hbm4b:s3+s1] =	stream.linear.scatter [tilespmem:s4], [sflag:$0x1], $0x80, $0x38;
	[tilespmem:$0x7000] =	vst v63  }
0x199: {  	s5 =	sadd.s32 $0x180, s11;
	s6 =	simm.s32 $0x4C80  }
0x19a: {  	[hbm4b:s5+s1] =	stream.linear.scatter [tilespmem:s6], [sflag:$0x1], $0x80, $0x38;
	[tilespmem:$0x7000] =	vst v63  }
0x19b: {  	s7 =	sadd.s32 $0x200, s11;
	s8 =	simm.s32 $0x5080  }
0x19c: {  	[hbm4b:s7+s1] =	stream.linear.scatter [tilespmem:s8], [sflag:$0x1], $0x80, $0x38;
	[tilespmem:$0x7000] =	vst v63  }
0x19d: {  	s3 =	sadd.s32 $0x280, s11;
	s4 =	simm.s32 $0x5480  }
0x19e: {  	[hbm4b:s3+s1] =	stream.linear.scatter [tilespmem:s4], [sflag:$0x1], $0x80, $0x38;
	[tilespmem:$0x7000] =	vst v63  }
0x19f: {  	s5 =	sadd.s32 $0x300, s11;
	s6 =	simm.s32 $0x5880  }
0x1a0: {  	[hbm4b:s5+s1] =	stream.linear.scatter [tilespmem:s6], [sflag:$0x1], $0x80, $0x38;
	[tilespmem:$0x7000] =	vst v63  }
0x1a1: {  	s7 =	sadd.s32 $0x380, s11;
	s8 =	simm.s32 $0x5C80  }
0x1a2: {  	[hbm4b:s7+s1] =	stream.linear.scatter [tilespmem:s8], [sflag:$0x1], $0x80, $0x38;
	[tilespmem:$0x7000] =	vst v63  }
0x1a3: {  	_ =	swait.ge [sflag:s26], $0x400  }
0x1a4: {  	[sflag:s26] =	ssyncset.done $0x0  }
0x1a5: {  	s4 =	simm.s32 $0x2100;
	[sflag:s26] =	ssyncadd.s32 $0xFFFFFC00  }
0x1a6: {  	[hbm4b:s12+s1] =	stream.linear.scatter [tilespmem:s4], [sflag:$0x1], $0x80, $0x38;
	[tilespmem:$0x7000] =	vst v63  }
0x1a7: {  	s5 =	sadd.s32 $0x80, s12;
	s6 =	simm.s32 $0x2500  }
0x1a8: {  	[hbm4b:s5+s1] =	stream.linear.scatter [tilespmem:s6], [sflag:$0x1], $0x80, $0x38;
	[tilespmem:$0x7000] =	vst v63  }
0x1a9: {  	s7 =	sadd.s32 $0x100, s12;
	s8 =	simm.s32 $0x2900  }
0x1aa: {  	[hbm4b:s7+s1] =	stream.linear.scatter [tilespmem:s8], [sflag:$0x1], $0x80, $0x38;
	[tilespmem:$0x7000] =	vst v63  }
0x1ab: {  	s3 =	sadd.s32 $0x180, s12;
	s4 =	simm.s32 $0x2D00  }
0x1ac: {  	[hbm4b:s3+s1] =	stream.linear.scatter [tilespmem:s4], [sflag:$0x1], $0x80, $0x38;
	[tilespmem:$0x7000] =	vst v63  }
0x1ad: {  	s5 =	sadd.s32 $0x200, s12;
	s6 =	simm.s32 $0x3100  }
0x1ae: {  	[hbm4b:s5+s1] =	stream.linear.scatter [tilespmem:s6], [sflag:$0x1], $0x80, $0x38;
	[tilespmem:$0x7000] =	vst v63  }
0x1af: {  	s7 =	sadd.s32 $0x280, s12;
	s8 =	simm.s32 $0x3500  }
0x1b0: {  	[hbm4b:s7+s1] =	stream.linear.scatter [tilespmem:s8], [sflag:$0x1], $0x80, $0x38;
	[tilespmem:$0x7000] =	vst v63  }
0x1b1: {  	s4 =	sadd.s32 $0x300, s12;
	s5 =	simm.s32 $0x3900  }
0x1b2: {  	[hbm4b:s4+s1] =	stream.linear.scatter [tilespmem:s5], [sflag:$0x1], $0x80, $0x38;
	[tilespmem:$0x7000] =	vst v63  }
0x1b3: {  	s6 =	sadd.s32 $0x380, s12;
	s7 =	simm.s32 $0x3D00  }
0x1b4: {  	[hbm4b:s6+s1] =	stream.linear.scatter [tilespmem:s7], [sflag:$0x1], $0x80, $0x38;
	[tilespmem:$0x7000] =	vst v63  }
0x1b5: {  	_ =	swait.ge [sflag:s26], $0x400  }
0x1b6: {  	[sflag:s26] =	ssyncset.done $0x0  }
0x1b7: {  	s8 =	simm.s32 $0x4100;
	[sflag:s26] =	ssyncadd.s32 $0xFFFFFC00  }
0x1b8: {  	[hbm4b:s13+s1] =	stream.linear.scatter [tilespmem:s8], [sflag:$0x1], $0x80, $0x38;
	[tilespmem:$0x7000] =	vst v63  }
0x1b9: {  	s3 =	sadd.s32 $0x80, s13;
	s4 =	simm.s32 $0x4500  }
0x1ba: {  	[hbm4b:s3+s1] =	stream.linear.scatter [tilespmem:s4], [sflag:$0x1], $0x80, $0x38;
	[tilespmem:$0x7000] =	vst v63  }
0x1bb: {  	s5 =	sadd.s32 $0x100, s13;
	s6 =	simm.s32 $0x4900  }
0x1bc: {  	[hbm4b:s5+s1] =	stream.linear.scatter [tilespmem:s6], [sflag:$0x1], $0x80, $0x38;
	[tilespmem:$0x7000] =	vst v63  }
0x1bd: {  	s7 =	sadd.s32 $0x180, s13;
	s8 =	simm.s32 $0x4D00  }
0x1be: {  	[hbm4b:s7+s1] =	stream.linear.scatter [tilespmem:s8], [sflag:$0x1], $0x80, $0x38;
	[tilespmem:$0x7000] =	vst v63  }
0x1bf: {  	s3 =	sadd.s32 $0x200, s13;
	s4 =	simm.s32 $0x5100  }
0x1c0: {  	[hbm4b:s3+s1] =	stream.linear.scatter [tilespmem:s4], [sflag:$0x1], $0x80, $0x38;
	[tilespmem:$0x7000] =	vst v63  }
0x1c1: {  	s5 =	sadd.s32 $0x280, s13;
	s6 =	simm.s32 $0x5500  }
0x1c2: {  	[hbm4b:s5+s1] =	stream.linear.scatter [tilespmem:s6], [sflag:$0x1], $0x80, $0x38;
	[tilespmem:$0x7000] =	vst v63  }
0x1c3: {  	s7 =	sadd.s32 $0x300, s13;
	s8 =	simm.s32 $0x5900  }
0x1c4: {  	[hbm4b:s7+s1] =	stream.linear.scatter [tilespmem:s8], [sflag:$0x1], $0x80, $0x38;
	[tilespmem:$0x7000] =	vst v63  }
0x1c5: {  	s4 =	sadd.s32 $0x380, s13;
	s5 =	simm.s32 $0x5D00  }
0x1c6: {  	[hbm4b:s4+s1] =	stream.linear.scatter [tilespmem:s5], [sflag:$0x1], $0x80, $0x38;
	[tilespmem:$0x7000] =	vst v63  }
0x1c7: {  	_ =	swait.ge [sflag:s26], $0x400  }
0x1c8: {  	[sflag:s26] =	ssyncset.done $0x0  }
0x1c9: {  	s6 =	simm.s32 $0x2180;
	[sflag:s26] =	ssyncadd.s32 $0xFFFFFC00  }
0x1ca: {  	[hbm4b:s14+s1] =	stream.linear.scatter [tilespmem:s6], [sflag:$0x1], $0x80, $0x38;
	[tilespmem:$0x7000] =	vst v63  }
0x1cb: {  	s7 =	sadd.s32 $0x80, s14;
	s8 =	simm.s32 $0x2580  }
0x1cc: {  	[hbm4b:s7+s1] =	stream.linear.scatter [tilespmem:s8], [sflag:$0x1], $0x80, $0x38;
	[tilespmem:$0x7000] =	vst v63  }
0x1cd: {  	s3 =	sadd.s32 $0x100, s14;
	s4 =	simm.s32 $0x2980  }
0x1ce: {  	[hbm4b:s3+s1] =	stream.linear.scatter [tilespmem:s4], [sflag:$0x1], $0x80, $0x38;
	[tilespmem:$0x7000] =	vst v63  }
0x1cf: {  	s5 =	sadd.s32 $0x180, s14;
	s6 =	simm.s32 $0x2D80  }
0x1d0: {  	[hbm4b:s5+s1] =	stream.linear.scatter [tilespmem:s6], [sflag:$0x1], $0x80, $0x38;
	[tilespmem:$0x7000] =	vst v63  }
0x1d1: {  	s7 =	sadd.s32 $0x200, s14;
	s8 =	simm.s32 $0x3180  }
0x1d2: {  	[hbm4b:s7+s1] =	stream.linear.scatter [tilespmem:s8], [sflag:$0x1], $0x80, $0x38;
	[tilespmem:$0x7000] =	vst v63  }
0x1d3: {  	s3 =	sadd.s32 $0x280, s14;
	s4 =	simm.s32 $0x3580  }
0x1d4: {  	[hbm4b:s3+s1] =	stream.linear.scatter [tilespmem:s4], [sflag:$0x1], $0x80, $0x38;
	[tilespmem:$0x7000] =	vst v63  }
0x1d5: {  	s5 =	sadd.s32 $0x300, s14;
	s6 =	simm.s32 $0x3980  }
0x1d6: {  	[hbm4b:s5+s1] =	stream.linear.scatter [tilespmem:s6], [sflag:$0x1], $0x80, $0x38;
	[tilespmem:$0x7000] =	vst v63  }
0x1d7: {  	s7 =	sadd.s32 $0x380, s14;
	s8 =	simm.s32 $0x3D80  }
0x1d8: {  	[hbm4b:s7+s1] =	stream.linear.scatter [tilespmem:s8], [sflag:$0x1], $0x80, $0x38;
	[tilespmem:$0x7000] =	vst v63  }
0x1d9: {  	_ =	swait.ge [sflag:s26], $0x400  }
0x1da: {  	[sflag:s26] =	ssyncset.done $0x0  }
0x1db: {  	s4 =	simm.s32 $0x4180;
	[sflag:s26] =	ssyncadd.s32 $0xFFFFFC00  }
0x1dc: {  	[hbm4b:s15+s1] =	stream.linear.scatter [tilespmem:s4], [sflag:$0x1], $0x80, $0x38;
	[tilespmem:$0x7000] =	vst v63  }
0x1dd: {  	s5 =	sadd.s32 $0x80, s15;
	s6 =	simm.s32 $0x4580  }
0x1de: {  	[hbm4b:s5+s1] =	stream.linear.scatter [tilespmem:s6], [sflag:$0x1], $0x80, $0x38;
	[tilespmem:$0x7000] =	vst v63  }
0x1df: {  	s7 =	sadd.s32 $0x100, s15;
	s8 =	simm.s32 $0x4980  }
0x1e0: {  	[hbm4b:s7+s1] =	stream.linear.scatter [tilespmem:s8], [sflag:$0x1], $0x80, $0x38;
	[tilespmem:$0x7000] =	vst v63  }
0x1e1: {  	s3 =	sadd.s32 $0x180, s15;
	s4 =	simm.s32 $0x4D80  }
0x1e2: {  	[hbm4b:s3+s1] =	stream.linear.scatter [tilespmem:s4], [sflag:$0x1], $0x80, $0x38;
	[tilespmem:$0x7000] =	vst v63  }
0x1e3: {  	s5 =	sadd.s32 $0x200, s15;
	s6 =	simm.s32 $0x5180  }
0x1e4: {  	[hbm4b:s5+s1] =	stream.linear.scatter [tilespmem:s6], [sflag:$0x1], $0x80, $0x38;
	[tilespmem:$0x7000] =	vst v63  }
0x1e5: {  	s7 =	sadd.s32 $0x280, s15;
	s8 =	simm.s32 $0x5580  }
0x1e6: {  	[hbm4b:s7+s1] =	stream.linear.scatter [tilespmem:s8], [sflag:$0x1], $0x80, $0x38;
	[tilespmem:$0x7000] =	vst v63  }
0x1e7: {  	s4 =	sadd.s32 $0x300, s15;
	s5 =	simm.s32 $0x5980  }
0x1e8: {  	[hbm4b:s4+s1] =	stream.linear.scatter [tilespmem:s5], [sflag:$0x1], $0x80, $0x38;
	[tilespmem:$0x7000] =	vst v63  }
0x1e9: {  	s6 =	sadd.s32 $0x380, s15;
	s7 =	simm.s32 $0x5D80  }
0x1ea: {  	[hbm4b:s6+s1] =	stream.linear.scatter [tilespmem:s7], [sflag:$0x1], $0x80, $0x38;
	[tilespmem:$0x7000] =	vst v63  }
0x1eb: {  	_ =	swait.ge [sflag:s26], $0x400  }
0x1ec: {  	[sflag:s26] =	ssyncset.done $0x0  }
0x1ed: {  	s8 =	simm.s32 $0x2200;
	[sflag:s26] =	ssyncadd.s32 $0xFFFFFC00  }
0x1ee: {  	[hbm4b:s16+s1] =	stream.linear.scatter [tilespmem:s8], [sflag:$0x1], $0x80, $0x38;
	[tilespmem:$0x7000] =	vst v63  }
0x1ef: {  	s3 =	sadd.s32 $0x80, s16;
	s4 =	simm.s32 $0x2600  }
0x1f0: {  	[hbm4b:s3+s1] =	stream.linear.scatter [tilespmem:s4], [sflag:$0x1], $0x80, $0x38;
	[tilespmem:$0x7000] =	vst v63  }
0x1f1: {  	s5 =	sadd.s32 $0x100, s16;
	s6 =	simm.s32 $0x2A00  }
0x1f2: {  	[hbm4b:s5+s1] =	stream.linear.scatter [tilespmem:s6], [sflag:$0x1], $0x80, $0x38;
	[tilespmem:$0x7000] =	vst v63  }
0x1f3: {  	s7 =	sadd.s32 $0x180, s16;
	s8 =	simm.s32 $0x2E00  }
0x1f4: {  	[hbm4b:s7+s1] =	stream.linear.scatter [tilespmem:s8], [sflag:$0x1], $0x80, $0x38;
	[tilespmem:$0x7000] =	vst v63  }
0x1f5: {  	s3 =	sadd.s32 $0x200, s16;
	s4 =	simm.s32 $0x3200  }
0x1f6: {  	[hbm4b:s3+s1] =	stream.linear.scatter [tilespmem:s4], [sflag:$0x1], $0x80, $0x38;
	[tilespmem:$0x7000] =	vst v63  }
0x1f7: {  	s5 =	sadd.s32 $0x280, s16;
	s6 =	simm.s32 $0x3600  }
0x1f8: {  	[hbm4b:s5+s1] =	stream.linear.scatter [tilespmem:s6], [sflag:$0x1], $0x80, $0x38;
	[tilespmem:$0x7000] =	vst v63  }
0x1f9: {  	s7 =	sadd.s32 $0x300, s16;
	s8 =	simm.s32 $0x3A00  }
0x1fa: {  	[hbm4b:s7+s1] =	stream.linear.scatter [tilespmem:s8], [sflag:$0x1], $0x80, $0x38;
	[tilespmem:$0x7000] =	vst v63  }
0x1fb: {  	s4 =	sadd.s32 $0x380, s16;
	s5 =	simm.s32 $0x3E00  }
0x1fc: {  	[hbm4b:s4+s1] =	stream.linear.scatter [tilespmem:s5], [sflag:$0x1], $0x80, $0x38;
	[tilespmem:$0x7000] =	vst v63  }
0x1fd: {  	_ =	swait.ge [sflag:s26], $0x400  }
0x1fe: {  	[sflag:s26] =	ssyncset.done $0x0  }
0x1ff: {  	s6 =	simm.s32 $0x4200;
	[sflag:s26] =	ssyncadd.s32 $0xFFFFFC00  }
0x200: {  	[hbm4b:s17+s1] =	stream.linear.scatter [tilespmem:s6], [sflag:$0x1], $0x80, $0x38;
	[tilespmem:$0x7000] =	vst v63  }
0x201: {  	s7 =	sadd.s32 $0x80, s17;
	s8 =	simm.s32 $0x4600  }
0x202: {  	[hbm4b:s7+s1] =	stream.linear.scatter [tilespmem:s8], [sflag:$0x1], $0x80, $0x38;
	[tilespmem:$0x7000] =	vst v63  }
0x203: {  	s3 =	sadd.s32 $0x100, s17;
	s4 =	simm.s32 $0x4A00  }
0x204: {  	[hbm4b:s3+s1] =	stream.linear.scatter [tilespmem:s4], [sflag:$0x1], $0x80, $0x38;
	[tilespmem:$0x7000] =	vst v63  }
0x205: {  	s5 =	sadd.s32 $0x180, s17;
	s6 =	simm.s32 $0x4E00  }
0x206: {  	[hbm4b:s5+s1] =	stream.linear.scatter [tilespmem:s6], [sflag:$0x1], $0x80, $0x38;
	[tilespmem:$0x7000] =	vst v63  }
0x207: {  	s7 =	sadd.s32 $0x200, s17;
	s8 =	simm.s32 $0x5200  }
0x208: {  	[hbm4b:s7+s1] =	stream.linear.scatter [tilespmem:s8], [sflag:$0x1], $0x80, $0x38;
	[tilespmem:$0x7000] =	vst v63  }
0x209: {  	s3 =	sadd.s32 $0x280, s17;
	s4 =	simm.s32 $0x5600  }
0x20a: {  	[hbm4b:s3+s1] =	stream.linear.scatter [tilespmem:s4], [sflag:$0x1], $0x80, $0x38;
	[tilespmem:$0x7000] =	vst v63  }
0x20b: {  	s5 =	sadd.s32 $0x300, s17;
	s6 =	simm.s32 $0x5A00  }
0x20c: {  	[hbm4b:s5+s1] =	stream.linear.scatter [tilespmem:s6], [sflag:$0x1], $0x80, $0x38;
	[tilespmem:$0x7000] =	vst v63  }
0x20d: {  	s7 =	sadd.s32 $0x380, s17;
	s8 =	simm.s32 $0x5E00  }
0x20e: {  	[hbm4b:s7+s1] =	stream.linear.scatter [tilespmem:s8], [sflag:$0x1], $0x80, $0x38;
	[tilespmem:$0x7000] =	vst v63  }
0x20f: {  	_ =	swait.ge [sflag:s26], $0x400  }
0x210: {  	[sflag:s26] =	ssyncset.done $0x0  }
0x211: {  	s4 =	simm.s32 $0x2280;
	[sflag:s26] =	ssyncadd.s32 $0xFFFFFC00  }
0x212: {  	[hbm4b:s18+s1] =	stream.linear.scatter [tilespmem:s4], [sflag:$0x1], $0x80, $0x38;
	[tilespmem:$0x7000] =	vst v63  }
0x213: {  	s5 =	sadd.s32 $0x80, s18;
	s6 =	simm.s32 $0x2680  }
0x214: {  	[hbm4b:s5+s1] =	stream.linear.scatter [tilespmem:s6], [sflag:$0x1], $0x80, $0x38;
	[tilespmem:$0x7000] =	vst v63  }
0x215: {  	s7 =	sadd.s32 $0x100, s18;
	s8 =	simm.s32 $0x2A80  }
0x216: {  	[hbm4b:s7+s1] =	stream.linear.scatter [tilespmem:s8], [sflag:$0x1], $0x80, $0x38;
	[tilespmem:$0x7000] =	vst v63  }
0x217: {  	s3 =	sadd.s32 $0x180, s18;
	s4 =	simm.s32 $0x2E80  }
0x218: {  	[hbm4b:s3+s1] =	stream.linear.scatter [tilespmem:s4], [sflag:$0x1], $0x80, $0x38;
	[tilespmem:$0x7000] =	vst v63  }
0x219: {  	s5 =	sadd.s32 $0x200, s18;
	s6 =	simm.s32 $0x3280  }
0x21a: {  	[hbm4b:s5+s1] =	stream.linear.scatter [tilespmem:s6], [sflag:$0x1], $0x80, $0x38;
	[tilespmem:$0x7000] =	vst v63  }
0x21b: {  	s7 =	sadd.s32 $0x280, s18;
	s8 =	simm.s32 $0x3680  }
0x21c: {  	[hbm4b:s7+s1] =	stream.linear.scatter [tilespmem:s8], [sflag:$0x1], $0x80, $0x38;
	[tilespmem:$0x7000] =	vst v63  }
0x21d: {  	s4 =	sadd.s32 $0x300, s18;
	s5 =	simm.s32 $0x3A80  }
0x21e: {  	[hbm4b:s4+s1] =	stream.linear.scatter [tilespmem:s5], [sflag:$0x1], $0x80, $0x38;
	[tilespmem:$0x7000] =	vst v63  }
0x21f: {  	s6 =	sadd.s32 $0x380, s18;
	s7 =	simm.s32 $0x3E80  }
0x220: {  	[hbm4b:s6+s1] =	stream.linear.scatter [tilespmem:s7], [sflag:$0x1], $0x80, $0x38;
	[tilespmem:$0x7000] =	vst v63  }
0x221: {  	_ =	swait.ge [sflag:s26], $0x400  }
0x222: {  	[sflag:s26] =	ssyncset.done $0x0  }
0x223: {  	s8 =	simm.s32 $0x4280;
	[sflag:s26] =	ssyncadd.s32 $0xFFFFFC00  }
0x224: {  	[hbm4b:s19+s1] =	stream.linear.scatter [tilespmem:s8], [sflag:$0x1], $0x80, $0x38;
	[tilespmem:$0x7000] =	vst v63  }
0x225: {  	s3 =	sadd.s32 $0x80, s19;
	s4 =	simm.s32 $0x4680  }
0x226: {  	[hbm4b:s3+s1] =	stream.linear.scatter [tilespmem:s4], [sflag:$0x1], $0x80, $0x38;
	[tilespmem:$0x7000] =	vst v63  }
0x227: {  	s5 =	sadd.s32 $0x100, s19;
	s6 =	simm.s32 $0x4A80  }
0x228: {  	[hbm4b:s5+s1] =	stream.linear.scatter [tilespmem:s6], [sflag:$0x1], $0x80, $0x38;
	[tilespmem:$0x7000] =	vst v63  }
0x229: {  	s7 =	sadd.s32 $0x180, s19;
	s8 =	simm.s32 $0x4E80  }
0x22a: {  	[hbm4b:s7+s1] =	stream.linear.scatter [tilespmem:s8], [sflag:$0x1], $0x80, $0x38;
	[tilespmem:$0x7000] =	vst v63  }
0x22b: {  	s3 =	sadd.s32 $0x200, s19;
	s4 =	simm.s32 $0x5280  }
0x22c: {  	[hbm4b:s3+s1] =	stream.linear.scatter [tilespmem:s4], [sflag:$0x1], $0x80, $0x38;
	[tilespmem:$0x7000] =	vst v63  }
0x22d: {  	s5 =	sadd.s32 $0x280, s19;
	s6 =	simm.s32 $0x5680  }
0x22e: {  	[hbm4b:s5+s1] =	stream.linear.scatter [tilespmem:s6], [sflag:$0x1], $0x80, $0x38;
	[tilespmem:$0x7000] =	vst v63  }
0x22f: {  	s7 =	sadd.s32 $0x300, s19;
	s8 =	simm.s32 $0x5A80  }
0x230: {  	[hbm4b:s7+s1] =	stream.linear.scatter [tilespmem:s8], [sflag:$0x1], $0x80, $0x38;
	[tilespmem:$0x7000] =	vst v63  }
0x231: {  	s4 =	sadd.s32 $0x380, s19;
	s5 =	simm.s32 $0x5E80  }
0x232: {  	[hbm4b:s4+s1] =	stream.linear.scatter [tilespmem:s5], [sflag:$0x1], $0x80, $0x38;
	[tilespmem:$0x7000] =	vst v63  }
0x233: {  	_ =	swait.ge [sflag:s26], $0x400  }
0x234: {  	[sflag:s26] =	ssyncset.done $0x0  }
0x235: {  	s6 =	simm.s32 $0x2300;
	[sflag:s26] =	ssyncadd.s32 $0xFFFFFC00  }
0x236: {  	[hbm4b:s20+s1] =	stream.linear.scatter [tilespmem:s6], [sflag:$0x1], $0x80, $0x38;
	[tilespmem:$0x7000] =	vst v63  }
0x237: {  	s7 =	sadd.s32 $0x80, s20;
	s8 =	simm.s32 $0x2700  }
0x238: {  	[hbm4b:s7+s1] =	stream.linear.scatter [tilespmem:s8], [sflag:$0x1], $0x80, $0x38;
	[tilespmem:$0x7000] =	vst v63  }
0x239: {  	s3 =	sadd.s32 $0x100, s20;
	s4 =	simm.s32 $0x2B00  }
0x23a: {  	[hbm4b:s3+s1] =	stream.linear.scatter [tilespmem:s4], [sflag:$0x1], $0x80, $0x38;
	[tilespmem:$0x7000] =	vst v63  }
0x23b: {  	s5 =	sadd.s32 $0x180, s20;
	s6 =	simm.s32 $0x2F00  }
0x23c: {  	[hbm4b:s5+s1] =	stream.linear.scatter [tilespmem:s6], [sflag:$0x1], $0x80, $0x38;
	[tilespmem:$0x7000] =	vst v63  }
0x23d: {  	s7 =	sadd.s32 $0x200, s20;
	s8 =	simm.s32 $0x3300  }
0x23e: {  	[hbm4b:s7+s1] =	stream.linear.scatter [tilespmem:s8], [sflag:$0x1], $0x80, $0x38;
	[tilespmem:$0x7000] =	vst v63  }
0x23f: {  	s3 =	sadd.s32 $0x280, s20;
	s4 =	simm.s32 $0x3700  }
0x240: {  	[hbm4b:s3+s1] =	stream.linear.scatter [tilespmem:s4], [sflag:$0x1], $0x80, $0x38;
	[tilespmem:$0x7000] =	vst v63  }
0x241: {  	s5 =	sadd.s32 $0x300, s20;
	s6 =	simm.s32 $0x3B00  }
0x242: {  	[hbm4b:s5+s1] =	stream.linear.scatter [tilespmem:s6], [sflag:$0x1], $0x80, $0x38;
	[tilespmem:$0x7000] =	vst v63  }
0x243: {  	s7 =	sadd.s32 $0x380, s20;
	s8 =	simm.s32 $0x3F00  }
0x244: {  	[hbm4b:s7+s1] =	stream.linear.scatter [tilespmem:s8], [sflag:$0x1], $0x80, $0x38;
	[tilespmem:$0x7000] =	vst v63  }
0x245: {  	_ =	swait.ge [sflag:s26], $0x400  }
0x246: {  	[sflag:s26] =	ssyncset.done $0x0  }
0x247: {  	s4 =	simm.s32 $0x4300;
	[sflag:s26] =	ssyncadd.s32 $0xFFFFFC00  }
0x248: {  	[hbm4b:s21+s1] =	stream.linear.scatter [tilespmem:s4], [sflag:$0x1], $0x80, $0x38;
	[tilespmem:$0x7000] =	vst v63  }
0x249: {  	s5 =	sadd.s32 $0x80, s21;
	s6 =	simm.s32 $0x4700  }
0x24a: {  	[hbm4b:s5+s1] =	stream.linear.scatter [tilespmem:s6], [sflag:$0x1], $0x80, $0x38;
	[tilespmem:$0x7000] =	vst v63  }
0x24b: {  	s7 =	sadd.s32 $0x100, s21;
	s8 =	simm.s32 $0x4B00  }
0x24c: {  	[hbm4b:s7+s1] =	stream.linear.scatter [tilespmem:s8], [sflag:$0x1], $0x80, $0x38;
	[tilespmem:$0x7000] =	vst v63  }
0x24d: {  	s3 =	sadd.s32 $0x180, s21;
	s4 =	simm.s32 $0x4F00  }
0x24e: {  	[hbm4b:s3+s1] =	stream.linear.scatter [tilespmem:s4], [sflag:$0x1], $0x80, $0x38;
	[tilespmem:$0x7000] =	vst v63  }
0x24f: {  	s5 =	sadd.s32 $0x200, s21;
	s6 =	simm.s32 $0x5300  }
0x250: {  	[hbm4b:s5+s1] =	stream.linear.scatter [tilespmem:s6], [sflag:$0x1], $0x80, $0x38;
	[tilespmem:$0x7000] =	vst v63  }
0x251: {  	s7 =	sadd.s32 $0x280, s21;
	s8 =	simm.s32 $0x5700  }
0x252: {  	[hbm4b:s7+s1] =	stream.linear.scatter [tilespmem:s8], [sflag:$0x1], $0x80, $0x38;
	[tilespmem:$0x7000] =	vst v63  }
0x253: {  	s4 =	sadd.s32 $0x300, s21;
	s5 =	simm.s32 $0x5B00  }
0x254: {  	[hbm4b:s4+s1] =	stream.linear.scatter [tilespmem:s5], [sflag:$0x1], $0x80, $0x38;
	[tilespmem:$0x7000] =	vst v63  }
0x255: {  	s6 =	sadd.s32 $0x380, s21;
	s7 =	simm.s32 $0x5F00  }
0x256: {  	[hbm4b:s6+s1] =	stream.linear.scatter [tilespmem:s7], [sflag:$0x1], $0x80, $0x38;
	[tilespmem:$0x7000] =	vst v63  }
0x257: {  	_ =	swait.ge [sflag:s26], $0x400  }
0x258: {  	[sflag:s26] =	ssyncset.done $0x0  }
0x259: {  	s8 =	simm.s32 $0x2380;
	[sflag:s26] =	ssyncadd.s32 $0xFFFFFC00  }
0x25a: {  	[hbm4b:s23+s1] =	stream.linear.scatter [tilespmem:s8], [sflag:$0x1], $0x80, $0x38;
	[tilespmem:$0x7000] =	vst v63  }
0x25b: {  	s3 =	sadd.s32 $0x80, s23;
	s4 =	simm.s32 $0x2780  }
0x25c: {  	[hbm4b:s3+s1] =	stream.linear.scatter [tilespmem:s4], [sflag:$0x1], $0x80, $0x38;
	[tilespmem:$0x7000] =	vst v63  }
0x25d: {  	s5 =	sadd.s32 $0x100, s23;
	s6 =	simm.s32 $0x2B80  }
0x25e: {  	[hbm4b:s5+s1] =	stream.linear.scatter [tilespmem:s6], [sflag:$0x1], $0x80, $0x38;
	[tilespmem:$0x7000] =	vst v63  }
0x25f: {  	s7 =	sadd.s32 $0x180, s23;
	s8 =	simm.s32 $0x2F80  }
0x260: {  	[hbm4b:s7+s1] =	stream.linear.scatter [tilespmem:s8], [sflag:$0x1], $0x80, $0x38;
	[tilespmem:$0x7000] =	vst v63  }
0x261: {  	s3 =	sadd.s32 $0x200, s23;
	s4 =	simm.s32 $0x3380  }
0x262: {  	[hbm4b:s3+s1] =	stream.linear.scatter [tilespmem:s4], [sflag:$0x1], $0x80, $0x38;
	[tilespmem:$0x7000] =	vst v63  }
0x263: {  	s5 =	sadd.s32 $0x280, s23;
	s6 =	simm.s32 $0x3780  }
0x264: {  	[hbm4b:s5+s1] =	stream.linear.scatter [tilespmem:s6], [sflag:$0x1], $0x80, $0x38;
	[tilespmem:$0x7000] =	vst v63  }
0x265: {  	s7 =	sadd.s32 $0x300, s23;
	s8 =	simm.s32 $0x3B80  }
0x266: {  	[hbm4b:s7+s1] =	stream.linear.scatter [tilespmem:s8], [sflag:$0x1], $0x80, $0x38;
	[tilespmem:$0x7000] =	vst v63  }
0x267: {  	s4 =	sadd.s32 $0x380, s23;
	s5 =	simm.s32 $0x3F80  }
0x268: {  	[hbm4b:s4+s1] =	stream.linear.scatter [tilespmem:s5], [sflag:$0x1], $0x80, $0x38;
	[tilespmem:$0x7000] =	vst v63  }
0x269: {  	_ =	swait.ge [sflag:s26], $0x400  }
0x26a: {  	[sflag:s26] =	ssyncset.done $0x0  }
0x26b: {  	s6 =	simm.s32 $0x4380;
	[sflag:s26] =	ssyncadd.s32 $0xFFFFFC00  }
0x26c: {  	[hbm4b:s24+s1] =	stream.linear.scatter [tilespmem:s6], [sflag:$0x1], $0x80, $0x38;
	[tilespmem:$0x7000] =	vst v63  }
0x26d: {  	s7 =	sadd.s32 $0x80, s24;
	s8 =	simm.s32 $0x4780  }
0x26e: {  	[hbm4b:s7+s1] =	stream.linear.scatter [tilespmem:s8], [sflag:$0x1], $0x80, $0x38;
	[tilespmem:$0x7000] =	vst v63  }
0x26f: {  	s3 =	sadd.s32 $0x100, s24;
	s4 =	simm.s32 $0x4B80  }
0x270: {  	[hbm4b:s3+s1] =	stream.linear.scatter [tilespmem:s4], [sflag:$0x1], $0x80, $0x38;
	[tilespmem:$0x7000] =	vst v63  }
0x271: {  	s5 =	sadd.s32 $0x180, s24;
	s6 =	simm.s32 $0x4F80  }
0x272: {  	[hbm4b:s5+s1] =	stream.linear.scatter [tilespmem:s6], [sflag:$0x1], $0x80, $0x38;
	[tilespmem:$0x7000] =	vst v63  }
0x273: {  	s7 =	sadd.s32 $0x200, s24;
	s8 =	simm.s32 $0x5380  }
0x274: {  	[hbm4b:s7+s1] =	stream.linear.scatter [tilespmem:s8], [sflag:$0x1], $0x80, $0x38;
	[tilespmem:$0x7000] =	vst v63  }
0x275: {  	s3 =	sadd.s32 $0x280, s24;
	s4 =	simm.s32 $0x5780  }
0x276: {  	[hbm4b:s3+s1] =	stream.linear.scatter [tilespmem:s4], [sflag:$0x1], $0x80, $0x38;
	[tilespmem:$0x7000] =	vst v63  }
0x277: {  	s5 =	sadd.s32 $0x300, s24;
	s6 =	simm.s32 $0x5B80  }
0x278: {  	[hbm4b:s5+s1] =	stream.linear.scatter [tilespmem:s6], [sflag:$0x1], $0x80, $0x38;
	[tilespmem:$0x7000] =	vst v63  }
0x279: {  	s7 =	sadd.s32 $0x380, s24;
	s8 =	simm.s32 $0x5F80  }
0x27a: {  	[hbm4b:s7+s1] =	stream.linear.scatter [tilespmem:s8], [sflag:$0x1], $0x80, $0x38;
	[tilespmem:$0x7000] =	vst v63  }
0x27b: {  	_ =	swait.ge [sflag:s26], $0x400  }
0x27c: {  	[sflag:s26] =	ssyncset.done $0x0  }
0x27d: {  	s4 =	simm.s32 $0x6000;
	[sflag:s26] =	ssyncadd.s32 $0xFFFFFC00  }
0x27e: {  	[hbm4b:s28+s1] =	stream.linear.scatter [tilespmem:s4], [sflag:$0x1], $0x80, $0x38;
	[tilespmem:$0x7000] =	vst v63  }
0x27f: {  	s5 =	sadd.s32 $0x20, s28;
	s6 =	simm.s32 $0x6100  }
0x280: {  	[hbm4b:s5+s1] =	stream.linear.scatter [tilespmem:s6], [sflag:$0x1], $0x80, $0x38;
	[tilespmem:$0x7000] =	vst v63  }
0x281: {  	s7 =	sadd.s32 $0x40, s28;
	s8 =	simm.s32 $0x6200  }
0x282: {  	[hbm4b:s7+s1] =	stream.linear.scatter [tilespmem:s8], [sflag:$0x1], $0x80, $0x38;
	[tilespmem:$0x7000] =	vst v63  }
0x283: {  	s3 =	sadd.s32 $0x60, s28;
	s4 =	simm.s32 $0x6300  }
0x284: {  	[hbm4b:s3+s1] =	stream.linear.scatter [tilespmem:s4], [sflag:$0x1], $0x80, $0x38;
	[tilespmem:$0x7000] =	vst v63  }
0x285: {  	s5 =	sadd.s32 $0x80, s28;
	s6 =	simm.s32 $0x6400  }
0x286: {  	[hbm4b:s5+s1] =	stream.linear.scatter [tilespmem:s6], [sflag:$0x1], $0x80, $0x38;
	[tilespmem:$0x7000] =	vst v63  }
0x287: {  	s7 =	sadd.s32 $0xA0, s28;
	s8 =	simm.s32 $0x6500  }
0x288: {  	[hbm4b:s7+s1] =	stream.linear.scatter [tilespmem:s8], [sflag:$0x1], $0x80, $0x38;
	[tilespmem:$0x7000] =	vst v63  }
0x289: {  	s4 =	sadd.s32 $0xC0, s28;
	s5 =	simm.s32 $0x6600  }
0x28a: {  	[hbm4b:s4+s1] =	stream.linear.scatter [tilespmem:s5], [sflag:$0x1], $0x80, $0x38;
	[tilespmem:$0x7000] =	vst v63  }
0x28b: {  	s6 =	sadd.s32 $0xE0, s28;
	s7 =	simm.s32 $0x6700  }
0x28c: {  	[hbm4b:s6+s1] =	stream.linear.scatter [tilespmem:s7], [sflag:$0x1], $0x80, $0x38;
	[tilespmem:$0x7000] =	vst v63  }
0x28d: {  	_ =	swait.ge [sflag:s26], $0x400  }
0x28e: {  	[sflag:s26] =	ssyncset.done $0x0  }
0x28f: {  	s8 =	simm.s32 $0x6800;
	[sflag:s26] =	ssyncadd.s32 $0xFFFFFC00  }
0x290: {  	[hbm4b:s29+s1] =	stream.linear.scatter [tilespmem:s8], [sflag:$0x1], $0x80, $0x38;
	[tilespmem:$0x7000] =	vst v63  }
0x291: {  	s3 =	sadd.s32 $0x20, s29;
	s4 =	simm.s32 $0x6900  }
0x292: {  	[hbm4b:s3+s1] =	stream.linear.scatter [tilespmem:s4], [sflag:$0x1], $0x80, $0x38;
	[tilespmem:$0x7000] =	vst v63  }
0x293: {  	s5 =	sadd.s32 $0x40, s29;
	s6 =	simm.s32 $0x6A00  }
0x294: {  	[hbm4b:s5+s1] =	stream.linear.scatter [tilespmem:s6], [sflag:$0x1], $0x80, $0x38;
	[tilespmem:$0x7000] =	vst v63  }
0x295: {  	s7 =	sadd.s32 $0x60, s29;
	s8 =	simm.s32 $0x6B00  }
0x296: {  	[hbm4b:s7+s1] =	stream.linear.scatter [tilespmem:s8], [sflag:$0x1], $0x80, $0x38;
	[tilespmem:$0x7000] =	vst v63  }
0x297: {  	s3 =	sadd.s32 $0x80, s29;
	s4 =	simm.s32 $0x6C00  }
0x298: {  	[hbm4b:s3+s1] =	stream.linear.scatter [tilespmem:s4], [sflag:$0x1], $0x80, $0x38;
	[tilespmem:$0x7000] =	vst v63  }
0x299: {  	s5 =	sadd.s32 $0xA0, s29;
	s6 =	simm.s32 $0x6D00  }
0x29a: {  	[hbm4b:s5+s1] =	stream.linear.scatter [tilespmem:s6], [sflag:$0x1], $0x80, $0x38;
	[tilespmem:$0x7000] =	vst v63  }
0x29b: {  	s7 =	sadd.s32 $0xC0, s29;
	s8 =	simm.s32 $0x6E00  }
0x29c: {  	[hbm4b:s7+s1] =	stream.linear.scatter [tilespmem:s8], [sflag:$0x1], $0x80, $0x38;
	[tilespmem:$0x7000] =	vst v63  }
0x29d: {  	s4 =	sadd.s32 $0xE0, s29;
	s5 =	simm.s32 $0x6F00  }
0x29e: {  	[hbm4b:s4+s1] =	stream.linear.scatter [tilespmem:s5], [sflag:$0x1], $0x80, $0x38;
	[tilespmem:$0x7000] =	vst v63  }
0x29f: {  	_ =	swait.ge [sflag:s26], $0x400  }
0x2a0: {  	[sflag:s26] =	ssyncset.done $0x0  }
0x2a1: {  	s6 =	simm.s32 $0x6080;
	[sflag:s26] =	ssyncadd.s32 $0xFFFFFC00  }
0x2a2: {  	[hbm4b:s30+s1] =	stream.linear.scatter [tilespmem:s6], [sflag:$0x1], $0x80, $0x38;
	[tilespmem:$0x7000] =	vst v63  }
0x2a3: {  	s7 =	sadd.s32 $0x20, s30;
	s8 =	simm.s32 $0x6180  }
0x2a4: {  	[hbm4b:s7+s1] =	stream.linear.scatter [tilespmem:s8], [sflag:$0x1], $0x80, $0x38;
	[tilespmem:$0x7000] =	vst v63  }
0x2a5: {  	s3 =	sadd.s32 $0x40, s30;
	s4 =	simm.s32 $0x6280  }
0x2a6: {  	[hbm4b:s3+s1] =	stream.linear.scatter [tilespmem:s4], [sflag:$0x1], $0x80, $0x38;
	[tilespmem:$0x7000] =	vst v63  }
0x2a7: {  	s5 =	sadd.s32 $0x60, s30;
	s6 =	simm.s32 $0x6380  }
0x2a8: {  	[hbm4b:s5+s1] =	stream.linear.scatter [tilespmem:s6], [sflag:$0x1], $0x80, $0x38;
	[tilespmem:$0x7000] =	vst v63  }
0x2a9: {  	s7 =	sadd.s32 $0x80, s30;
	s8 =	simm.s32 $0x6480  }
0x2aa: {  	[hbm4b:s7+s1] =	stream.linear.scatter [tilespmem:s8], [sflag:$0x1], $0x80, $0x38;
	[tilespmem:$0x7000] =	vst v63  }
0x2ab: {  	s3 =	sadd.s32 $0xA0, s30;
	s4 =	simm.s32 $0x6580  }
0x2ac: {  	[hbm4b:s3+s1] =	stream.linear.scatter [tilespmem:s4], [sflag:$0x1], $0x80, $0x38;
	[tilespmem:$0x7000] =	vst v63  }
0x2ad: {  	s5 =	sadd.s32 $0xC0, s30;
	s6 =	simm.s32 $0x6680  }
0x2ae: {  	[hbm4b:s5+s1] =	stream.linear.scatter [tilespmem:s6], [sflag:$0x1], $0x80, $0x38;
	[tilespmem:$0x7000] =	vst v63  }
0x2af: {  	s7 =	sadd.s32 $0xE0, s30;
	s8 =	simm.s32 $0x6780  }
0x2b0: {  	[hbm4b:s7+s1] =	stream.linear.scatter [tilespmem:s8], [sflag:$0x1], $0x80, $0x38;
	[tilespmem:$0x7000] =	vst v63  }
0x2b1: {  	_ =	swait.ge [sflag:s26], $0x400  }
0x2b2: {  	[sflag:s26] =	ssyncset.done $0x0  }
0x2b3: {  	s4 =	simm.s32 $0x6880;
	[sflag:s26] =	ssyncadd.s32 $0xFFFFFC00  }
0x2b4: {  	[hbm4b:s31+s1] =	stream.linear.scatter [tilespmem:s4], [sflag:$0x1], $0x80, $0x38;
	[tilespmem:$0x7000] =	vst v63  }
0x2b5: {  	s5 =	sadd.s32 $0x20, s31;
	s6 =	simm.s32 $0x6980  }
0x2b6: {  	[hbm4b:s5+s1] =	stream.linear.scatter [tilespmem:s6], [sflag:$0x1], $0x80, $0x38;
	[tilespmem:$0x7000] =	vst v63  }
0x2b7: {  	s7 =	sadd.s32 $0x40, s31;
	s8 =	simm.s32 $0x6A80  }
0x2b8: {  	[hbm4b:s7+s1] =	stream.linear.scatter [tilespmem:s8], [sflag:$0x1], $0x80, $0x38;
	[tilespmem:$0x7000] =	vst v63  }
0x2b9: {  	s3 =	sadd.s32 $0x60, s31;
	s4 =	simm.s32 $0x6B80  }
0x2ba: {  	[hbm4b:s3+s1] =	stream.linear.scatter [tilespmem:s4], [sflag:$0x1], $0x80, $0x38;
	[tilespmem:$0x7000] =	vst v63  }
0x2bb: {  	s5 =	sadd.s32 $0x80, s31;
	s6 =	simm.s32 $0x6C80  }
0x2bc: {  	[hbm4b:s5+s1] =	stream.linear.scatter [tilespmem:s6], [sflag:$0x1], $0x80, $0x38;
	[tilespmem:$0x7000] =	vst v63  }
0x2bd: {  	s7 =	sadd.s32 $0xA0, s31;
	s8 =	simm.s32 $0x6D80  }
0x2be: {  	[hbm4b:s7+s1] =	stream.linear.scatter [tilespmem:s8], [sflag:$0x1], $0x80, $0x38;
	[tilespmem:$0x7000] =	vst v63  }
0x2bf: {  	s4 =	sadd.s32 $0xC0, s31;
	s5 =	simm.s32 $0x6E80  }
0x2c0: {  	[hbm4b:s4+s1] =	stream.linear.scatter [tilespmem:s5], [sflag:$0x1], $0x80, $0x38;
	[tilespmem:$0x7000] =	vst v63  }
0x2c1: {  	s6 =	sadd.s32 $0xE0, s31;
	s7 =	simm.s32 $0x6F80  }
0x2c2: {  	[hbm4b:s6+s1] =	stream.linear.scatter [tilespmem:s7], [sflag:$0x1], $0x80, $0x38;
	[tilespmem:$0x7000] =	vst v63  }
0x2c3: {  	_ =	swait.ge [sflag:s26], $0x400  }
0x2c4: {  	s0 =	sadd.s32 $0x1, s0;
	s8 =	rddreg [dreg:$0xd]  }
0x2c5: {  	p0 =	sne.s32 s0, s8  }
.Ltmp1:
0x2c6: {  	_ = 	snop;
	(pc) =	sbr.rel @p0 .LBB2_1-.Ltmp1, $3  }
0x2c7: {  	_ =	sdelay $0x1  }
0x2c8: {  	[sflag:s26] =	ssyncset.done $0x0  }
0x2c9: {  	[sflag:s26] =	ssyncadd.s32 $0xFFFFFC00  }
0x2ca: {  	_ =	sfence.sel $0x180000  }
0x2cb: {  	[bflag:$0x0] =	sbarrier.arrive $0xFFFF  }
0x2cc: {  	_ =	strace $0x90000047  }
0x2cd: {  	s0 =	stileid.u32;
	[bflag:$0x2] =	sbarrier.arrive $0xFFFF  }
0x2ce: {  	p0 =	sne.s32 s0, $0x0;
	s0 =	rddreg [dreg:$0x5]  }
0x2cf: {  	s0 =	sadd.s32 @!p0 $0x100000, s0  }
0x2d0: {  	[sflag:s0] =	ssyncadd.tile.s32 @!p0 $0x1;
	_ =	shalt  }
.Lfunc_end2:
_tile_overlayer_lowered:
.L_overlay_start_2:
0x2d1: {  	(tag) =	ssettag $0x2  }
0x2d2: {  	s0 =	rddreg [dreg:$0x0];
	s2 =	stileid.u32  }
0x2d3: {  	s1 =	rddreg [dreg:$0x1];
	p0 =	sne.s32 s2, $0x0  }
0x2d4: {  	s3 =	rddreg [dreg:$0x2];
	[bflag:$0x3] =	sbarrier.arrive $0xFFFF;
	s2 =	simm.s32 @!p0 $0x1C01  }
0x2d5: {  	[timem:s3], [sflag:s2] =	dma.local @!p0 [hbm:s0], s1  }
0x2d6: {  	s0 =	simm.s32 @!p0 $0x1  }
0x2d7: {  	_ =	swait.ge @!p0 [sflag:s0], s1  }
0x2d8: {  	s1 =	ssub.s32 @!p0 $0x0, s1;
	[sflag:s0] =	ssyncset.done @!p0 $0x0  }
0x2d9: {  	[sflag:s0] =	ssyncadd.s32 @!p0 s1  }
0x2da: {  	[bflag:$0x3] =	sbarrier.arrive $0xFFFF  }
0x2db: {  	_ =	shalt  }

</sc_bundles>
